<compile_context>
chip_gen: v7x
topology: tpu7x:2x2x1
jax: 0.10.2.dev20260603
libtpu: 0.0.44.dev20260713+nightly
codegen_flags: <defaults>
</compile_context>

<pallas_src>
import functools

import jax
import jax.numpy as jnp
from jax import lax
from jax.experimental import pallas as pl
from jax.experimental.pallas import tpu as pltpu
from jax.experimental.pallas import tpu_sc as plsc

N = 10000
E = 160000
D = 128
A = 4

_BN = 1000
_BE = 4000

_NC = 2
_NS = 16
_NW = _NC * _NS
_CH = 128
_EPW = E // _NW
_NFULL = _EPW // _CH
_TAIL = _EPW - _NFULL * _CH
_NIDX = _NFULL + 1
_RPT = 632
_NPAD = _RPT * _NS


def _silu(v):
    return v * jax.nn.sigmoid(v)


def _zmul(attr, x):
    return jnp.concatenate([attr[:, j:j + 1] * x for j in range(A)], axis=1)


def _wc(W):
    return W.transpose(2, 1, 0).reshape(W.shape[2] * W.shape[1], W.shape[0])



def _emb_body(x_ref, na_ref, w_ref, b_ref, o_ref):
    z = _zmul(na_ref[...], x_ref[...])
    o_ref[...] = jnp.dot(z, w_ref[...], preferred_element_type=jnp.float32) + b_ref[...]


def _edge_body(g_ref, ea_ref, w1_ref, b1_ref, w2_ref, b2_ref, o_ref):
    ea = ea_ref[...]
    xcat = jnp.concatenate([g_ref[0], g_ref[1]], axis=1)
    z1 = _zmul(ea, xcat).astype(jnp.bfloat16)
    m = _silu(jnp.dot(z1, w1_ref[...],
                      preferred_element_type=jnp.float32) + b1_ref[...])
    z2 = _zmul(ea, m).astype(jnp.bfloat16)
    o_ref[...] = _silu(jnp.dot(z2, w2_ref[...],
                               preferred_element_type=jnp.float32) + b2_ref[...])


def _update_body(h_ref, p_ref, na_ref, w1_ref, b1_ref, w2_ref, b2_ref,
                 o_ref):
    na = na_ref[...]
    h = h_ref[...]
    hcat = jnp.concatenate([h, p_ref[0] + p_ref[1]], axis=1)
    u = _silu(jnp.dot(_zmul(na, hcat), w1_ref[...],
                      preferred_element_type=jnp.float32) + b1_ref[...])
    o_ref[...] = h + jnp.dot(_zmul(na, u), w2_ref[...],
                             preferred_element_type=jnp.float32) + b2_ref[...]


def _update_head_body(h_ref, p_ref, na_ref, wu1_ref, bu1_ref, wu2_ref,
                      bu2_ref, wp1_ref, bp1_ref, wp2_ref, bp2_ref, o_ref):
    na = na_ref[...]
    h = h_ref[...]
    hcat = jnp.concatenate([h, p_ref[0] + p_ref[1]], axis=1)
    u = _silu(jnp.dot(_zmul(na, hcat), wu1_ref[...],
                      preferred_element_type=jnp.float32) + bu1_ref[...])
    hn = h + jnp.dot(_zmul(na, u), wu2_ref[...],
                     preferred_element_type=jnp.float32) + bu2_ref[...]
    v = _silu(jnp.dot(_zmul(na, hn), wp1_ref[...],
                      preferred_element_type=jnp.float32) + bp1_ref[...])
    o_ref[...] = jnp.dot(_zmul(na, v), wp2_ref[...],
                         preferred_element_type=jnp.float32) + bp2_ref[...]



_SC_MESH = plsc.VectorSubcoreMesh(core_axis_name="c", subcore_axis_name="s")


@functools.partial(
    pl.kernel,
    out_type=jax.ShapeDtypeStruct((_NC, _NPAD, D), jnp.float32),
    mesh=_SC_MESH,
    scratch_types=[
        pltpu.VMEM((_NIDX, _CH), jnp.int32),
        pltpu.VMEM((_CH, D), jnp.float32),
        pltpu.VMEM((_CH, D), jnp.float32),
        pltpu.VMEM_SHARED((_NPAD, D), jnp.float32),
        pltpu.SemaphoreType.DMA,
        pltpu.SemaphoreType.DMA,
    ],
)
def _scatter_sc(m2_hbm, idx_hbm, zeros_hbm, out_hbm, idx_v, buf0, buf1,
                shared, sem0, sem1):
    c = lax.axis_index("c")
    s = lax.axis_index("s")
    w = c * _NS + s
    pltpu.sync_copy(idx_hbm.at[w], idx_v)
    pltpu.sync_copy(zeros_hbm.at[pl.ds(s * _RPT, _RPT)],
                    shared.at[pl.ds(s * _RPT, _RPT)])
    plsc.subcore_barrier()
    base = w * _EPW
    dummy = m2_hbm.at[pl.ds(0, _CH)]
    pltpu.async_copy(m2_hbm.at[pl.ds(base, _CH)], buf0, sem0)

    def body(g, carry):
        t0 = 2 * g
        pltpu.make_async_copy(dummy, buf0, sem0).wait()
        pltpu.async_copy(m2_hbm.at[pl.ds(base + (t0 + 1) * _CH, _CH)],
                         buf1, sem1)
        pltpu.sync_copy(buf0, shared.at[idx_v.at[t0]], add=True)
        pltpu.make_async_copy(dummy, buf1, sem1).wait()
        pltpu.async_copy(m2_hbm.at[pl.ds(base + (t0 + 2) * _CH, _CH)],
                         buf0, sem0)
        pltpu.sync_copy(buf1, shared.at[idx_v.at[t0 + 1]], add=True)
        return carry

    lax.fori_loop(0, (_NFULL - 1) // 2, body, 0)
    pltpu.make_async_copy(dummy, buf0, sem0).wait()
    pltpu.sync_copy(buf0, shared.at[idx_v.at[_NFULL - 1]], add=True)
    pltpu.sync_copy(m2_hbm.at[pl.ds(base + _NFULL * _CH, _TAIL)],
                    buf1.at[pl.ds(0, _TAIL)])
    pltpu.sync_copy(buf1, shared.at[idx_v.at[_NFULL]], add=True)
    plsc.subcore_barrier()
    pltpu.sync_copy(shared.at[pl.ds(s * _RPT, _RPT)],
                    out_hbm.at[c].at[pl.ds(s * _RPT, _RPT)])




@functools.partial(
    pl.kernel,
    out_type=jax.ShapeDtypeStruct((2, E, D), jnp.float32),
    mesh=_SC_MESH,
    scratch_types=[
        pltpu.VMEM((2 * _NIDX, _CH), jnp.int32),
        pltpu.VMEM((_CH, D), jnp.float32),
        pltpu.VMEM((_CH, D), jnp.float32),
        pltpu.VMEM_SHARED((_NPAD, D), jnp.float32),
        pltpu.SemaphoreType.DMA,
        pltpu.SemaphoreType.DMA,
    ],
)
def _gather_sc(h_hbm, gidx_hbm, out_hbm, idx_v, buf0, buf1, table, sem0, sem1):
    c = lax.axis_index("c")
    s = lax.axis_index("s")
    w = c * _NS + s
    pltpu.sync_copy(gidx_hbm.at[0, w], idx_v.at[pl.ds(0, _NIDX)])
    pltpu.sync_copy(gidx_hbm.at[1, w], idx_v.at[pl.ds(_NIDX, _NIDX)])
    pltpu.sync_copy(h_hbm.at[pl.ds(s * _RPT, _RPT)],
                    table.at[pl.ds(s * _RPT, _RPT)])
    plsc.subcore_barrier()
    wbase = w * _EPW
    dummy = h_hbm.at[pl.ds(0, _CH)]

    for k in range(2):
        rb = k * _NIDX
        pltpu.async_copy(table.at[idx_v.at[rb]], buf0, sem0)

        def body(g, carry, rb=rb, k=k):
            t0 = 2 * g
            pltpu.make_async_copy(dummy, buf0, sem0).wait()
            pltpu.async_copy(table.at[idx_v.at[rb + t0 + 1]], buf1, sem1)
            pltpu.sync_copy(buf0, out_hbm.at[k].at[pl.ds(wbase + t0 * _CH, _CH)])
            pltpu.make_async_copy(dummy, buf1, sem1).wait()
            pltpu.async_copy(table.at[idx_v.at[rb + t0 + 2]], buf0, sem0)
            pltpu.sync_copy(buf1,
                            out_hbm.at[k].at[pl.ds(wbase + (t0 + 1) * _CH, _CH)])
            return carry

        lax.fori_loop(0, (_NFULL - 1) // 2, body, 0)
        pltpu.make_async_copy(dummy, buf0, sem0).wait()
        pltpu.sync_copy(buf0,
                        out_hbm.at[k].at[pl.ds(wbase + (_NFULL - 1) * _CH, _CH)])
        pltpu.sync_copy(table.at[idx_v.at[rb + _NFULL]], buf1)
        pltpu.sync_copy(buf1.at[pl.ds(0, _TAIL)],
                        out_hbm.at[k].at[pl.ds(wbase + _NFULL * _CH, _TAIL)])


def _row_spec(bn, f):
    return pl.BlockSpec((bn, f), lambda i: (i, 0))


def _const_spec(shape):
    return pl.BlockSpec(shape, lambda i: tuple(0 for _ in shape))


def _stack_spec(k, bn, f):
    return pl.BlockSpec((k, bn, f), lambda i: (0, i, 0))


def _call_rows(body, n, bn, ins, row_widths, consts, out_width, n_out=None):
    grid = n // bn
    in_specs = ([_stack_spec(w[0], bn, w[1]) if isinstance(w, tuple)
                 else _row_spec(bn, w) for w in row_widths]
                + [_const_spec(c.shape) for c in consts])
    return pl.pallas_call(
        body,
        grid=(grid,),
        in_specs=in_specs,
        out_specs=_row_spec(bn, out_width),
        out_shape=jax.ShapeDtypeStruct((n_out or n, out_width), jnp.float32),
    )(*ins, *consts)


def kernel(x, edge_index, edge_attr, node_attr, batch, W_emb, b_emb,
           Wm1, bm1, Wm2, bm2, Wu1, bu1, Wu2, bu2, Wp1, bp1, Wp2, bp2):
    L = Wm1.shape[0]
    na = node_attr.at[:, 0].set(1.0)
    src = edge_index[0]
    dst = edge_index[1]

    npad_i = _NIDX * _CH - _EPW
    trash = N + (jnp.arange(_NW * npad_i, dtype=jnp.int32)
                 % (_NPAD - N)).reshape(_NW, npad_i)
    scat_idx = jnp.concatenate(
        [dst.reshape(_NW, _EPW), trash], axis=1).reshape(_NW, _NIDX, _CH)
    gpad = (jnp.arange(_NW * npad_i, dtype=jnp.int32)
            % (_NPAD - N)).reshape(_NW, npad_i)
    gidx = jnp.stack([
        jnp.concatenate([dst.reshape(_NW, _EPW), gpad], axis=1),
        jnp.concatenate([src.reshape(_NW, _EPW), gpad], axis=1),
    ]).reshape(2, _NW, _NIDX, _CH)
    zeros_np = jnp.zeros((_NPAD, D), jnp.float32)

    w_emb = _wc(W_emb)
    b_embr = b_emb.reshape(1, D)

    h = _call_rows(_emb_body, N, _BN, [x, na], [D, A], [w_emb, b_embr], D,
                   n_out=_NPAD)

    for l in range(L):
        w1 = _wc(Wm1[l]).astype(jnp.bfloat16)
        b1 = bm1[l].reshape(1, D)
        w2 = _wc(Wm2[l]).astype(jnp.bfloat16)
        b2 = bm2[l].reshape(1, D)
        wu1 = _wc(Wu1[l])
        bu1r = bu1[l].reshape(1, D)
        wu2 = _wc(Wu2[l])
        bu2r = bu2[l].reshape(1, D)

        g = _gather_sc(h, gidx)
        m2 = _call_rows(_edge_body, E, _BE, [g, edge_attr], [(2, D), A],
                        [w1, b1, w2, b2], D)
        parts = _scatter_sc(m2, scat_idx, zeros_np)
        if l < L - 1:
            h = _call_rows(_update_body, N, _BN, [h, parts, na],
                           [D, (2, D), A], [wu1, bu1r, wu2, bu2r], D,
                           n_out=_NPAD)
        else:
            wp1 = _wc(Wp1)
            wp2 = _wc(Wp2)
            h = _call_rows(_update_head_body, N, _BN, [h, parts, na],
                           [D, (2, D), A],
                           [wu1, bu1r, wu2, bu2r,
                            wp1, bp1.reshape(1, D), wp2, bp2.reshape(1, D)],
                           D)
    return h

# --- scband reference (transcript-rebuilt; emitter-appended) ---
"""Pipeline reference for scband-segnn-64725157151340 (READ-ONLY COPY).

The authoritative reference and input builder live on the scoring server;
editing this copy changes nothing except your own understanding.
"""

import jax, jax.numpy as jnp
import numpy as np

N = 10000
E = 160000
D = 128
A = 4
L = 2


def _bil(x, attr, W, b):
    # O3TensorProduct specialized to scalar irreps: fully-connected bilinear
    # tensor product between features and (node/edge) attributes, plus bias.
    return jnp.einsum('ni,nj,kij->nk', x, attr, W) + b


def setup_inputs(seed: int = 0) -> dict:
    key = jax.random.key(seed)
    ks = jax.random.split(key, 16)
    s1 = 1.0 / np.sqrt(D * A)
    s2 = 1.0 / np.sqrt(2 * D * A)
    inp = {}
    inp['x'] = jax.random.normal(ks[0], (N, D), dtype=jnp.float32)
    inp['edge_index'] = jax.random.randint(ks[1], (2, E), 0, N, dtype=jnp.int32)
    inp['edge_attr'] = jax.random.normal(ks[2], (E, A), dtype=jnp.float32)
    inp['node_attr'] = jax.random.normal(ks[3], (N, A), dtype=jnp.float32)
    inp['batch'] = jnp.zeros((N,), dtype=jnp.int32)
    # learned parameters (embedding, 2 message-passing layers, pre-pool head)
    inp['W_emb'] = jax.random.normal(ks[4], (D, D, A), dtype=jnp.float32) * s1
    inp['b_emb'] = jnp.zeros((D,), dtype=jnp.float32)
    inp['Wm1'] = jax.random.normal(ks[5], (L, D, 2 * D, A), dtype=jnp.float32) * s2
    inp['bm1'] = jnp.zeros((L, D), dtype=jnp.float32)
    inp['Wm2'] = jax.random.normal(ks[6], (L, D, D, A), dtype=jnp.float32) * s1
    inp['bm2'] = jnp.zeros((L, D), dtype=jnp.float32)
    inp['Wu1'] = jax.random.normal(ks[7], (L, D, 2 * D, A), dtype=jnp.float32) * s2
    inp['bu1'] = jnp.zeros((L, D), dtype=jnp.float32)
    inp['Wu2'] = jax.random.normal(ks[8], (L, D, D, A), dtype=jnp.float32) * s1
    inp['bu2'] = jnp.zeros((L, D), dtype=jnp.float32)
    inp['Wp1'] = jax.random.normal(ks[9], (D, D, A), dtype=jnp.float32) * s1
    inp['bp1'] = jnp.zeros((D,), dtype=jnp.float32)
    inp['Wp2'] = jax.random.normal(ks[10], (D, D, A), dtype=jnp.float32) * s1
    inp['bp2'] = jnp.zeros((D,), dtype=jnp.float32)
    return inp


def reference(x, edge_index, edge_attr, node_attr, batch, W_emb, b_emb, Wm1, bm1, Wm2, bm2, Wu1, bu1, Wu2, bu2, Wp1, bp1, Wp2, bp2):
    # catch_isolated_nodes: trivial irrep channel forced to 1
    na = node_attr.at[:, 0].set(1.0)
    # embedding layer
    h = _bil(x, na, W_emb, b_emb)
    src = edge_index[0]
    dst = edge_index[1]
    for l in range(L):
        # message (gather endpoints, two TP+SwishGate layers)
        x_i = h[dst]
        x_j = h[src]
        m_in = jnp.concatenate([x_i, x_j], axis=-1)
        m = jax.nn.silu(_bil(m_in, edge_attr, Wm1[l], bm1[l]))
        m = jax.nn.silu(_bil(m, edge_attr, Wm2[l], bm2[l]))
        # aggregate (aggr='add') onto destination nodes
        agg = jax.ops.segment_sum(m, dst, num_segments=N)
        # update (TP+SwishGate then TP), residual add
        u_in = jnp.concatenate([h, agg], axis=-1)
        upd = jax.nn.silu(_bil(u_in, na, Wu1[l], bu1[l]))
        upd = _bil(upd, na, Wu2[l], bu2[l])
        h = h + upd
    # node-task head: pre_pool1 (swish-gated) + pre_pool2
    h = jax.nn.silu(_bil(h, na, Wp1, bp1))
    h = _bil(h, na, Wp2, bp2)
    return h

if __name__ == "__main__":
    import jax
    _d = setup_inputs()
    print(jax.jit(kernel)(*tuple(_d.values())))

</pallas_src>

<mosaic_0001>
#map = affine_map<(d0, d1) -> (0, 0)>
#map1 = affine_map<(d0, d1) -> (0, 0, 0)>
module attributes {stable_mosaic.version = 14 : i64} {
  func.func @_scatter_sc(%arg0: i32, %arg1: i32, %arg2: memref<160000x128xf32, #tpu.memory_space<hbm>>, %arg3: memref<32x40x128xi32, #tpu.memory_space<hbm>>, %arg4: memref<10112x128xf32, #tpu.memory_space<hbm>>, %arg5: memref<2x10112x128xf32, #tpu.memory_space<hbm>>, %arg6: memref<40x128xi32, #tpu.memory_space<vmem>>, %arg7: memref<128x128xf32, #tpu.memory_space<vmem>>, %arg8: memref<128x128xf32, #tpu.memory_space<vmem>>, %arg9: memref<10112x128xf32, #tpu.memory_space<vmem_shared>>, %arg10: memref<!tpu.dma_semaphore, #tpu.memory_space<semaphore_mem>>, %arg11: memref<!tpu.dma_semaphore, #tpu.memory_space<semaphore_mem>>) attributes {dimension_semantics = [#tpu.dimension_semantics<core_parallel>, #tpu.dimension_semantics<subcore_parallel>], iteration_bounds = array<i64: 2, 16>, scalar_prefetch = 0 : i64, scratch_operands = 6 : i64, tpu.core_type = #tpu.core_type<sc_vector_subcore>, window_params = [{transform_indices = #map}, {transform_indices = #map1}, {transform_indices = #map}, {transform_indices = #map1}]} {
    %mul3A = arith.constant 16 : i32
    %mul3A_0 = arith.muli %arg0, %mul3A : i32
    %add3A = arith.addi %mul3A_0, %arg1 : i32
    "tpu.region"() ({
      %run_scoped3A_28 = tpu.sem_alloc : memref<!tpu.dma_semaphore, #tpu.memory_space<semaphore_mem>>
      %dma_start3A_29 = arith.constant 0 : i32
      %dma_start3A_30 = arith.constant 0 : i32
      %dma_start3A_31 = tpu.memref_slice %arg3[%add3A, %dma_start3A_29, %dma_start3A_30] : memref<32x40x128xi32, #tpu.memory_space<hbm>> -> memref<1x40x128xi32, #tpu.memory_space<hbm>>
      %dma_start3A_32 = tpu.memref_squeeze %dma_start3A_31 : memref<1x40x128xi32, #tpu.memory_space<hbm>> -> memref<40x128xi32, #tpu.memory_space<hbm>>
      %dma_start3A_33 = arith.constant 0 : i32
      %dma_start3A_34 = arith.constant 0 : i32
      %dma_start3A_35 = tpu.memref_slice %arg3[%add3A, %dma_start3A_33, %dma_start3A_34] : memref<32x40x128xi32, #tpu.memory_space<hbm>> -> memref<1x40x128xi32, #tpu.memory_space<hbm>>
      %dma_start3A_36 = tpu.memref_squeeze %dma_start3A_35 : memref<1x40x128xi32, #tpu.memory_space<hbm>> -> memref<40x128xi32, #tpu.memory_space<hbm>>
      tpu.enqueue_dma source(%dma_start3A_36 : memref<40x128xi32, #tpu.memory_space<hbm>>) target(%arg6 : memref<40x128xi32, #tpu.memory_space<vmem>>) target_semaphore(%run_scoped3A_28 : memref<!tpu.dma_semaphore, #tpu.memory_space<semaphore_mem>>)
      %dma_wait3A_37 = arith.constant 0 : i32
      %dma_wait3A_38 = arith.constant 0 : i32
      %dma_wait3A_39 = tpu.memref_slice %arg3[%add3A, %dma_wait3A_37, %dma_wait3A_38] : memref<32x40x128xi32, #tpu.memory_space<hbm>> -> memref<1x40x128xi32, #tpu.memory_space<hbm>>
      %dma_wait3A_40 = tpu.memref_squeeze %dma_wait3A_39 : memref<1x40x128xi32, #tpu.memory_space<hbm>> -> memref<40x128xi32, #tpu.memory_space<hbm>>
      %dma_wait3A_41 = arith.constant 0 : i32
      %dma_wait3A_42 = arith.constant 0 : i32
      %dma_wait3A_43 = tpu.memref_slice %arg3[%add3A, %dma_wait3A_41, %dma_wait3A_42] : memref<32x40x128xi32, #tpu.memory_space<hbm>> -> memref<1x40x128xi32, #tpu.memory_space<hbm>>
      %dma_wait3A_44 = tpu.memref_squeeze %dma_wait3A_43 : memref<1x40x128xi32, #tpu.memory_space<hbm>> -> memref<40x128xi32, #tpu.memory_space<hbm>>
      tpu.wait_dma2 semaphore(%run_scoped3A_28 : memref<!tpu.dma_semaphore, #tpu.memory_space<semaphore_mem>>) src(%dma_wait3A_44 : memref<40x128xi32, #tpu.memory_space<hbm>>) dst(%arg6 : memref<40x128xi32, #tpu.memory_space<vmem>>)
      tpu.yield
    }) : () -> ()
    %mul3A_1 = arith.constant 632 : i32
    %mul3A_2 = arith.muli %arg1, %mul3A_1 : i32
    %mul3A_3 = arith.constant 632 : i32
    %mul3A_4 = arith.muli %arg1, %mul3A_3 : i32
    "tpu.region"() ({
      %run_scoped3A_28 = tpu.sem_alloc : memref<!tpu.dma_semaphore, #tpu.memory_space<semaphore_mem>>
      %dma_start3A_29 = arith.constant 0 : i32
      %dma_start3A_30 = tpu.memref_slice %arg9[%mul3A_4, %dma_start3A_29] : memref<10112x128xf32, #tpu.memory_space<vmem_shared>> -> memref<632x128xf32, #tpu.memory_space<vmem_shared>>
      %dma_start3A_31 = arith.constant 0 : i32
      %dma_start3A_32 = tpu.memref_slice %arg4[%mul3A_2, %dma_start3A_31] : memref<10112x128xf32, #tpu.memory_space<hbm>> -> memref<632x128xf32, #tpu.memory_space<hbm>>
      tpu.enqueue_dma source(%dma_start3A_32 : memref<632x128xf32, #tpu.memory_space<hbm>>) target(%dma_start3A_30 : memref<632x128xf32, #tpu.memory_space<vmem_shared>>) target_semaphore(%run_scoped3A_28 : memref<!tpu.dma_semaphore, #tpu.memory_space<semaphore_mem>>)
      %dma_wait3A_33 = arith.constant 0 : i32
      %dma_wait3A_34 = tpu.memref_slice %arg9[%mul3A_4, %dma_wait3A_33] : memref<10112x128xf32, #tpu.memory_space<vmem_shared>> -> memref<632x128xf32, #tpu.memory_space<vmem_shared>>
      %dma_wait3A_35 = arith.constant 0 : i32
      %dma_wait3A_36 = tpu.memref_slice %arg4[%mul3A_2, %dma_wait3A_35] : memref<10112x128xf32, #tpu.memory_space<hbm>> -> memref<632x128xf32, #tpu.memory_space<hbm>>
      tpu.wait_dma2 semaphore(%run_scoped3A_28 : memref<!tpu.dma_semaphore, #tpu.memory_space<semaphore_mem>>) src(%dma_wait3A_36 : memref<632x128xf32, #tpu.memory_space<hbm>>) dst(%dma_wait3A_34 : memref<632x128xf32, #tpu.memory_space<vmem_shared>>)
      tpu.yield
    }) : () -> ()
    %barrier3A = arith.constant 0 : index
    tpu.barrier barrier_id(%barrier3A)
    %mul3A_5 = arith.constant 5000 : i32
    %mul3A_6 = arith.muli %add3A, %mul3A_5 : i32
    %dma_start3A = arith.constant 0 : i32
    %dma_start3A_7 = tpu.memref_slice %arg2[%mul3A_6, %dma_start3A] : memref<160000x128xf32, #tpu.memory_space<hbm>> -> memref<128x128xf32, #tpu.memory_space<hbm>>
    %dma_start3A_8 = arith.constant 0 : i32
    %dma_start3A_9 = tpu.memref_slice %arg2[%mul3A_6, %dma_start3A_8] : memref<160000x128xf32, #tpu.memory_space<hbm>> -> memref<128x128xf32, #tpu.memory_space<hbm>>
    tpu.enqueue_dma source(%dma_start3A_9 : memref<128x128xf32, #tpu.memory_space<hbm>>) target(%arg7 : memref<128x128xf32, #tpu.memory_space<vmem>>) target_semaphore(%arg10 : memref<!tpu.dma_semaphore, #tpu.memory_space<semaphore_mem>>)
    %scan3A = arith.constant 0 : i32
    %scan3A_10 = arith.constant 0 : i32
    %scan3A_11 = arith.constant 19 : i32
    %scan3A_12 = arith.addi %scan3A_10, %scan3A_11 : i32
    %scan3A_13 = arith.constant 1 : i32
    scf.for %scan3A_28 = %scan3A_10 to %scan3A_12 step %scan3A_13  : i32 {
      %mul3A_29 = arith.constant 2 : i32
      %mul3A_30 = arith.muli %mul3A_29, %scan3A_28 : i32
      %dma_wait3A_31 = arith.constant 0 : i32
      %dma_wait3A_32 = arith.constant 0 : i32
      %dma_wait3A_33 = tpu.memref_slice %arg2[%dma_wait3A_31, %dma_wait3A_32] : memref<160000x128xf32, #tpu.memory_space<hbm>> -> memref<128x128xf32, #tpu.memory_space<hbm>>
      %dma_wait3A_34 = arith.constant 0 : i32
      %dma_wait3A_35 = arith.constant 0 : i32
      %dma_wait3A_36 = tpu.memref_slice %arg2[%dma_wait3A_34, %dma_wait3A_35] : memref<160000x128xf32, #tpu.memory_space<hbm>> -> memref<128x128xf32, #tpu.memory_space<hbm>>
      tpu.wait_dma2 semaphore(%arg10 : memref<!tpu.dma_semaphore, #tpu.memory_space<semaphore_mem>>) src(%dma_wait3A_36 : memref<128x128xf32, #tpu.memory_space<hbm>>) dst(%arg7 : memref<128x128xf32, #tpu.memory_space<vmem>>)
      %add3A_37 = arith.constant 1 : i32
      %add3A_38 = arith.addi %mul3A_30, %add3A_37 : i32
      %mul3A_39 = arith.constant 128 : i32
      %mul3A_40 = arith.muli %add3A_38, %mul3A_39 : i32
      %add3A_41 = arith.addi %mul3A_6, %mul3A_40 : i32
      %dma_start3A_42 = arith.constant 0 : i32
      %dma_start3A_43 = tpu.memref_slice %arg2[%add3A_41, %dma_start3A_42] : memref<160000x128xf32, #tpu.memory_space<hbm>> -> memref<128x128xf32, #tpu.memory_space<hbm>>
      %dma_start3A_44 = arith.constant 0 : i32
      %dma_start3A_45 = tpu.memref_slice %arg2[%add3A_41, %dma_start3A_44] : memref<160000x128xf32, #tpu.memory_space<hbm>> -> memref<128x128xf32, #tpu.memory_space<hbm>>
      tpu.enqueue_dma source(%dma_start3A_45 : memref<128x128xf32, #tpu.memory_space<hbm>>) target(%arg8 : memref<128x128xf32, #tpu.memory_space<vmem>>) target_semaphore(%arg11 : memref<!tpu.dma_semaphore, #tpu.memory_space<semaphore_mem>>)
      "tpu.region"() ({
        %run_scoped3A_63 = tpu.sem_alloc : memref<!tpu.dma_semaphore, #tpu.memory_space<semaphore_mem>>
        %dma_start3A_64 = arith.constant 0 : i32
        %dma_start3A_65 = tpu.memref_slice %arg6[%mul3A_30, %dma_start3A_64] : memref<40x128xi32, #tpu.memory_space<vmem>> -> memref<1x128xi32, #tpu.memory_space<vmem>>
        %dma_start3A_66 = tpu.memref_squeeze %dma_start3A_65 : memref<1x128xi32, #tpu.memory_space<vmem>> -> memref<128xi32, #tpu.memory_space<vmem>>
        %dma_start3A_67 = arith.constant 0 : i32
        %dma_start3A_68 = arith.constant 0 : i32
        %dma_start3A_69 = tpu.memref_slice %arg9[%dma_start3A_67, %dma_start3A_68] : memref<10112x128xf32, #tpu.memory_space<vmem_shared>> -> memref<10112x128xf32, #tpu.memory_space<vmem_shared>>
        tpu.enqueue_indirect_dma source(%arg7 : memref<128x128xf32, #tpu.memory_space<vmem>>) target(%dma_start3A_69 : memref<10112x128xf32, #tpu.memory_space<vmem_shared>>) offsets(%dma_start3A_66 : memref<128xi32, #tpu.memory_space<vmem>>) semaphore(%run_scoped3A_63 : memref<!tpu.dma_semaphore, #tpu.memory_space<semaphore_mem>>) {add = true}
        %dma_wait3A_70 = arith.constant 0 : i32
        %dma_wait3A_71 = tpu.memref_slice %arg6[%mul3A_30, %dma_wait3A_70] : memref<40x128xi32, #tpu.memory_space<vmem>> -> memref<1x128xi32, #tpu.memory_space<vmem>>
        %dma_wait3A_72 = tpu.memref_squeeze %dma_wait3A_71 : memref<1x128xi32, #tpu.memory_space<vmem>> -> memref<128xi32, #tpu.memory_space<vmem>>
        %dma_wait3A_73 = arith.constant 0 : i32
        %dma_wait3A_74 = arith.constant 0 : i32
        %dma_wait3A_75 = tpu.memref_slice %arg9[%dma_wait3A_73, %dma_wait3A_74] : memref<10112x128xf32, #tpu.memory_space<vmem_shared>> -> memref<10112x128xf32, #tpu.memory_space<vmem_shared>>
        tpu.wait_indirect_dma semaphore(%run_scoped3A_63 : memref<!tpu.dma_semaphore, #tpu.memory_space<semaphore_mem>>) src(%arg7 : memref<128x128xf32, #tpu.memory_space<vmem>>) dst(%dma_wait3A_75 : memref<10112x128xf32, #tpu.memory_space<vmem_shared>>)
        tpu.yield
      }) : () -> ()
      %dma_wait3A_46 = arith.constant 0 : i32
      %dma_wait3A_47 = arith.constant 0 : i32
      %dma_wait3A_48 = tpu.memref_slice %arg2[%dma_wait3A_46, %dma_wait3A_47] : memref<160000x128xf32, #tpu.memory_space<hbm>> -> memref<128x128xf32, #tpu.memory_space<hbm>>
      %dma_wait3A_49 = arith.constant 0 : i32
      %dma_wait3A_50 = arith.constant 0 : i32
      %dma_wait3A_51 = tpu.memref_slice %arg2[%dma_wait3A_49, %dma_wait3A_50] : memref<160000x128xf32, #tpu.memory_space<hbm>> -> memref<128x128xf32, #tpu.memory_space<hbm>>
      tpu.wait_dma2 semaphore(%arg11 : memref<!tpu.dma_semaphore, #tpu.memory_space<semaphore_mem>>) src(%dma_wait3A_51 : memref<128x128xf32, #tpu.memory_space<hbm>>) dst(%arg8 : memref<128x128xf32, #tpu.memory_space<vmem>>)
      %add3A_52 = arith.constant 2 : i32
      %add3A_53 = arith.addi %mul3A_30, %add3A_52 : i32
      %mul3A_54 = arith.constant 128 : i32
      %mul3A_55 = arith.muli %add3A_53, %mul3A_54 : i32
      %add3A_56 = arith.addi %mul3A_6, %mul3A_55 : i32
      %dma_start3A_57 = arith.constant 0 : i32
      %dma_start3A_58 = tpu.memref_slice %arg2[%add3A_56, %dma_start3A_57] : memref<160000x128xf32, #tpu.memory_space<hbm>> -> memref<128x128xf32, #tpu.memory_space<hbm>>
      %dma_start3A_59 = arith.constant 0 : i32
      %dma_start3A_60 = tpu.memref_slice %arg2[%add3A_56, %dma_start3A_59] : memref<160000x128xf32, #tpu.memory_space<hbm>> -> memref<128x128xf32, #tpu.memory_space<hbm>>
      tpu.enqueue_dma source(%dma_start3A_60 : memref<128x128xf32, #tpu.memory_space<hbm>>) target(%arg7 : memref<128x128xf32, #tpu.memory_space<vmem>>) target_semaphore(%arg10 : memref<!tpu.dma_semaphore, #tpu.memory_space<semaphore_mem>>)
      %add3A_61 = arith.constant 1 : i32
      %add3A_62 = arith.addi %mul3A_30, %add3A_61 : i32
      "tpu.region"() ({
        %run_scoped3A_63 = tpu.sem_alloc : memref<!tpu.dma_semaphore, #tpu.memory_space<semaphore_mem>>
        %dma_start3A_64 = arith.constant 0 : i32
        %dma_start3A_65 = tpu.memref_slice %arg6[%add3A_62, %dma_start3A_64] : memref<40x128xi32, #tpu.memory_space<vmem>> -> memref<1x128xi32, #tpu.memory_space<vmem>>
        %dma_start3A_66 = tpu.memref_squeeze %dma_start3A_65 : memref<1x128xi32, #tpu.memory_space<vmem>> -> memref<128xi32, #tpu.memory_space<vmem>>
        %dma_start3A_67 = arith.constant 0 : i32
        %dma_start3A_68 = arith.constant 0 : i32
        %dma_start3A_69 = tpu.memref_slice %arg9[%dma_start3A_67, %dma_start3A_68] : memref<10112x128xf32, #tpu.memory_space<vmem_shared>> -> memref<10112x128xf32, #tpu.memory_space<vmem_shared>>
        tpu.enqueue_indirect_dma source(%arg8 : memref<128x128xf32, #tpu.memory_space<vmem>>) target(%dma_start3A_69 : memref<10112x128xf32, #tpu.memory_space<vmem_shared>>) offsets(%dma_start3A_66 : memref<128xi32, #tpu.memory_space<vmem>>) semaphore(%run_scoped3A_63 : memref<!tpu.dma_semaphore, #tpu.memory_space<semaphore_mem>>) {add = true}
        %dma_wait3A_70 = arith.constant 0 : i32
        %dma_wait3A_71 = tpu.memref_slice %arg6[%add3A_62, %dma_wait3A_70] : memref<40x128xi32, #tpu.memory_space<vmem>> -> memref<1x128xi32, #tpu.memory_space<vmem>>
        %dma_wait3A_72 = tpu.memref_squeeze %dma_wait3A_71 : memref<1x128xi32, #tpu.memory_space<vmem>> -> memref<128xi32, #tpu.memory_space<vmem>>
        %dma_wait3A_73 = arith.constant 0 : i32
        %dma_wait3A_74 = arith.constant 0 : i32
        %dma_wait3A_75 = tpu.memref_slice %arg9[%dma_wait3A_73, %dma_wait3A_74] : memref<10112x128xf32, #tpu.memory_space<vmem_shared>> -> memref<10112x128xf32, #tpu.memory_space<vmem_shared>>
        tpu.wait_indirect_dma semaphore(%run_scoped3A_63 : memref<!tpu.dma_semaphore, #tpu.memory_space<semaphore_mem>>) src(%arg8 : memref<128x128xf32, #tpu.memory_space<vmem>>) dst(%dma_wait3A_75 : memref<10112x128xf32, #tpu.memory_space<vmem_shared>>)
        tpu.yield
      }) : () -> ()
    }
    %scan3A_14 = arith.constant 19 : i32
    %dma_wait3A = arith.constant 0 : i32
    %dma_wait3A_15 = arith.constant 0 : i32
    %dma_wait3A_16 = tpu.memref_slice %arg2[%dma_wait3A, %dma_wait3A_15] : memref<160000x128xf32, #tpu.memory_space<hbm>> -> memref<128x128xf32, #tpu.memory_space<hbm>>
    %dma_wait3A_17 = arith.constant 0 : i32
    %dma_wait3A_18 = arith.constant 0 : i32
    %dma_wait3A_19 = tpu.memref_slice %arg2[%dma_wait3A_17, %dma_wait3A_18] : memref<160000x128xf32, #tpu.memory_space<hbm>> -> memref<128x128xf32, #tpu.memory_space<hbm>>
    tpu.wait_dma2 semaphore(%arg10 : memref<!tpu.dma_semaphore, #tpu.memory_space<semaphore_mem>>) src(%dma_wait3A_19 : memref<128x128xf32, #tpu.memory_space<hbm>>) dst(%arg7 : memref<128x128xf32, #tpu.memory_space<vmem>>)
    %run_scoped3A = arith.constant 38 : i32
    "tpu.region"() ({
      %run_scoped3A_28 = tpu.sem_alloc : memref<!tpu.dma_semaphore, #tpu.memory_space<semaphore_mem>>
      %dma_start3A_29 = arith.constant 0 : i32
      %dma_start3A_30 = tpu.memref_slice %arg6[%run_scoped3A, %dma_start3A_29] : memref<40x128xi32, #tpu.memory_space<vmem>> -> memref<1x128xi32, #tpu.memory_space<vmem>>
      %dma_start3A_31 = tpu.memref_squeeze %dma_start3A_30 : memref<1x128xi32, #tpu.memory_space<vmem>> -> memref<128xi32, #tpu.memory_space<vmem>>
      %dma_start3A_32 = arith.constant 0 : i32
      %dma_start3A_33 = arith.constant 0 : i32
      %dma_start3A_34 = tpu.memref_slice %arg9[%dma_start3A_32, %dma_start3A_33] : memref<10112x128xf32, #tpu.memory_space<vmem_shared>> -> memref<10112x128xf32, #tpu.memory_space<vmem_shared>>
      tpu.enqueue_indirect_dma source(%arg7 : memref<128x128xf32, #tpu.memory_space<vmem>>) target(%dma_start3A_34 : memref<10112x128xf32, #tpu.memory_space<vmem_shared>>) offsets(%dma_start3A_31 : memref<128xi32, #tpu.memory_space<vmem>>) semaphore(%run_scoped3A_28 : memref<!tpu.dma_semaphore, #tpu.memory_space<semaphore_mem>>) {add = true}
      %dma_wait3A_35 = arith.constant 0 : i32
      %dma_wait3A_36 = tpu.memref_slice %arg6[%run_scoped3A, %dma_wait3A_35] : memref<40x128xi32, #tpu.memory_space<vmem>> -> memref<1x128xi32, #tpu.memory_space<vmem>>
      %dma_wait3A_37 = tpu.memref_squeeze %dma_wait3A_36 : memref<1x128xi32, #tpu.memory_space<vmem>> -> memref<128xi32, #tpu.memory_space<vmem>>
      %dma_wait3A_38 = arith.constant 0 : i32
      %dma_wait3A_39 = arith.constant 0 : i32
      %dma_wait3A_40 = tpu.memref_slice %arg9[%dma_wait3A_38, %dma_wait3A_39] : memref<10112x128xf32, #tpu.memory_space<vmem_shared>> -> memref<10112x128xf32, #tpu.memory_space<vmem_shared>>
      tpu.wait_indirect_dma semaphore(%run_scoped3A_28 : memref<!tpu.dma_semaphore, #tpu.memory_space<semaphore_mem>>) src(%arg7 : memref<128x128xf32, #tpu.memory_space<vmem>>) dst(%dma_wait3A_40 : memref<10112x128xf32, #tpu.memory_space<vmem_shared>>)
      tpu.yield
    }) : () -> ()
    %add3A_20 = arith.constant 4992 : i32
    %add3A_21 = arith.addi %mul3A_6, %add3A_20 : i32
    "tpu.region"() ({
      %run_scoped3A_28 = tpu.sem_alloc : memref<!tpu.dma_semaphore, #tpu.memory_space<semaphore_mem>>
      %dma_start3A_29 = arith.constant 0 : i32
      %dma_start3A_30 = arith.constant 0 : i32
      %dma_start3A_31 = tpu.memref_slice %arg8[%dma_start3A_29, %dma_start3A_30] : memref<128x128xf32, #tpu.memory_space<vmem>> -> memref<8x128xf32, #tpu.memory_space<vmem>>
      %dma_start3A_32 = arith.constant 0 : i32
      %dma_start3A_33 = tpu.memref_slice %arg2[%add3A_21, %dma_start3A_32] : memref<160000x128xf32, #tpu.memory_space<hbm>> -> memref<8x128xf32, #tpu.memory_space<hbm>>
      %dma_start3A_34 = arith.constant 0 : i32
      %dma_start3A_35 = arith.constant 0 : i32
      %dma_start3A_36 = tpu.memref_slice %arg8[%dma_start3A_34, %dma_start3A_35] : memref<128x128xf32, #tpu.memory_space<vmem>> -> memref<8x128xf32, #tpu.memory_space<vmem>>
      %dma_start3A_37 = arith.constant 0 : i32
      %dma_start3A_38 = tpu.memref_slice %arg2[%add3A_21, %dma_start3A_37] : memref<160000x128xf32, #tpu.memory_space<hbm>> -> memref<8x128xf32, #tpu.memory_space<hbm>>
      tpu.enqueue_dma source(%dma_start3A_38 : memref<8x128xf32, #tpu.memory_space<hbm>>) target(%dma_start3A_36 : memref<8x128xf32, #tpu.memory_space<vmem>>) target_semaphore(%run_scoped3A_28 : memref<!tpu.dma_semaphore, #tpu.memory_space<semaphore_mem>>)
      %dma_wait3A_39 = arith.constant 0 : i32
      %dma_wait3A_40 = arith.constant 0 : i32
      %dma_wait3A_41 = tpu.memref_slice %arg8[%dma_wait3A_39, %dma_wait3A_40] : memref<128x128xf32, #tpu.memory_space<vmem>> -> memref<8x128xf32, #tpu.memory_space<vmem>>
      %dma_wait3A_42 = arith.constant 0 : i32
      %dma_wait3A_43 = tpu.memref_slice %arg2[%add3A_21, %dma_wait3A_42] : memref<160000x128xf32, #tpu.memory_space<hbm>> -> memref<8x128xf32, #tpu.memory_space<hbm>>
      %dma_wait3A_44 = arith.constant 0 : i32
      %dma_wait3A_45 = arith.constant 0 : i32
      %dma_wait3A_46 = tpu.memref_slice %arg8[%dma_wait3A_44, %dma_wait3A_45] : memref<128x128xf32, #tpu.memory_space<vmem>> -> memref<8x128xf32, #tpu.memory_space<vmem>>
      %dma_wait3A_47 = arith.constant 0 : i32
      %dma_wait3A_48 = tpu.memref_slice %arg2[%add3A_21, %dma_wait3A_47] : memref<160000x128xf32, #tpu.memory_space<hbm>> -> memref<8x128xf32, #tpu.memory_space<hbm>>
      tpu.wait_dma2 semaphore(%run_scoped3A_28 : memref<!tpu.dma_semaphore, #tpu.memory_space<semaphore_mem>>) src(%dma_wait3A_48 : memref<8x128xf32, #tpu.memory_space<hbm>>) dst(%dma_wait3A_46 : memref<8x128xf32, #tpu.memory_space<vmem>>)
      tpu.yield
    }) : () -> ()
    %run_scoped3A_22 = arith.constant 39 : i32
    "tpu.region"() ({
      %run_scoped3A_28 = tpu.sem_alloc : memref<!tpu.dma_semaphore, #tpu.memory_space<semaphore_mem>>
      %dma_start3A_29 = arith.constant 0 : i32
      %dma_start3A_30 = tpu.memref_slice %arg6[%run_scoped3A_22, %dma_start3A_29] : memref<40x128xi32, #tpu.memory_space<vmem>> -> memref<1x128xi32, #tpu.memory_space<vmem>>
      %dma_start3A_31 = tpu.memref_squeeze %dma_start3A_30 : memref<1x128xi32, #tpu.memory_space<vmem>> -> memref<128xi32, #tpu.memory_space<vmem>>
      %dma_start3A_32 = arith.constant 0 : i32
      %dma_start3A_33 = arith.constant 0 : i32
      %dma_start3A_34 = tpu.memref_slice %arg9[%dma_start3A_32, %dma_start3A_33] : memref<10112x128xf32, #tpu.memory_space<vmem_shared>> -> memref<10112x128xf32, #tpu.memory_space<vmem_shared>>
      tpu.enqueue_indirect_dma source(%arg8 : memref<128x128xf32, #tpu.memory_space<vmem>>) target(%dma_start3A_34 : memref<10112x128xf32, #tpu.memory_space<vmem_shared>>) offsets(%dma_start3A_31 : memref<128xi32, #tpu.memory_space<vmem>>) semaphore(%run_scoped3A_28 : memref<!tpu.dma_semaphore, #tpu.memory_space<semaphore_mem>>) {add = true}
      %dma_wait3A_35 = arith.constant 0 : i32
      %dma_wait3A_36 = tpu.memref_slice %arg6[%run_scoped3A_22, %dma_wait3A_35] : memref<40x128xi32, #tpu.memory_space<vmem>> -> memref<1x128xi32, #tpu.memory_space<vmem>>
      %dma_wait3A_37 = tpu.memref_squeeze %dma_wait3A_36 : memref<1x128xi32, #tpu.memory_space<vmem>> -> memref<128xi32, #tpu.memory_space<vmem>>
      %dma_wait3A_38 = arith.constant 0 : i32
      %dma_wait3A_39 = arith.constant 0 : i32
      %dma_wait3A_40 = tpu.memref_slice %arg9[%dma_wait3A_38, %dma_wait3A_39] : memref<10112x128xf32, #tpu.memory_space<vmem_shared>> -> memref<10112x128xf32, #tpu.memory_space<vmem_shared>>
      tpu.wait_indirect_dma semaphore(%run_scoped3A_28 : memref<!tpu.dma_semaphore, #tpu.memory_space<semaphore_mem>>) src(%arg8 : memref<128x128xf32, #tpu.memory_space<vmem>>) dst(%dma_wait3A_40 : memref<10112x128xf32, #tpu.memory_space<vmem_shared>>)
      tpu.yield
    }) : () -> ()
    %barrier3A_23 = arith.constant 0 : index
    tpu.barrier barrier_id(%barrier3A_23)
    %mul3A_24 = arith.constant 632 : i32
    %mul3A_25 = arith.muli %arg1, %mul3A_24 : i32
    %mul3A_26 = arith.constant 632 : i32
    %mul3A_27 = arith.muli %arg1, %mul3A_26 : i32
    "tpu.region"() ({
      %run_scoped3A_28 = tpu.sem_alloc : memref<!tpu.dma_semaphore, #tpu.memory_space<semaphore_mem>>
      %dma_start3A_29 = arith.constant 0 : i32
      %dma_start3A_30 = arith.constant 0 : i32
      %dma_start3A_31 = tpu.memref_slice %arg5[%arg0, %dma_start3A_29, %dma_start3A_30] : memref<2x10112x128xf32, #tpu.memory_space<hbm>> -> memref<1x10112x128xf32, #tpu.memory_space<hbm>>
      %dma_start3A_32 = tpu.memref_squeeze %dma_start3A_31 : memref<1x10112x128xf32, #tpu.memory_space<hbm>> -> memref<10112x128xf32, #tpu.memory_space<hbm>>
      %dma_start3A_33 = arith.constant 0 : i32
      %dma_start3A_34 = tpu.memref_slice %dma_start3A_32[%mul3A_27, %dma_start3A_33] : memref<10112x128xf32, #tpu.memory_space<hbm>> -> memref<632x128xf32, #tpu.memory_space<hbm>>
      %dma_start3A_35 = arith.constant 0 : i32
      %dma_start3A_36 = tpu.memref_slice %arg9[%mul3A_25, %dma_start3A_35] : memref<10112x128xf32, #tpu.memory_space<vmem_shared>> -> memref<632x128xf32, #tpu.memory_space<vmem_shared>>
      tpu.enqueue_dma source(%dma_start3A_36 : memref<632x128xf32, #tpu.memory_space<vmem_shared>>) target(%dma_start3A_34 : memref<632x128xf32, #tpu.memory_space<hbm>>) target_semaphore(%run_scoped3A_28 : memref<!tpu.dma_semaphore, #tpu.memory_space<semaphore_mem>>)
      %dma_wait3A_37 = arith.constant 0 : i32
      %dma_wait3A_38 = arith.constant 0 : i32
      %dma_wait3A_39 = tpu.memref_slice %arg5[%arg0, %dma_wait3A_37, %dma_wait3A_38] : memref<2x10112x128xf32, #tpu.memory_space<hbm>> -> memref<1x10112x128xf32, #tpu.memory_space<hbm>>
      %dma_wait3A_40 = tpu.memref_squeeze %dma_wait3A_39 : memref<1x10112x128xf32, #tpu.memory_space<hbm>> -> memref<10112x128xf32, #tpu.memory_space<hbm>>
      %dma_wait3A_41 = arith.constant 0 : i32
      %dma_wait3A_42 = tpu.memref_slice %dma_wait3A_40[%mul3A_27, %dma_wait3A_41] : memref<10112x128xf32, #tpu.memory_space<hbm>> -> memref<632x128xf32, #tpu.memory_space<hbm>>
      %dma_wait3A_43 = arith.constant 0 : i32
      %dma_wait3A_44 = tpu.memref_slice %arg9[%mul3A_25, %dma_wait3A_43] : memref<10112x128xf32, #tpu.memory_space<vmem_shared>> -> memref<632x128xf32, #tpu.memory_space<vmem_shared>>
      tpu.wait_dma2 semaphore(%run_scoped3A_28 : memref<!tpu.dma_semaphore, #tpu.memory_space<semaphore_mem>>) src(%dma_wait3A_44 : memref<632x128xf32, #tpu.memory_space<vmem_shared>>) dst(%dma_wait3A_42 : memref<632x128xf32, #tpu.memory_space<hbm>>)
      tpu.yield
    }) : () -> ()
    return
  }
}

#map = affine_map<(d0, d1) -> (0, 0)>
#map1 = affine_map<(d0, d1) -> (0, 0, 0, 0)>
#map2 = affine_map<(d0, d1) -> (0, 0, 0)>
module attributes {stable_mosaic.version = 14 : i64} {
  func.func @_gather_sc(%arg0: i32, %arg1: i32, %arg2: memref<10112x128xf32, #tpu.memory_space<hbm>>, %arg3: memref<2x32x40x128xi32, #tpu.memory_space<hbm>>, %arg4: memref<2x160000x128xf32, #tpu.memory_space<hbm>>, %arg5: memref<80x128xi32, #tpu.memory_space<vmem>>, %arg6: memref<128x128xf32, #tpu.memory_space<vmem>>, %arg7: memref<128x128xf32, #tpu.memory_space<vmem>>, %arg8: memref<10112x128xf32, #tpu.memory_space<vmem_shared>>, %arg9: memref<!tpu.dma_semaphore, #tpu.memory_space<semaphore_mem>>, %arg10: memref<!tpu.dma_semaphore, #tpu.memory_space<semaphore_mem>>) attributes {dimension_semantics = [#tpu.dimension_semantics<core_parallel>, #tpu.dimension_semantics<subcore_parallel>], iteration_bounds = array<i64: 2, 16>, scalar_prefetch = 0 : i64, scratch_operands = 6 : i64, tpu.core_type = #tpu.core_type<sc_vector_subcore>, window_params = [{transform_indices = #map}, {transform_indices = #map1}, {transform_indices = #map2}]} {
    %mul3A = arith.constant 16 : i32
    %mul3A_0 = arith.muli %arg0, %mul3A : i32
    %add3A = arith.addi %mul3A_0, %arg1 : i32
    %run_scoped3A = arith.constant 0 : i32
    "tpu.region"() ({
      %run_scoped3A_57 = tpu.sem_alloc : memref<!tpu.dma_semaphore, #tpu.memory_space<semaphore_mem>>
      %dma_start3A_58 = arith.constant 0 : i32
      %dma_start3A_59 = arith.constant 0 : i32
      %dma_start3A_60 = tpu.memref_slice %arg5[%dma_start3A_58, %dma_start3A_59] : memref<80x128xi32, #tpu.memory_space<vmem>> -> memref<40x128xi32, #tpu.memory_space<vmem>>
      %dma_start3A_61 = arith.constant 0 : i32
      %dma_start3A_62 = arith.constant 0 : i32
      %dma_start3A_63 = tpu.memref_slice %arg3[%run_scoped3A, %add3A, %dma_start3A_61, %dma_start3A_62] : memref<2x32x40x128xi32, #tpu.memory_space<hbm>> -> memref<1x1x40x128xi32, #tpu.memory_space<hbm>>
      %dma_start3A_64 = tpu.memref_squeeze %dma_start3A_63 : memref<1x1x40x128xi32, #tpu.memory_space<hbm>> -> memref<40x128xi32, #tpu.memory_space<hbm>>
      %dma_start3A_65 = arith.constant 0 : i32
      %dma_start3A_66 = arith.constant 0 : i32
      %dma_start3A_67 = tpu.memref_slice %arg5[%dma_start3A_65, %dma_start3A_66] : memref<80x128xi32, #tpu.memory_space<vmem>> -> memref<40x128xi32, #tpu.memory_space<vmem>>
      %dma_start3A_68 = arith.constant 0 : i32
      %dma_start3A_69 = arith.constant 0 : i32
      %dma_start3A_70 = tpu.memref_slice %arg3[%run_scoped3A, %add3A, %dma_start3A_68, %dma_start3A_69] : memref<2x32x40x128xi32, #tpu.memory_space<hbm>> -> memref<1x1x40x128xi32, #tpu.memory_space<hbm>>
      %dma_start3A_71 = tpu.memref_squeeze %dma_start3A_70 : memref<1x1x40x128xi32, #tpu.memory_space<hbm>> -> memref<40x128xi32, #tpu.memory_space<hbm>>
      tpu.enqueue_dma source(%dma_start3A_71 : memref<40x128xi32, #tpu.memory_space<hbm>>) target(%dma_start3A_67 : memref<40x128xi32, #tpu.memory_space<vmem>>) target_semaphore(%run_scoped3A_57 : memref<!tpu.dma_semaphore, #tpu.memory_space<semaphore_mem>>)
      %dma_wait3A_72 = arith.constant 0 : i32
      %dma_wait3A_73 = arith.constant 0 : i32
      %dma_wait3A_74 = tpu.memref_slice %arg5[%dma_wait3A_72, %dma_wait3A_73] : memref<80x128xi32, #tpu.memory_space<vmem>> -> memref<40x128xi32, #tpu.memory_space<vmem>>
      %dma_wait3A_75 = arith.constant 0 : i32
      %dma_wait3A_76 = arith.constant 0 : i32
      %dma_wait3A_77 = tpu.memref_slice %arg3[%run_scoped3A, %add3A, %dma_wait3A_75, %dma_wait3A_76] : memref<2x32x40x128xi32, #tpu.memory_space<hbm>> -> memref<1x1x40x128xi32, #tpu.memory_space<hbm>>
      %dma_wait3A_78 = tpu.memref_squeeze %dma_wait3A_77 : memref<1x1x40x128xi32, #tpu.memory_space<hbm>> -> memref<40x128xi32, #tpu.memory_space<hbm>>
      %dma_wait3A_79 = arith.constant 0 : i32
      %dma_wait3A_80 = arith.constant 0 : i32
      %dma_wait3A_81 = tpu.memref_slice %arg5[%dma_wait3A_79, %dma_wait3A_80] : memref<80x128xi32, #tpu.memory_space<vmem>> -> memref<40x128xi32, #tpu.memory_space<vmem>>
      %dma_wait3A_82 = arith.constant 0 : i32
      %dma_wait3A_83 = arith.constant 0 : i32
      %dma_wait3A_84 = tpu.memref_slice %arg3[%run_scoped3A, %add3A, %dma_wait3A_82, %dma_wait3A_83] : memref<2x32x40x128xi32, #tpu.memory_space<hbm>> -> memref<1x1x40x128xi32, #tpu.memory_space<hbm>>
      %dma_wait3A_85 = tpu.memref_squeeze %dma_wait3A_84 : memref<1x1x40x128xi32, #tpu.memory_space<hbm>> -> memref<40x128xi32, #tpu.memory_space<hbm>>
      tpu.wait_dma2 semaphore(%run_scoped3A_57 : memref<!tpu.dma_semaphore, #tpu.memory_space<semaphore_mem>>) src(%dma_wait3A_85 : memref<40x128xi32, #tpu.memory_space<hbm>>) dst(%dma_wait3A_81 : memref<40x128xi32, #tpu.memory_space<vmem>>)
      tpu.yield
    }) : () -> ()
    %run_scoped3A_1 = arith.constant 1 : i32
    "tpu.region"() ({
      %run_scoped3A_57 = tpu.sem_alloc : memref<!tpu.dma_semaphore, #tpu.memory_space<semaphore_mem>>
      %dma_start3A_58 = arith.constant 40 : i32
      %dma_start3A_59 = arith.constant 0 : i32
      %dma_start3A_60 = tpu.memref_slice %arg5[%dma_start3A_58, %dma_start3A_59] : memref<80x128xi32, #tpu.memory_space<vmem>> -> memref<40x128xi32, #tpu.memory_space<vmem>>
      %dma_start3A_61 = arith.constant 0 : i32
      %dma_start3A_62 = arith.constant 0 : i32
      %dma_start3A_63 = tpu.memref_slice %arg3[%run_scoped3A_1, %add3A, %dma_start3A_61, %dma_start3A_62] : memref<2x32x40x128xi32, #tpu.memory_space<hbm>> -> memref<1x1x40x128xi32, #tpu.memory_space<hbm>>
      %dma_start3A_64 = tpu.memref_squeeze %dma_start3A_63 : memref<1x1x40x128xi32, #tpu.memory_space<hbm>> -> memref<40x128xi32, #tpu.memory_space<hbm>>
      %dma_start3A_65 = arith.constant 40 : i32
      %dma_start3A_66 = arith.constant 0 : i32
      %dma_start3A_67 = tpu.memref_slice %arg5[%dma_start3A_65, %dma_start3A_66] : memref<80x128xi32, #tpu.memory_space<vmem>> -> memref<40x128xi32, #tpu.memory_space<vmem>>
      %dma_start3A_68 = arith.constant 0 : i32
      %dma_start3A_69 = arith.constant 0 : i32
      %dma_start3A_70 = tpu.memref_slice %arg3[%run_scoped3A_1, %add3A, %dma_start3A_68, %dma_start3A_69] : memref<2x32x40x128xi32, #tpu.memory_space<hbm>> -> memref<1x1x40x128xi32, #tpu.memory_space<hbm>>
      %dma_start3A_71 = tpu.memref_squeeze %dma_start3A_70 : memref<1x1x40x128xi32, #tpu.memory_space<hbm>> -> memref<40x128xi32, #tpu.memory_space<hbm>>
      tpu.enqueue_dma source(%dma_start3A_71 : memref<40x128xi32, #tpu.memory_space<hbm>>) target(%dma_start3A_67 : memref<40x128xi32, #tpu.memory_space<vmem>>) target_semaphore(%run_scoped3A_57 : memref<!tpu.dma_semaphore, #tpu.memory_space<semaphore_mem>>)
      %dma_wait3A_72 = arith.constant 40 : i32
      %dma_wait3A_73 = arith.constant 0 : i32
      %dma_wait3A_74 = tpu.memref_slice %arg5[%dma_wait3A_72, %dma_wait3A_73] : memref<80x128xi32, #tpu.memory_space<vmem>> -> memref<40x128xi32, #tpu.memory_space<vmem>>
      %dma_wait3A_75 = arith.constant 0 : i32
      %dma_wait3A_76 = arith.constant 0 : i32
      %dma_wait3A_77 = tpu.memref_slice %arg3[%run_scoped3A_1, %add3A, %dma_wait3A_75, %dma_wait3A_76] : memref<2x32x40x128xi32, #tpu.memory_space<hbm>> -> memref<1x1x40x128xi32, #tpu.memory_space<hbm>>
      %dma_wait3A_78 = tpu.memref_squeeze %dma_wait3A_77 : memref<1x1x40x128xi32, #tpu.memory_space<hbm>> -> memref<40x128xi32, #tpu.memory_space<hbm>>
      %dma_wait3A_79 = arith.constant 40 : i32
      %dma_wait3A_80 = arith.constant 0 : i32
      %dma_wait3A_81 = tpu.memref_slice %arg5[%dma_wait3A_79, %dma_wait3A_80] : memref<80x128xi32, #tpu.memory_space<vmem>> -> memref<40x128xi32, #tpu.memory_space<vmem>>
      %dma_wait3A_82 = arith.constant 0 : i32
      %dma_wait3A_83 = arith.constant 0 : i32
      %dma_wait3A_84 = tpu.memref_slice %arg3[%run_scoped3A_1, %add3A, %dma_wait3A_82, %dma_wait3A_83] : memref<2x32x40x128xi32, #tpu.memory_space<hbm>> -> memref<1x1x40x128xi32, #tpu.memory_space<hbm>>
      %dma_wait3A_85 = tpu.memref_squeeze %dma_wait3A_84 : memref<1x1x40x128xi32, #tpu.memory_space<hbm>> -> memref<40x128xi32, #tpu.memory_space<hbm>>
      tpu.wait_dma2 semaphore(%run_scoped3A_57 : memref<!tpu.dma_semaphore, #tpu.memory_space<semaphore_mem>>) src(%dma_wait3A_85 : memref<40x128xi32, #tpu.memory_space<hbm>>) dst(%dma_wait3A_81 : memref<40x128xi32, #tpu.memory_space<vmem>>)
      tpu.yield
    }) : () -> ()
    %mul3A_2 = arith.constant 632 : i32
    %mul3A_3 = arith.muli %arg1, %mul3A_2 : i32
    %mul3A_4 = arith.constant 632 : i32
    %mul3A_5 = arith.muli %arg1, %mul3A_4 : i32
    "tpu.region"() ({
      %run_scoped3A_57 = tpu.sem_alloc : memref<!tpu.dma_semaphore, #tpu.memory_space<semaphore_mem>>
      %dma_start3A_58 = arith.constant 0 : i32
      %dma_start3A_59 = tpu.memref_slice %arg8[%mul3A_5, %dma_start3A_58] : memref<10112x128xf32, #tpu.memory_space<vmem_shared>> -> memref<632x128xf32, #tpu.memory_space<vmem_shared>>
      %dma_start3A_60 = arith.constant 0 : i32
      %dma_start3A_61 = tpu.memref_slice %arg2[%mul3A_3, %dma_start3A_60] : memref<10112x128xf32, #tpu.memory_space<hbm>> -> memref<632x128xf32, #tpu.memory_space<hbm>>
      tpu.enqueue_dma source(%dma_start3A_61 : memref<632x128xf32, #tpu.memory_space<hbm>>) target(%dma_start3A_59 : memref<632x128xf32, #tpu.memory_space<vmem_shared>>) target_semaphore(%run_scoped3A_57 : memref<!tpu.dma_semaphore, #tpu.memory_space<semaphore_mem>>)
      %dma_wait3A_62 = arith.constant 0 : i32
      %dma_wait3A_63 = tpu.memref_slice %arg8[%mul3A_5, %dma_wait3A_62] : memref<10112x128xf32, #tpu.memory_space<vmem_shared>> -> memref<632x128xf32, #tpu.memory_space<vmem_shared>>
      %dma_wait3A_64 = arith.constant 0 : i32
      %dma_wait3A_65 = tpu.memref_slice %arg2[%mul3A_3, %dma_wait3A_64] : memref<10112x128xf32, #tpu.memory_space<hbm>> -> memref<632x128xf32, #tpu.memory_space<hbm>>
      tpu.wait_dma2 semaphore(%run_scoped3A_57 : memref<!tpu.dma_semaphore, #tpu.memory_space<semaphore_mem>>) src(%dma_wait3A_65 : memref<632x128xf32, #tpu.memory_space<hbm>>) dst(%dma_wait3A_63 : memref<632x128xf32, #tpu.memory_space<vmem_shared>>)
      tpu.yield
    }) : () -> ()
    %barrier3A = arith.constant 0 : index
    tpu.barrier barrier_id(%barrier3A)
    %mul3A_6 = arith.constant 5000 : i32
    %mul3A_7 = arith.muli %add3A, %mul3A_6 : i32
    %dma_start3A = arith.constant 0 : i32
    %dma_start3A_8 = arith.constant 0 : i32
    %dma_start3A_9 = tpu.memref_slice %arg5[%dma_start3A, %dma_start3A_8] : memref<80x128xi32, #tpu.memory_space<vmem>> -> memref<1x128xi32, #tpu.memory_space<vmem>>
    %dma_start3A_10 = tpu.memref_squeeze %dma_start3A_9 : memref<1x128xi32, #tpu.memory_space<vmem>> -> memref<128xi32, #tpu.memory_space<vmem>>
    %dma_start3A_11 = arith.constant 0 : i32
    %dma_start3A_12 = arith.constant 0 : i32
    %dma_start3A_13 = tpu.memref_slice %arg8[%dma_start3A_11, %dma_start3A_12] : memref<10112x128xf32, #tpu.memory_space<vmem_shared>> -> memref<10112x128xf32, #tpu.memory_space<vmem_shared>>
    tpu.enqueue_indirect_dma source(%dma_start3A_13 : memref<10112x128xf32, #tpu.memory_space<vmem_shared>>) target(%arg6 : memref<128x128xf32, #tpu.memory_space<vmem>>) offsets(%dma_start3A_10 : memref<128xi32, #tpu.memory_space<vmem>>) semaphore(%arg9 : memref<!tpu.dma_semaphore, #tpu.memory_space<semaphore_mem>>)
    %scan3A = arith.constant 0 : i32
    %scan3A_14 = arith.constant 0 : i32
    %scan3A_15 = arith.constant 19 : i32
    %scan3A_16 = arith.addi %scan3A_14, %scan3A_15 : i32
    %scan3A_17 = arith.constant 1 : i32
    scf.for %scan3A_57 = %scan3A_14 to %scan3A_16 step %scan3A_17  : i32 {
      %mul3A_58 = arith.constant 2 : i32
      %mul3A_59 = arith.muli %mul3A_58, %scan3A_57 : i32
      %dma_wait3A_60 = arith.constant 0 : i32
      %dma_wait3A_61 = arith.constant 0 : i32
      %dma_wait3A_62 = tpu.memref_slice %arg2[%dma_wait3A_60, %dma_wait3A_61] : memref<10112x128xf32, #tpu.memory_space<hbm>> -> memref<128x128xf32, #tpu.memory_space<hbm>>
      %dma_wait3A_63 = arith.constant 0 : i32
      %dma_wait3A_64 = arith.constant 0 : i32
      %dma_wait3A_65 = tpu.memref_slice %arg2[%dma_wait3A_63, %dma_wait3A_64] : memref<10112x128xf32, #tpu.memory_space<hbm>> -> memref<128x128xf32, #tpu.memory_space<hbm>>
      tpu.wait_dma2 semaphore(%arg9 : memref<!tpu.dma_semaphore, #tpu.memory_space<semaphore_mem>>) src(%dma_wait3A_65 : memref<128x128xf32, #tpu.memory_space<hbm>>) dst(%arg6 : memref<128x128xf32, #tpu.memory_space<vmem>>)
      %add3A_66 = arith.constant 0 : i32
      %add3A_67 = arith.addi %add3A_66, %mul3A_59 : i32
      %add3A_68 = arith.constant 1 : i32
      %add3A_69 = arith.addi %add3A_67, %add3A_68 : i32
      %dma_start3A_70 = arith.constant 0 : i32
      %dma_start3A_71 = tpu.memref_slice %arg5[%add3A_69, %dma_start3A_70] : memref<80x128xi32, #tpu.memory_space<vmem>> -> memref<1x128xi32, #tpu.memory_space<vmem>>
      %dma_start3A_72 = tpu.memref_squeeze %dma_start3A_71 : memref<1x128xi32, #tpu.memory_space<vmem>> -> memref<128xi32, #tpu.memory_space<vmem>>
      %dma_start3A_73 = arith.constant 0 : i32
      %dma_start3A_74 = arith.constant 0 : i32
      %dma_start3A_75 = tpu.memref_slice %arg8[%dma_start3A_73, %dma_start3A_74] : memref<10112x128xf32, #tpu.memory_space<vmem_shared>> -> memref<10112x128xf32, #tpu.memory_space<vmem_shared>>
      tpu.enqueue_indirect_dma source(%dma_start3A_75 : memref<10112x128xf32, #tpu.memory_space<vmem_shared>>) target(%arg7 : memref<128x128xf32, #tpu.memory_space<vmem>>) offsets(%dma_start3A_72 : memref<128xi32, #tpu.memory_space<vmem>>) semaphore(%arg10 : memref<!tpu.dma_semaphore, #tpu.memory_space<semaphore_mem>>)
      %mul3A_76 = arith.constant 128 : i32
      %mul3A_77 = arith.muli %mul3A_59, %mul3A_76 : i32
      %add3A_78 = arith.addi %mul3A_7, %mul3A_77 : i32
      %run_scoped3A_79 = arith.constant 0 : i32
      "tpu.region"() ({
        %run_scoped3A_102 = tpu.sem_alloc : memref<!tpu.dma_semaphore, #tpu.memory_space<semaphore_mem>>
        %dma_start3A_103 = arith.constant 0 : i32
        %dma_start3A_104 = arith.constant 0 : i32
        %dma_start3A_105 = tpu.memref_slice %arg4[%run_scoped3A_79, %dma_start3A_103, %dma_start3A_104] : memref<2x160000x128xf32, #tpu.memory_space<hbm>> -> memref<1x160000x128xf32, #tpu.memory_space<hbm>>
        %dma_start3A_106 = tpu.memref_squeeze %dma_start3A_105 : memref<1x160000x128xf32, #tpu.memory_space<hbm>> -> memref<160000x128xf32, #tpu.memory_space<hbm>>
        %dma_start3A_107 = arith.constant 0 : i32
        %dma_start3A_108 = tpu.memref_slice %dma_start3A_106[%add3A_78, %dma_start3A_107] : memref<160000x128xf32, #tpu.memory_space<hbm>> -> memref<128x128xf32, #tpu.memory_space<hbm>>
        %dma_start3A_109 = arith.constant 0 : i32
        %dma_start3A_110 = arith.constant 0 : i32
        %dma_start3A_111 = tpu.memref_slice %arg4[%run_scoped3A_79, %dma_start3A_109, %dma_start3A_110] : memref<2x160000x128xf32, #tpu.memory_space<hbm>> -> memref<1x160000x128xf32, #tpu.memory_space<hbm>>
        %dma_start3A_112 = tpu.memref_squeeze %dma_start3A_111 : memref<1x160000x128xf32, #tpu.memory_space<hbm>> -> memref<160000x128xf32, #tpu.memory_space<hbm>>
        %dma_start3A_113 = arith.constant 0 : i32
        %dma_start3A_114 = tpu.memref_slice %dma_start3A_112[%add3A_78, %dma_start3A_113] : memref<160000x128xf32, #tpu.memory_space<hbm>> -> memref<128x128xf32, #tpu.memory_space<hbm>>
        tpu.enqueue_dma source(%arg6 : memref<128x128xf32, #tpu.memory_space<vmem>>) target(%dma_start3A_114 : memref<128x128xf32, #tpu.memory_space<hbm>>) target_semaphore(%run_scoped3A_102 : memref<!tpu.dma_semaphore, #tpu.memory_space<semaphore_mem>>)
        %dma_wait3A_115 = arith.constant 0 : i32
        %dma_wait3A_116 = arith.constant 0 : i32
        %dma_wait3A_117 = tpu.memref_slice %arg4[%run_scoped3A_79, %dma_wait3A_115, %dma_wait3A_116] : memref<2x160000x128xf32, #tpu.memory_space<hbm>> -> memref<1x160000x128xf32, #tpu.memory_space<hbm>>
        %dma_wait3A_118 = tpu.memref_squeeze %dma_wait3A_117 : memref<1x160000x128xf32, #tpu.memory_space<hbm>> -> memref<160000x128xf32, #tpu.memory_space<hbm>>
        %dma_wait3A_119 = arith.constant 0 : i32
        %dma_wait3A_120 = tpu.memref_slice %dma_wait3A_118[%add3A_78, %dma_wait3A_119] : memref<160000x128xf32, #tpu.memory_space<hbm>> -> memref<128x128xf32, #tpu.memory_space<hbm>>
        %dma_wait3A_121 = arith.constant 0 : i32
        %dma_wait3A_122 = arith.constant 0 : i32
        %dma_wait3A_123 = tpu.memref_slice %arg4[%run_scoped3A_79, %dma_wait3A_121, %dma_wait3A_122] : memref<2x160000x128xf32, #tpu.memory_space<hbm>> -> memref<1x160000x128xf32, #tpu.memory_space<hbm>>
        %dma_wait3A_124 = tpu.memref_squeeze %dma_wait3A_123 : memref<1x160000x128xf32, #tpu.memory_space<hbm>> -> memref<160000x128xf32, #tpu.memory_space<hbm>>
        %dma_wait3A_125 = arith.constant 0 : i32
        %dma_wait3A_126 = tpu.memref_slice %dma_wait3A_124[%add3A_78, %dma_wait3A_125] : memref<160000x128xf32, #tpu.memory_space<hbm>> -> memref<128x128xf32, #tpu.memory_space<hbm>>
        tpu.wait_dma2 semaphore(%run_scoped3A_102 : memref<!tpu.dma_semaphore, #tpu.memory_space<semaphore_mem>>) src(%arg6 : memref<128x128xf32, #tpu.memory_space<vmem>>) dst(%dma_wait3A_126 : memref<128x128xf32, #tpu.memory_space<hbm>>)
        tpu.yield
      }) : () -> ()
      %dma_wait3A_80 = arith.constant 0 : i32
      %dma_wait3A_81 = arith.constant 0 : i32
      %dma_wait3A_82 = tpu.memref_slice %arg2[%dma_wait3A_80, %dma_wait3A_81] : memref<10112x128xf32, #tpu.memory_space<hbm>> -> memref<128x128xf32, #tpu.memory_space<hbm>>
      %dma_wait3A_83 = arith.constant 0 : i32
      %dma_wait3A_84 = arith.constant 0 : i32
      %dma_wait3A_85 = tpu.memref_slice %arg2[%dma_wait3A_83, %dma_wait3A_84] : memref<10112x128xf32, #tpu.memory_space<hbm>> -> memref<128x128xf32, #tpu.memory_space<hbm>>
      tpu.wait_dma2 semaphore(%arg10 : memref<!tpu.dma_semaphore, #tpu.memory_space<semaphore_mem>>) src(%dma_wait3A_85 : memref<128x128xf32, #tpu.memory_space<hbm>>) dst(%arg7 : memref<128x128xf32, #tpu.memory_space<vmem>>)
      %add3A_86 = arith.constant 0 : i32
      %add3A_87 = arith.addi %add3A_86, %mul3A_59 : i32
      %add3A_88 = arith.constant 2 : i32
      %add3A_89 = arith.addi %add3A_87, %add3A_88 : i32
      %dma_start3A_90 = arith.constant 0 : i32
      %dma_start3A_91 = tpu.memref_slice %arg5[%add3A_89, %dma_start3A_90] : memref<80x128xi32, #tpu.memory_space<vmem>> -> memref<1x128xi32, #tpu.memory_space<vmem>>
      %dma_start3A_92 = tpu.memref_squeeze %dma_start3A_91 : memref<1x128xi32, #tpu.memory_space<vmem>> -> memref<128xi32, #tpu.memory_space<vmem>>
      %dma_start3A_93 = arith.constant 0 : i32
      %dma_start3A_94 = arith.constant 0 : i32
      %dma_start3A_95 = tpu.memref_slice %arg8[%dma_start3A_93, %dma_start3A_94] : memref<10112x128xf32, #tpu.memory_space<vmem_shared>> -> memref<10112x128xf32, #tpu.memory_space<vmem_shared>>
      tpu.enqueue_indirect_dma source(%dma_start3A_95 : memref<10112x128xf32, #tpu.memory_space<vmem_shared>>) target(%arg6 : memref<128x128xf32, #tpu.memory_space<vmem>>) offsets(%dma_start3A_92 : memref<128xi32, #tpu.memory_space<vmem>>) semaphore(%arg9 : memref<!tpu.dma_semaphore, #tpu.memory_space<semaphore_mem>>)
      %add3A_96 = arith.constant 1 : i32
      %add3A_97 = arith.addi %mul3A_59, %add3A_96 : i32
      %mul3A_98 = arith.constant 128 : i32
      %mul3A_99 = arith.muli %add3A_97, %mul3A_98 : i32
      %add3A_100 = arith.addi %mul3A_7, %mul3A_99 : i32
      %run_scoped3A_101 = arith.constant 0 : i32
      "tpu.region"() ({
        %run_scoped3A_102 = tpu.sem_alloc : memref<!tpu.dma_semaphore, #tpu.memory_space<semaphore_mem>>
        %dma_start3A_103 = arith.constant 0 : i32
        %dma_start3A_104 = arith.constant 0 : i32
        %dma_start3A_105 = tpu.memref_slice %arg4[%run_scoped3A_101, %dma_start3A_103, %dma_start3A_104] : memref<2x160000x128xf32, #tpu.memory_space<hbm>> -> memref<1x160000x128xf32, #tpu.memory_space<hbm>>
        %dma_start3A_106 = tpu.memref_squeeze %dma_start3A_105 : memref<1x160000x128xf32, #tpu.memory_space<hbm>> -> memref<160000x128xf32, #tpu.memory_space<hbm>>
        %dma_start3A_107 = arith.constant 0 : i32
        %dma_start3A_108 = tpu.memref_slice %dma_start3A_106[%add3A_100, %dma_start3A_107] : memref<160000x128xf32, #tpu.memory_space<hbm>> -> memref<128x128xf32, #tpu.memory_space<hbm>>
        %dma_start3A_109 = arith.constant 0 : i32
        %dma_start3A_110 = arith.constant 0 : i32
        %dma_start3A_111 = tpu.memref_slice %arg4[%run_scoped3A_101, %dma_start3A_109, %dma_start3A_110] : memref<2x160000x128xf32, #tpu.memory_space<hbm>> -> memref<1x160000x128xf32, #tpu.memory_space<hbm>>
        %dma_start3A_112 = tpu.memref_squeeze %dma_start3A_111 : memref<1x160000x128xf32, #tpu.memory_space<hbm>> -> memref<160000x128xf32, #tpu.memory_space<hbm>>
        %dma_start3A_113 = arith.constant 0 : i32
        %dma_start3A_114 = tpu.memref_slice %dma_start3A_112[%add3A_100, %dma_start3A_113] : memref<160000x128xf32, #tpu.memory_space<hbm>> -> memref<128x128xf32, #tpu.memory_space<hbm>>
        tpu.enqueue_dma source(%arg7 : memref<128x128xf32, #tpu.memory_space<vmem>>) target(%dma_start3A_114 : memref<128x128xf32, #tpu.memory_space<hbm>>) target_semaphore(%run_scoped3A_102 : memref<!tpu.dma_semaphore, #tpu.memory_space<semaphore_mem>>)
        %dma_wait3A_115 = arith.constant 0 : i32
        %dma_wait3A_116 = arith.constant 0 : i32
        %dma_wait3A_117 = tpu.memref_slice %arg4[%run_scoped3A_101, %dma_wait3A_115, %dma_wait3A_116] : memref<2x160000x128xf32, #tpu.memory_space<hbm>> -> memref<1x160000x128xf32, #tpu.memory_space<hbm>>
        %dma_wait3A_118 = tpu.memref_squeeze %dma_wait3A_117 : memref<1x160000x128xf32, #tpu.memory_space<hbm>> -> memref<160000x128xf32, #tpu.memory_space<hbm>>
        %dma_wait3A_119 = arith.constant 0 : i32
        %dma_wait3A_120 = tpu.memref_slice %dma_wait3A_118[%add3A_100, %dma_wait3A_119] : memref<160000x128xf32, #tpu.memory_space<hbm>> -> memref<128x128xf32, #tpu.memory_space<hbm>>
        %dma_wait3A_121 = arith.constant 0 : i32
        %dma_wait3A_122 = arith.constant 0 : i32
        %dma_wait3A_123 = tpu.memref_slice %arg4[%run_scoped3A_101, %dma_wait3A_121, %dma_wait3A_122] : memref<2x160000x128xf32, #tpu.memory_space<hbm>> -> memref<1x160000x128xf32, #tpu.memory_space<hbm>>
        %dma_wait3A_124 = tpu.memref_squeeze %dma_wait3A_123 : memref<1x160000x128xf32, #tpu.memory_space<hbm>> -> memref<160000x128xf32, #tpu.memory_space<hbm>>
        %dma_wait3A_125 = arith.constant 0 : i32
        %dma_wait3A_126 = tpu.memref_slice %dma_wait3A_124[%add3A_100, %dma_wait3A_125] : memref<160000x128xf32, #tpu.memory_space<hbm>> -> memref<128x128xf32, #tpu.memory_space<hbm>>
        tpu.wait_dma2 semaphore(%run_scoped3A_102 : memref<!tpu.dma_semaphore, #tpu.memory_space<semaphore_mem>>) src(%arg7 : memref<128x128xf32, #tpu.memory_space<vmem>>) dst(%dma_wait3A_126 : memref<128x128xf32, #tpu.memory_space<hbm>>)
        tpu.yield
      }) : () -> ()
    }
    %scan3A_18 = arith.constant 19 : i32
    %dma_wait3A = arith.constant 0 : i32
    %dma_wait3A_19 = arith.constant 0 : i32
    %dma_wait3A_20 = tpu.memref_slice %arg2[%dma_wait3A, %dma_wait3A_19] : memref<10112x128xf32, #tpu.memory_space<hbm>> -> memref<128x128xf32, #tpu.memory_space<hbm>>
    %dma_wait3A_21 = arith.constant 0 : i32
    %dma_wait3A_22 = arith.constant 0 : i32
    %dma_wait3A_23 = tpu.memref_slice %arg2[%dma_wait3A_21, %dma_wait3A_22] : memref<10112x128xf32, #tpu.memory_space<hbm>> -> memref<128x128xf32, #tpu.memory_space<hbm>>
    tpu.wait_dma2 semaphore(%arg9 : memref<!tpu.dma_semaphore, #tpu.memory_space<semaphore_mem>>) src(%dma_wait3A_23 : memref<128x128xf32, #tpu.memory_space<hbm>>) dst(%arg6 : memref<128x128xf32, #tpu.memory_space<vmem>>)
    %add3A_24 = arith.constant 4864 : i32
    %add3A_25 = arith.addi %mul3A_7, %add3A_24 : i32
    %run_scoped3A_26 = arith.constant 0 : i32
    "tpu.region"() ({
      %run_scoped3A_57 = tpu.sem_alloc : memref<!tpu.dma_semaphore, #tpu.memory_space<semaphore_mem>>
      %dma_start3A_58 = arith.constant 0 : i32
      %dma_start3A_59 = arith.constant 0 : i32
      %dma_start3A_60 = tpu.memref_slice %arg4[%run_scoped3A_26, %dma_start3A_58, %dma_start3A_59] : memref<2x160000x128xf32, #tpu.memory_space<hbm>> -> memref<1x160000x128xf32, #tpu.memory_space<hbm>>
      %dma_start3A_61 = tpu.memref_squeeze %dma_start3A_60 : memref<1x160000x128xf32, #tpu.memory_space<hbm>> -> memref<160000x128xf32, #tpu.memory_space<hbm>>
      %dma_start3A_62 = arith.constant 0 : i32
      %dma_start3A_63 = tpu.memref_slice %dma_start3A_61[%add3A_25, %dma_start3A_62] : memref<160000x128xf32, #tpu.memory_space<hbm>> -> memref<128x128xf32, #tpu.memory_space<hbm>>
      %dma_start3A_64 = arith.constant 0 : i32
      %dma_start3A_65 = arith.constant 0 : i32
      %dma_start3A_66 = tpu.memref_slice %arg4[%run_scoped3A_26, %dma_start3A_64, %dma_start3A_65] : memref<2x160000x128xf32, #tpu.memory_space<hbm>> -> memref<1x160000x128xf32, #tpu.memory_space<hbm>>
      %dma_start3A_67 = tpu.memref_squeeze %dma_start3A_66 : memref<1x160000x128xf32, #tpu.memory_space<hbm>> -> memref<160000x128xf32, #tpu.memory_space<hbm>>
      %dma_start3A_68 = arith.constant 0 : i32
      %dma_start3A_69 = tpu.memref_slice %dma_start3A_67[%add3A_25, %dma_start3A_68] : memref<160000x128xf32, #tpu.memory_space<hbm>> -> memref<128x128xf32, #tpu.memory_space<hbm>>
      tpu.enqueue_dma source(%arg6 : memref<128x128xf32, #tpu.memory_space<vmem>>) target(%dma_start3A_69 : memref<128x128xf32, #tpu.memory_space<hbm>>) target_semaphore(%run_scoped3A_57 : memref<!tpu.dma_semaphore, #tpu.memory_space<semaphore_mem>>)
      %dma_wait3A_70 = arith.constant 0 : i32
      %dma_wait3A_71 = arith.constant 0 : i32
      %dma_wait3A_72 = tpu.memref_slice %arg4[%run_scoped3A_26, %dma_wait3A_70, %dma_wait3A_71] : memref<2x160000x128xf32, #tpu.memory_space<hbm>> -> memref<1x160000x128xf32, #tpu.memory_space<hbm>>
      %dma_wait3A_73 = tpu.memref_squeeze %dma_wait3A_72 : memref<1x160000x128xf32, #tpu.memory_space<hbm>> -> memref<160000x128xf32, #tpu.memory_space<hbm>>
      %dma_wait3A_74 = arith.constant 0 : i32
      %dma_wait3A_75 = tpu.memref_slice %dma_wait3A_73[%add3A_25, %dma_wait3A_74] : memref<160000x128xf32, #tpu.memory_space<hbm>> -> memref<128x128xf32, #tpu.memory_space<hbm>>
      %dma_wait3A_76 = arith.constant 0 : i32
      %dma_wait3A_77 = arith.constant 0 : i32
      %dma_wait3A_78 = tpu.memref_slice %arg4[%run_scoped3A_26, %dma_wait3A_76, %dma_wait3A_77] : memref<2x160000x128xf32, #tpu.memory_space<hbm>> -> memref<1x160000x128xf32, #tpu.memory_space<hbm>>
      %dma_wait3A_79 = tpu.memref_squeeze %dma_wait3A_78 : memref<1x160000x128xf32, #tpu.memory_space<hbm>> -> memref<160000x128xf32, #tpu.memory_space<hbm>>
      %dma_wait3A_80 = arith.constant 0 : i32
      %dma_wait3A_81 = tpu.memref_slice %dma_wait3A_79[%add3A_25, %dma_wait3A_80] : memref<160000x128xf32, #tpu.memory_space<hbm>> -> memref<128x128xf32, #tpu.memory_space<hbm>>
      tpu.wait_dma2 semaphore(%run_scoped3A_57 : memref<!tpu.dma_semaphore, #tpu.memory_space<semaphore_mem>>) src(%arg6 : memref<128x128xf32, #tpu.memory_space<vmem>>) dst(%dma_wait3A_81 : memref<128x128xf32, #tpu.memory_space<hbm>>)
      tpu.yield
    }) : () -> ()
    %run_scoped3A_27 = arith.constant 39 : i32
    "tpu.region"() ({
      %run_scoped3A_57 = tpu.sem_alloc : memref<!tpu.dma_semaphore, #tpu.memory_space<semaphore_mem>>
      %dma_start3A_58 = arith.constant 0 : i32
      %dma_start3A_59 = tpu.memref_slice %arg5[%run_scoped3A_27, %dma_start3A_58] : memref<80x128xi32, #tpu.memory_space<vmem>> -> memref<1x128xi32, #tpu.memory_space<vmem>>
      %dma_start3A_60 = tpu.memref_squeeze %dma_start3A_59 : memref<1x128xi32, #tpu.memory_space<vmem>> -> memref<128xi32, #tpu.memory_space<vmem>>
      %dma_start3A_61 = arith.constant 0 : i32
      %dma_start3A_62 = arith.constant 0 : i32
      %dma_start3A_63 = tpu.memref_slice %arg8[%dma_start3A_61, %dma_start3A_62] : memref<10112x128xf32, #tpu.memory_space<vmem_shared>> -> memref<10112x128xf32, #tpu.memory_space<vmem_shared>>
      tpu.enqueue_indirect_dma source(%dma_start3A_63 : memref<10112x128xf32, #tpu.memory_space<vmem_shared>>) target(%arg7 : memref<128x128xf32, #tpu.memory_space<vmem>>) offsets(%dma_start3A_60 : memref<128xi32, #tpu.memory_space<vmem>>) semaphore(%run_scoped3A_57 : memref<!tpu.dma_semaphore, #tpu.memory_space<semaphore_mem>>)
      %dma_wait3A_64 = arith.constant 0 : i32
      %dma_wait3A_65 = tpu.memref_slice %arg5[%run_scoped3A_27, %dma_wait3A_64] : memref<80x128xi32, #tpu.memory_space<vmem>> -> memref<1x128xi32, #tpu.memory_space<vmem>>
      %dma_wait3A_66 = tpu.memref_squeeze %dma_wait3A_65 : memref<1x128xi32, #tpu.memory_space<vmem>> -> memref<128xi32, #tpu.memory_space<vmem>>
      %dma_wait3A_67 = arith.constant 0 : i32
      %dma_wait3A_68 = arith.constant 0 : i32
      %dma_wait3A_69 = tpu.memref_slice %arg8[%dma_wait3A_67, %dma_wait3A_68] : memref<10112x128xf32, #tpu.memory_space<vmem_shared>> -> memref<10112x128xf32, #tpu.memory_space<vmem_shared>>
      tpu.wait_indirect_dma semaphore(%run_scoped3A_57 : memref<!tpu.dma_semaphore, #tpu.memory_space<semaphore_mem>>) src(%dma_wait3A_69 : memref<10112x128xf32, #tpu.memory_space<vmem_shared>>) dst(%arg7 : memref<128x128xf32, #tpu.memory_space<vmem>>)
      tpu.yield
    }) : () -> ()
    %add3A_28 = arith.constant 4992 : i32
    %add3A_29 = arith.addi %mul3A_7, %add3A_28 : i32
    %run_scoped3A_30 = arith.constant 0 : i32
    "tpu.region"() ({
      %run_scoped3A_57 = tpu.sem_alloc : memref<!tpu.dma_semaphore, #tpu.memory_space<semaphore_mem>>
      %dma_start3A_58 = arith.constant 0 : i32
      %dma_start3A_59 = arith.constant 0 : i32
      %dma_start3A_60 = tpu.memref_slice %arg7[%dma_start3A_58, %dma_start3A_59] : memref<128x128xf32, #tpu.memory_space<vmem>> -> memref<8x128xf32, #tpu.memory_space<vmem>>
      %dma_start3A_61 = arith.constant 0 : i32
      %dma_start3A_62 = arith.constant 0 : i32
      %dma_start3A_63 = tpu.memref_slice %arg4[%run_scoped3A_30, %dma_start3A_61, %dma_start3A_62] : memref<2x160000x128xf32, #tpu.memory_space<hbm>> -> memref<1x160000x128xf32, #tpu.memory_space<hbm>>
      %dma_start3A_64 = tpu.memref_squeeze %dma_start3A_63 : memref<1x160000x128xf32, #tpu.memory_space<hbm>> -> memref<160000x128xf32, #tpu.memory_space<hbm>>
      %dma_start3A_65 = arith.constant 0 : i32
      %dma_start3A_66 = tpu.memref_slice %dma_start3A_64[%add3A_29, %dma_start3A_65] : memref<160000x128xf32, #tpu.memory_space<hbm>> -> memref<8x128xf32, #tpu.memory_space<hbm>>
      %dma_start3A_67 = arith.constant 0 : i32
      %dma_start3A_68 = arith.constant 0 : i32
      %dma_start3A_69 = tpu.memref_slice %arg4[%run_scoped3A_30, %dma_start3A_67, %dma_start3A_68] : memref<2x160000x128xf32, #tpu.memory_space<hbm>> -> memref<1x160000x128xf32, #tpu.memory_space<hbm>>
      %dma_start3A_70 = tpu.memref_squeeze %dma_start3A_69 : memref<1x160000x128xf32, #tpu.memory_space<hbm>> -> memref<160000x128xf32, #tpu.memory_space<hbm>>
      %dma_start3A_71 = arith.constant 0 : i32
      %dma_start3A_72 = tpu.memref_slice %dma_start3A_70[%add3A_29, %dma_start3A_71] : memref<160000x128xf32, #tpu.memory_space<hbm>> -> memref<8x128xf32, #tpu.memory_space<hbm>>
      %dma_start3A_73 = arith.constant 0 : i32
      %dma_start3A_74 = arith.constant 0 : i32
      %dma_start3A_75 = tpu.memref_slice %arg7[%dma_start3A_73, %dma_start3A_74] : memref<128x128xf32, #tpu.memory_space<vmem>> -> memref<8x128xf32, #tpu.memory_space<vmem>>
      tpu.enqueue_dma source(%dma_start3A_75 : memref<8x128xf32, #tpu.memory_space<vmem>>) target(%dma_start3A_72 : memref<8x128xf32, #tpu.memory_space<hbm>>) target_semaphore(%run_scoped3A_57 : memref<!tpu.dma_semaphore, #tpu.memory_space<semaphore_mem>>)
      %dma_wait3A_76 = arith.constant 0 : i32
      %dma_wait3A_77 = arith.constant 0 : i32
      %dma_wait3A_78 = tpu.memref_slice %arg7[%dma_wait3A_76, %dma_wait3A_77] : memref<128x128xf32, #tpu.memory_space<vmem>> -> memref<8x128xf32, #tpu.memory_space<vmem>>
      %dma_wait3A_79 = arith.constant 0 : i32
      %dma_wait3A_80 = arith.constant 0 : i32
      %dma_wait3A_81 = tpu.memref_slice %arg4[%run_scoped3A_30, %dma_wait3A_79, %dma_wait3A_80] : memref<2x160000x128xf32, #tpu.memory_space<hbm>> -> memref<1x160000x128xf32, #tpu.memory_space<hbm>>
      %dma_wait3A_82 = tpu.memref_squeeze %dma_wait3A_81 : memref<1x160000x128xf32, #tpu.memory_space<hbm>> -> memref<160000x128xf32, #tpu.memory_space<hbm>>
      %dma_wait3A_83 = arith.constant 0 : i32
      %dma_wait3A_84 = tpu.memref_slice %dma_wait3A_82[%add3A_29, %dma_wait3A_83] : memref<160000x128xf32, #tpu.memory_space<hbm>> -> memref<8x128xf32, #tpu.memory_space<hbm>>
      %dma_wait3A_85 = arith.constant 0 : i32
      %dma_wait3A_86 = arith.constant 0 : i32
      %dma_wait3A_87 = tpu.memref_slice %arg4[%run_scoped3A_30, %dma_wait3A_85, %dma_wait3A_86] : memref<2x160000x128xf32, #tpu.memory_space<hbm>> -> memref<1x160000x128xf32, #tpu.memory_space<hbm>>
      %dma_wait3A_88 = tpu.memref_squeeze %dma_wait3A_87 : memref<1x160000x128xf32, #tpu.memory_space<hbm>> -> memref<160000x128xf32, #tpu.memory_space<hbm>>
      %dma_wait3A_89 = arith.constant 0 : i32
      %dma_wait3A_90 = tpu.memref_slice %dma_wait3A_88[%add3A_29, %dma_wait3A_89] : memref<160000x128xf32, #tpu.memory_space<hbm>> -> memref<8x128xf32, #tpu.memory_space<hbm>>
      %dma_wait3A_91 = arith.constant 0 : i32
      %dma_wait3A_92 = arith.constant 0 : i32
      %dma_wait3A_93 = tpu.memref_slice %arg7[%dma_wait3A_91, %dma_wait3A_92] : memref<128x128xf32, #tpu.memory_space<vmem>> -> memref<8x128xf32, #tpu.memory_space<vmem>>
      tpu.wait_dma2 semaphore(%run_scoped3A_57 : memref<!tpu.dma_semaphore, #tpu.memory_space<semaphore_mem>>) src(%dma_wait3A_93 : memref<8x128xf32, #tpu.memory_space<vmem>>) dst(%dma_wait3A_90 : memref<8x128xf32, #tpu.memory_space<hbm>>)
      tpu.yield
    }) : () -> ()
    %dma_start3A_31 = arith.constant 40 : i32
    %dma_start3A_32 = arith.constant 0 : i32
    %dma_start3A_33 = tpu.memref_slice %arg5[%dma_start3A_31, %dma_start3A_32] : memref<80x128xi32, #tpu.memory_space<vmem>> -> memref<1x128xi32, #tpu.memory_space<vmem>>
    %dma_start3A_34 = tpu.memref_squeeze %dma_start3A_33 : memref<1x128xi32, #tpu.memory_space<vmem>> -> memref<128xi32, #tpu.memory_space<vmem>>
    %dma_start3A_35 = arith.constant 0 : i32
    %dma_start3A_36 = arith.constant 0 : i32
    %dma_start3A_37 = tpu.memref_slice %arg8[%dma_start3A_35, %dma_start3A_36] : memref<10112x128xf32, #tpu.memory_space<vmem_shared>> -> memref<10112x128xf32, #tpu.memory_space<vmem_shared>>
    tpu.enqueue_indirect_dma source(%dma_start3A_37 : memref<10112x128xf32, #tpu.memory_space<vmem_shared>>) target(%arg6 : memref<128x128xf32, #tpu.memory_space<vmem>>) offsets(%dma_start3A_34 : memref<128xi32, #tpu.memory_space<vmem>>) semaphore(%arg9 : memref<!tpu.dma_semaphore, #tpu.memory_space<semaphore_mem>>)
    %scan3A_38 = arith.constant 0 : i32
    %scan3A_39 = arith.constant 0 : i32
    %scan3A_40 = arith.constant 19 : i32
    %scan3A_41 = arith.addi %scan3A_39, %scan3A_40 : i32
    %scan3A_42 = arith.constant 1 : i32
    scf.for %scan3A_57 = %scan3A_39 to %scan3A_41 step %scan3A_42  : i32 {
      %mul3A_58 = arith.constant 2 : i32
      %mul3A_59 = arith.muli %mul3A_58, %scan3A_57 : i32
      %dma_wait3A_60 = arith.constant 0 : i32
      %dma_wait3A_61 = arith.constant 0 : i32
      %dma_wait3A_62 = tpu.memref_slice %arg2[%dma_wait3A_60, %dma_wait3A_61] : memref<10112x128xf32, #tpu.memory_space<hbm>> -> memref<128x128xf32, #tpu.memory_space<hbm>>
      %dma_wait3A_63 = arith.constant 0 : i32
      %dma_wait3A_64 = arith.constant 0 : i32
      %dma_wait3A_65 = tpu.memref_slice %arg2[%dma_wait3A_63, %dma_wait3A_64] : memref<10112x128xf32, #tpu.memory_space<hbm>> -> memref<128x128xf32, #tpu.memory_space<hbm>>
      tpu.wait_dma2 semaphore(%arg9 : memref<!tpu.dma_semaphore, #tpu.memory_space<semaphore_mem>>) src(%dma_wait3A_65 : memref<128x128xf32, #tpu.memory_space<hbm>>) dst(%arg6 : memref<128x128xf32, #tpu.memory_space<vmem>>)
      %add3A_66 = arith.constant 40 : i32
      %add3A_67 = arith.addi %add3A_66, %mul3A_59 : i32
      %add3A_68 = arith.constant 1 : i32
      %add3A_69 = arith.addi %add3A_67, %add3A_68 : i32
      %dma_start3A_70 = arith.constant 0 : i32
      %dma_start3A_71 = tpu.memref_slice %arg5[%add3A_69, %dma_start3A_70] : memref<80x128xi32, #tpu.memory_space<vmem>> -> memref<1x128xi32, #tpu.memory_space<vmem>>
      %dma_start3A_72 = tpu.memref_squeeze %dma_start3A_71 : memref<1x128xi32, #tpu.memory_space<vmem>> -> memref<128xi32, #tpu.memory_space<vmem>>
      %dma_start3A_73 = arith.constant 0 : i32
      %dma_start3A_74 = arith.constant 0 : i32
      %dma_start3A_75 = tpu.memref_slice %arg8[%dma_start3A_73, %dma_start3A_74] : memref<10112x128xf32, #tpu.memory_space<vmem_shared>> -> memref<10112x128xf32, #tpu.memory_space<vmem_shared>>
      tpu.enqueue_indirect_dma source(%dma_start3A_75 : memref<10112x128xf32, #tpu.memory_space<vmem_shared>>) target(%arg7 : memref<128x128xf32, #tpu.memory_space<vmem>>) offsets(%dma_start3A_72 : memref<128xi32, #tpu.memory_space<vmem>>) semaphore(%arg10 : memref<!tpu.dma_semaphore, #tpu.memory_space<semaphore_mem>>)
      %mul3A_76 = arith.constant 128 : i32
      %mul3A_77 = arith.muli %mul3A_59, %mul3A_76 : i32
      %add3A_78 = arith.addi %mul3A_7, %mul3A_77 : i32
      %run_scoped3A_79 = arith.constant 1 : i32
      "tpu.region"() ({
        %run_scoped3A_102 = tpu.sem_alloc : memref<!tpu.dma_semaphore, #tpu.memory_space<semaphore_mem>>
        %dma_start3A_103 = arith.constant 0 : i32
        %dma_start3A_104 = arith.constant 0 : i32
        %dma_start3A_105 = tpu.memref_slice %arg4[%run_scoped3A_79, %dma_start3A_103, %dma_start3A_104] : memref<2x160000x128xf32, #tpu.memory_space<hbm>> -> memref<1x160000x128xf32, #tpu.memory_space<hbm>>
        %dma_start3A_106 = tpu.memref_squeeze %dma_start3A_105 : memref<1x160000x128xf32, #tpu.memory_space<hbm>> -> memref<160000x128xf32, #tpu.memory_space<hbm>>
        %dma_start3A_107 = arith.constant 0 : i32
        %dma_start3A_108 = tpu.memref_slice %dma_start3A_106[%add3A_78, %dma_start3A_107] : memref<160000x128xf32, #tpu.memory_space<hbm>> -> memref<128x128xf32, #tpu.memory_space<hbm>>
        %dma_start3A_109 = arith.constant 0 : i32
        %dma_start3A_110 = arith.constant 0 : i32
        %dma_start3A_111 = tpu.memref_slice %arg4[%run_scoped3A_79, %dma_start3A_109, %dma_start3A_110] : memref<2x160000x128xf32, #tpu.memory_space<hbm>> -> memref<1x160000x128xf32, #tpu.memory_space<hbm>>
        %dma_start3A_112 = tpu.memref_squeeze %dma_start3A_111 : memref<1x160000x128xf32, #tpu.memory_space<hbm>> -> memref<160000x128xf32, #tpu.memory_space<hbm>>
        %dma_start3A_113 = arith.constant 0 : i32
        %dma_start3A_114 = tpu.memref_slice %dma_start3A_112[%add3A_78, %dma_start3A_113] : memref<160000x128xf32, #tpu.memory_space<hbm>> -> memref<128x128xf32, #tpu.memory_space<hbm>>
        tpu.enqueue_dma source(%arg6 : memref<128x128xf32, #tpu.memory_space<vmem>>) target(%dma_start3A_114 : memref<128x128xf32, #tpu.memory_space<hbm>>) target_semaphore(%run_scoped3A_102 : memref<!tpu.dma_semaphore, #tpu.memory_space<semaphore_mem>>)
        %dma_wait3A_115 = arith.constant 0 : i32
        %dma_wait3A_116 = arith.constant 0 : i32
        %dma_wait3A_117 = tpu.memref_slice %arg4[%run_scoped3A_79, %dma_wait3A_115, %dma_wait3A_116] : memref<2x160000x128xf32, #tpu.memory_space<hbm>> -> memref<1x160000x128xf32, #tpu.memory_space<hbm>>
        %dma_wait3A_118 = tpu.memref_squeeze %dma_wait3A_117 : memref<1x160000x128xf32, #tpu.memory_space<hbm>> -> memref<160000x128xf32, #tpu.memory_space<hbm>>
        %dma_wait3A_119 = arith.constant 0 : i32
        %dma_wait3A_120 = tpu.memref_slice %dma_wait3A_118[%add3A_78, %dma_wait3A_119] : memref<160000x128xf32, #tpu.memory_space<hbm>> -> memref<128x128xf32, #tpu.memory_space<hbm>>
        %dma_wait3A_121 = arith.constant 0 : i32
        %dma_wait3A_122 = arith.constant 0 : i32
        %dma_wait3A_123 = tpu.memref_slice %arg4[%run_scoped3A_79, %dma_wait3A_121, %dma_wait3A_122] : memref<2x160000x128xf32, #tpu.memory_space<hbm>> -> memref<1x160000x128xf32, #tpu.memory_space<hbm>>
        %dma_wait3A_124 = tpu.memref_squeeze %dma_wait3A_123 : memref<1x160000x128xf32, #tpu.memory_space<hbm>> -> memref<160000x128xf32, #tpu.memory_space<hbm>>
        %dma_wait3A_125 = arith.constant 0 : i32
        %dma_wait3A_126 = tpu.memref_slice %dma_wait3A_124[%add3A_78, %dma_wait3A_125] : memref<160000x128xf32, #tpu.memory_space<hbm>> -> memref<128x128xf32, #tpu.memory_space<hbm>>
        tpu.wait_dma2 semaphore(%run_scoped3A_102 : memref<!tpu.dma_semaphore, #tpu.memory_space<semaphore_mem>>) src(%arg6 : memref<128x128xf32, #tpu.memory_space<vmem>>) dst(%dma_wait3A_126 : memref<128x128xf32, #tpu.memory_space<hbm>>)
        tpu.yield
      }) : () -> ()
      %dma_wait3A_80 = arith.constant 0 : i32
      %dma_wait3A_81 = arith.constant 0 : i32
      %dma_wait3A_82 = tpu.memref_slice %arg2[%dma_wait3A_80, %dma_wait3A_81] : memref<10112x128xf32, #tpu.memory_space<hbm>> -> memref<128x128xf32, #tpu.memory_space<hbm>>
      %dma_wait3A_83 = arith.constant 0 : i32
      %dma_wait3A_84 = arith.constant 0 : i32
      %dma_wait3A_85 = tpu.memref_slice %arg2[%dma_wait3A_83, %dma_wait3A_84] : memref<10112x128xf32, #tpu.memory_space<hbm>> -> memref<128x128xf32, #tpu.memory_space<hbm>>
      tpu.wait_dma2 semaphore(%arg10 : memref<!tpu.dma_semaphore, #tpu.memory_space<semaphore_mem>>) src(%dma_wait3A_85 : memref<128x128xf32, #tpu.memory_space<hbm>>) dst(%arg7 : memref<128x128xf32, #tpu.memory_space<vmem>>)
      %add3A_86 = arith.constant 40 : i32
      %add3A_87 = arith.addi %add3A_86, %mul3A_59 : i32
      %add3A_88 = arith.constant 2 : i32
      %add3A_89 = arith.addi %add3A_87, %add3A_88 : i32
      %dma_start3A_90 = arith.constant 0 : i32
      %dma_start3A_91 = tpu.memref_slice %arg5[%add3A_89, %dma_start3A_90] : memref<80x128xi32, #tpu.memory_space<vmem>> -> memref<1x128xi32, #tpu.memory_space<vmem>>
      %dma_start3A_92 = tpu.memref_squeeze %dma_start3A_91 : memref<1x128xi32, #tpu.memory_space<vmem>> -> memref<128xi32, #tpu.memory_space<vmem>>
      %dma_start3A_93 = arith.constant 0 : i32
      %dma_start3A_94 = arith.constant 0 : i32
      %dma_start3A_95 = tpu.memref_slice %arg8[%dma_start3A_93, %dma_start3A_94] : memref<10112x128xf32, #tpu.memory_space<vmem_shared>> -> memref<10112x128xf32, #tpu.memory_space<vmem_shared>>
      tpu.enqueue_indirect_dma source(%dma_start3A_95 : memref<10112x128xf32, #tpu.memory_space<vmem_shared>>) target(%arg6 : memref<128x128xf32, #tpu.memory_space<vmem>>) offsets(%dma_start3A_92 : memref<128xi32, #tpu.memory_space<vmem>>) semaphore(%arg9 : memref<!tpu.dma_semaphore, #tpu.memory_space<semaphore_mem>>)
      %add3A_96 = arith.constant 1 : i32
      %add3A_97 = arith.addi %mul3A_59, %add3A_96 : i32
      %mul3A_98 = arith.constant 128 : i32
      %mul3A_99 = arith.muli %add3A_97, %mul3A_98 : i32
      %add3A_100 = arith.addi %mul3A_7, %mul3A_99 : i32
      %run_scoped3A_101 = arith.constant 1 : i32
      "tpu.region"() ({
        %run_scoped3A_102 = tpu.sem_alloc : memref<!tpu.dma_semaphore, #tpu.memory_space<semaphore_mem>>
        %dma_start3A_103 = arith.constant 0 : i32
        %dma_start3A_104 = arith.constant 0 : i32
        %dma_start3A_105 = tpu.memref_slice %arg4[%run_scoped3A_101, %dma_start3A_103, %dma_start3A_104] : memref<2x160000x128xf32, #tpu.memory_space<hbm>> -> memref<1x160000x128xf32, #tpu.memory_space<hbm>>
        %dma_start3A_106 = tpu.memref_squeeze %dma_start3A_105 : memref<1x160000x128xf32, #tpu.memory_space<hbm>> -> memref<160000x128xf32, #tpu.memory_space<hbm>>
        %dma_start3A_107 = arith.constant 0 : i32
        %dma_start3A_108 = tpu.memref_slice %dma_start3A_106[%add3A_100, %dma_start3A_107] : memref<160000x128xf32, #tpu.memory_space<hbm>> -> memref<128x128xf32, #tpu.memory_space<hbm>>
        %dma_start3A_109 = arith.constant 0 : i32
        %dma_start3A_110 = arith.constant 0 : i32
        %dma_start3A_111 = tpu.memref_slice %arg4[%run_scoped3A_101, %dma_start3A_109, %dma_start3A_110] : memref<2x160000x128xf32, #tpu.memory_space<hbm>> -> memref<1x160000x128xf32, #tpu.memory_space<hbm>>
        %dma_start3A_112 = tpu.memref_squeeze %dma_start3A_111 : memref<1x160000x128xf32, #tpu.memory_space<hbm>> -> memref<160000x128xf32, #tpu.memory_space<hbm>>
        %dma_start3A_113 = arith.constant 0 : i32
        %dma_start3A_114 = tpu.memref_slice %dma_start3A_112[%add3A_100, %dma_start3A_113] : memref<160000x128xf32, #tpu.memory_space<hbm>> -> memref<128x128xf32, #tpu.memory_space<hbm>>
        tpu.enqueue_dma source(%arg7 : memref<128x128xf32, #tpu.memory_space<vmem>>) target(%dma_start3A_114 : memref<128x128xf32, #tpu.memory_space<hbm>>) target_semaphore(%run_scoped3A_102 : memref<!tpu.dma_semaphore, #tpu.memory_space<semaphore_mem>>)
        %dma_wait3A_115 = arith.constant 0 : i32
        %dma_wait3A_116 = arith.constant 0 : i32
        %dma_wait3A_117 = tpu.memref_slice %arg4[%run_scoped3A_101, %dma_wait3A_115, %dma_wait3A_116] : memref<2x160000x128xf32, #tpu.memory_space<hbm>> -> memref<1x160000x128xf32, #tpu.memory_space<hbm>>
        %dma_wait3A_118 = tpu.memref_squeeze %dma_wait3A_117 : memref<1x160000x128xf32, #tpu.memory_space<hbm>> -> memref<160000x128xf32, #tpu.memory_space<hbm>>
        %dma_wait3A_119 = arith.constant 0 : i32
        %dma_wait3A_120 = tpu.memref_slice %dma_wait3A_118[%add3A_100, %dma_wait3A_119] : memref<160000x128xf32, #tpu.memory_space<hbm>> -> memref<128x128xf32, #tpu.memory_space<hbm>>
        %dma_wait3A_121 = arith.constant 0 : i32
        %dma_wait3A_122 = arith.constant 0 : i32
        %dma_wait3A_123 = tpu.memref_slice %arg4[%run_scoped3A_101, %dma_wait3A_121, %dma_wait3A_122] : memref<2x160000x128xf32, #tpu.memory_space<hbm>> -> memref<1x160000x128xf32, #tpu.memory_space<hbm>>
        %dma_wait3A_124 = tpu.memref_squeeze %dma_wait3A_123 : memref<1x160000x128xf32, #tpu.memory_space<hbm>> -> memref<160000x128xf32, #tpu.memory_space<hbm>>
        %dma_wait3A_125 = arith.constant 0 : i32
        %dma_wait3A_126 = tpu.memref_slice %dma_wait3A_124[%add3A_100, %dma_wait3A_125] : memref<160000x128xf32, #tpu.memory_space<hbm>> -> memref<128x128xf32, #tpu.memory_space<hbm>>
        tpu.wait_dma2 semaphore(%run_scoped3A_102 : memref<!tpu.dma_semaphore, #tpu.memory_space<semaphore_mem>>) src(%arg7 : memref<128x128xf32, #tpu.memory_space<vmem>>) dst(%dma_wait3A_126 : memref<128x128xf32, #tpu.memory_space<hbm>>)
        tpu.yield
      }) : () -> ()
    }
    %scan3A_43 = arith.constant 19 : i32
    %dma_wait3A_44 = arith.constant 0 : i32
    %dma_wait3A_45 = arith.constant 0 : i32
    %dma_wait3A_46 = tpu.memref_slice %arg2[%dma_wait3A_44, %dma_wait3A_45] : memref<10112x128xf32, #tpu.memory_space<hbm>> -> memref<128x128xf32, #tpu.memory_space<hbm>>
    %dma_wait3A_47 = arith.constant 0 : i32
    %dma_wait3A_48 = arith.constant 0 : i32
    %dma_wait3A_49 = tpu.memref_slice %arg2[%dma_wait3A_47, %dma_wait3A_48] : memref<10112x128xf32, #tpu.memory_space<hbm>> -> memref<128x128xf32, #tpu.memory_space<hbm>>
    tpu.wait_dma2 semaphore(%arg9 : memref<!tpu.dma_semaphore, #tpu.memory_space<semaphore_mem>>) src(%dma_wait3A_49 : memref<128x128xf32, #tpu.memory_space<hbm>>) dst(%arg6 : memref<128x128xf32, #tpu.memory_space<vmem>>)
    %add3A_50 = arith.constant 4864 : i32
    %add3A_51 = arith.addi %mul3A_7, %add3A_50 : i32
    %run_scoped3A_52 = arith.constant 1 : i32
    "tpu.region"() ({
      %run_scoped3A_57 = tpu.sem_alloc : memref<!tpu.dma_semaphore, #tpu.memory_space<semaphore_mem>>
      %dma_start3A_58 = arith.constant 0 : i32
      %dma_start3A_59 = arith.constant 0 : i32
      %dma_start3A_60 = tpu.memref_slice %arg4[%run_scoped3A_52, %dma_start3A_58, %dma_start3A_59] : memref<2x160000x128xf32, #tpu.memory_space<hbm>> -> memref<1x160000x128xf32, #tpu.memory_space<hbm>>
      %dma_start3A_61 = tpu.memref_squeeze %dma_start3A_60 : memref<1x160000x128xf32, #tpu.memory_space<hbm>> -> memref<160000x128xf32, #tpu.memory_space<hbm>>
      %dma_start3A_62 = arith.constant 0 : i32
      %dma_start3A_63 = tpu.memref_slice %dma_start3A_61[%add3A_51, %dma_start3A_62] : memref<160000x128xf32, #tpu.memory_space<hbm>> -> memref<128x128xf32, #tpu.memory_space<hbm>>
      %dma_start3A_64 = arith.constant 0 : i32
      %dma_start3A_65 = arith.constant 0 : i32
      %dma_start3A_66 = tpu.memref_slice %arg4[%run_scoped3A_52, %dma_start3A_64, %dma_start3A_65] : memref<2x160000x128xf32, #tpu.memory_space<hbm>> -> memref<1x160000x128xf32, #tpu.memory_space<hbm>>
      %dma_start3A_67 = tpu.memref_squeeze %dma_start3A_66 : memref<1x160000x128xf32, #tpu.memory_space<hbm>> -> memref<160000x128xf32, #tpu.memory_space<hbm>>
      %dma_start3A_68 = arith.constant 0 : i32
      %dma_start3A_69 = tpu.memref_slice %dma_start3A_67[%add3A_51, %dma_start3A_68] : memref<160000x128xf32, #tpu.memory_space<hbm>> -> memref<128x128xf32, #tpu.memory_space<hbm>>
      tpu.enqueue_dma source(%arg6 : memref<128x128xf32, #tpu.memory_space<vmem>>) target(%dma_start3A_69 : memref<128x128xf32, #tpu.memory_space<hbm>>) target_semaphore(%run_scoped3A_57 : memref<!tpu.dma_semaphore, #tpu.memory_space<semaphore_mem>>)
      %dma_wait3A_70 = arith.constant 0 : i32
      %dma_wait3A_71 = arith.constant 0 : i32
      %dma_wait3A_72 = tpu.memref_slice %arg4[%run_scoped3A_52, %dma_wait3A_70, %dma_wait3A_71] : memref<2x160000x128xf32, #tpu.memory_space<hbm>> -> memref<1x160000x128xf32, #tpu.memory_space<hbm>>
      %dma_wait3A_73 = tpu.memref_squeeze %dma_wait3A_72 : memref<1x160000x128xf32, #tpu.memory_space<hbm>> -> memref<160000x128xf32, #tpu.memory_space<hbm>>
      %dma_wait3A_74 = arith.constant 0 : i32
      %dma_wait3A_75 = tpu.memref_slice %dma_wait3A_73[%add3A_51, %dma_wait3A_74] : memref<160000x128xf32, #tpu.memory_space<hbm>> -> memref<128x128xf32, #tpu.memory_space<hbm>>
      %dma_wait3A_76 = arith.constant 0 : i32
      %dma_wait3A_77 = arith.constant 0 : i32
      %dma_wait3A_78 = tpu.memref_slice %arg4[%run_scoped3A_52, %dma_wait3A_76, %dma_wait3A_77] : memref<2x160000x128xf32, #tpu.memory_space<hbm>> -> memref<1x160000x128xf32, #tpu.memory_space<hbm>>
      %dma_wait3A_79 = tpu.memref_squeeze %dma_wait3A_78 : memref<1x160000x128xf32, #tpu.memory_space<hbm>> -> memref<160000x128xf32, #tpu.memory_space<hbm>>
      %dma_wait3A_80 = arith.constant 0 : i32
      %dma_wait3A_81 = tpu.memref_slice %dma_wait3A_79[%add3A_51, %dma_wait3A_80] : memref<160000x128xf32, #tpu.memory_space<hbm>> -> memref<128x128xf32, #tpu.memory_space<hbm>>
      tpu.wait_dma2 semaphore(%run_scoped3A_57 : memref<!tpu.dma_semaphore, #tpu.memory_space<semaphore_mem>>) src(%arg6 : memref<128x128xf32, #tpu.memory_space<vmem>>) dst(%dma_wait3A_81 : memref<128x128xf32, #tpu.memory_space<hbm>>)
      tpu.yield
    }) : () -> ()
    %run_scoped3A_53 = arith.constant 79 : i32
    "tpu.region"() ({
      %run_scoped3A_57 = tpu.sem_alloc : memref<!tpu.dma_semaphore, #tpu.memory_space<semaphore_mem>>
      %dma_start3A_58 = arith.constant 0 : i32
      %dma_start3A_59 = tpu.memref_slice %arg5[%run_scoped3A_53, %dma_start3A_58] : memref<80x128xi32, #tpu.memory_space<vmem>> -> memref<1x128xi32, #tpu.memory_space<vmem>>
      %dma_start3A_60 = tpu.memref_squeeze %dma_start3A_59 : memref<1x128xi32, #tpu.memory_space<vmem>> -> memref<128xi32, #tpu.memory_space<vmem>>
      %dma_start3A_61 = arith.constant 0 : i32
      %dma_start3A_62 = arith.constant 0 : i32
      %dma_start3A_63 = tpu.memref_slice %arg8[%dma_start3A_61, %dma_start3A_62] : memref<10112x128xf32, #tpu.memory_space<vmem_shared>> -> memref<10112x128xf32, #tpu.memory_space<vmem_shared>>
      tpu.enqueue_indirect_dma source(%dma_start3A_63 : memref<10112x128xf32, #tpu.memory_space<vmem_shared>>) target(%arg7 : memref<128x128xf32, #tpu.memory_space<vmem>>) offsets(%dma_start3A_60 : memref<128xi32, #tpu.memory_space<vmem>>) semaphore(%run_scoped3A_57 : memref<!tpu.dma_semaphore, #tpu.memory_space<semaphore_mem>>)
      %dma_wait3A_64 = arith.constant 0 : i32
      %dma_wait3A_65 = tpu.memref_slice %arg5[%run_scoped3A_53, %dma_wait3A_64] : memref<80x128xi32, #tpu.memory_space<vmem>> -> memref<1x128xi32, #tpu.memory_space<vmem>>
      %dma_wait3A_66 = tpu.memref_squeeze %dma_wait3A_65 : memref<1x128xi32, #tpu.memory_space<vmem>> -> memref<128xi32, #tpu.memory_space<vmem>>
      %dma_wait3A_67 = arith.constant 0 : i32
      %dma_wait3A_68 = arith.constant 0 : i32
      %dma_wait3A_69 = tpu.memref_slice %arg8[%dma_wait3A_67, %dma_wait3A_68] : memref<10112x128xf32, #tpu.memory_space<vmem_shared>> -> memref<10112x128xf32, #tpu.memory_space<vmem_shared>>
      tpu.wait_indirect_dma semaphore(%run_scoped3A_57 : memref<!tpu.dma_semaphore, #tpu.memory_space<semaphore_mem>>) src(%dma_wait3A_69 : memref<10112x128xf32, #tpu.memory_space<vmem_shared>>) dst(%arg7 : memref<128x128xf32, #tpu.memory_space<vmem>>)
      tpu.yield
    }) : () -> ()
    %add3A_54 = arith.constant 4992 : i32
    %add3A_55 = arith.addi %mul3A_7, %add3A_54 : i32
    %run_scoped3A_56 = arith.constant 1 : i32
    "tpu.region"() ({
      %run_scoped3A_57 = tpu.sem_alloc : memref<!tpu.dma_semaphore, #tpu.memory_space<semaphore_mem>>
      %dma_start3A_58 = arith.constant 0 : i32
      %dma_start3A_59 = arith.constant 0 : i32
      %dma_start3A_60 = tpu.memref_slice %arg7[%dma_start3A_58, %dma_start3A_59] : memref<128x128xf32, #tpu.memory_space<vmem>> -> memref<8x128xf32, #tpu.memory_space<vmem>>
      %dma_start3A_61 = arith.constant 0 : i32
      %dma_start3A_62 = arith.constant 0 : i32
      %dma_start3A_63 = tpu.memref_slice %arg4[%run_scoped3A_56, %dma_start3A_61, %dma_start3A_62] : memref<2x160000x128xf32, #tpu.memory_space<hbm>> -> memref<1x160000x128xf32, #tpu.memory_space<hbm>>
      %dma_start3A_64 = tpu.memref_squeeze %dma_start3A_63 : memref<1x160000x128xf32, #tpu.memory_space<hbm>> -> memref<160000x128xf32, #tpu.memory_space<hbm>>
      %dma_start3A_65 = arith.constant 0 : i32
      %dma_start3A_66 = tpu.memref_slice %dma_start3A_64[%add3A_55, %dma_start3A_65] : memref<160000x128xf32, #tpu.memory_space<hbm>> -> memref<8x128xf32, #tpu.memory_space<hbm>>
      %dma_start3A_67 = arith.constant 0 : i32
      %dma_start3A_68 = arith.constant 0 : i32
      %dma_start3A_69 = tpu.memref_slice %arg4[%run_scoped3A_56, %dma_start3A_67, %dma_start3A_68] : memref<2x160000x128xf32, #tpu.memory_space<hbm>> -> memref<1x160000x128xf32, #tpu.memory_space<hbm>>
      %dma_start3A_70 = tpu.memref_squeeze %dma_start3A_69 : memref<1x160000x128xf32, #tpu.memory_space<hbm>> -> memref<160000x128xf32, #tpu.memory_space<hbm>>
      %dma_start3A_71 = arith.constant 0 : i32
      %dma_start3A_72 = tpu.memref_slice %dma_start3A_70[%add3A_55, %dma_start3A_71] : memref<160000x128xf32, #tpu.memory_space<hbm>> -> memref<8x128xf32, #tpu.memory_space<hbm>>
      %dma_start3A_73 = arith.constant 0 : i32
      %dma_start3A_74 = arith.constant 0 : i32
      %dma_start3A_75 = tpu.memref_slice %arg7[%dma_start3A_73, %dma_start3A_74] : memref<128x128xf32, #tpu.memory_space<vmem>> -> memref<8x128xf32, #tpu.memory_space<vmem>>
      tpu.enqueue_dma source(%dma_start3A_75 : memref<8x128xf32, #tpu.memory_space<vmem>>) target(%dma_start3A_72 : memref<8x128xf32, #tpu.memory_space<hbm>>) target_semaphore(%run_scoped3A_57 : memref<!tpu.dma_semaphore, #tpu.memory_space<semaphore_mem>>)
      %dma_wait3A_76 = arith.constant 0 : i32
      %dma_wait3A_77 = arith.constant 0 : i32
      %dma_wait3A_78 = tpu.memref_slice %arg7[%dma_wait3A_76, %dma_wait3A_77] : memref<128x128xf32, #tpu.memory_space<vmem>> -> memref<8x128xf32, #tpu.memory_space<vmem>>
      %dma_wait3A_79 = arith.constant 0 : i32
      %dma_wait3A_80 = arith.constant 0 : i32
      %dma_wait3A_81 = tpu.memref_slice %arg4[%run_scoped3A_56, %dma_wait3A_79, %dma_wait3A_80] : memref<2x160000x128xf32, #tpu.memory_space<hbm>> -> memref<1x160000x128xf32, #tpu.memory_space<hbm>>
      %dma_wait3A_82 = tpu.memref_squeeze %dma_wait3A_81 : memref<1x160000x128xf32, #tpu.memory_space<hbm>> -> memref<160000x128xf32, #tpu.memory_space<hbm>>
      %dma_wait3A_83 = arith.constant 0 : i32
      %dma_wait3A_84 = tpu.memref_slice %dma_wait3A_82[%add3A_55, %dma_wait3A_83] : memref<160000x128xf32, #tpu.memory_space<hbm>> -> memref<8x128xf32, #tpu.memory_space<hbm>>
      %dma_wait3A_85 = arith.constant 0 : i32
      %dma_wait3A_86 = arith.constant 0 : i32
      %dma_wait3A_87 = tpu.memref_slice %arg4[%run_scoped3A_56, %dma_wait3A_85, %dma_wait3A_86] : memref<2x160000x128xf32, #tpu.memory_space<hbm>> -> memref<1x160000x128xf32, #tpu.memory_space<hbm>>
      %dma_wait3A_88 = tpu.memref_squeeze %dma_wait3A_87 : memref<1x160000x128xf32, #tpu.memory_space<hbm>> -> memref<160000x128xf32, #tpu.memory_space<hbm>>
      %dma_wait3A_89 = arith.constant 0 : i32
      %dma_wait3A_90 = tpu.memref_slice %dma_wait3A_88[%add3A_55, %dma_wait3A_89] : memref<160000x128xf32, #tpu.memory_space<hbm>> -> memref<8x128xf32, #tpu.memory_space<hbm>>
      %dma_wait3A_91 = arith.constant 0 : i32
      %dma_wait3A_92 = arith.constant 0 : i32
      %dma_wait3A_93 = tpu.memref_slice %arg7[%dma_wait3A_91, %dma_wait3A_92] : memref<128x128xf32, #tpu.memory_space<vmem>> -> memref<8x128xf32, #tpu.memory_space<vmem>>
      tpu.wait_dma2 semaphore(%run_scoped3A_57 : memref<!tpu.dma_semaphore, #tpu.memory_space<semaphore_mem>>) src(%dma_wait3A_93 : memref<8x128xf32, #tpu.memory_space<vmem>>) dst(%dma_wait3A_90 : memref<8x128xf32, #tpu.memory_space<hbm>>)
      tpu.yield
    }) : () -> ()
    return
  }
}

#map = affine_map<(d0, d1) -> (0, 0)>
#map1 = affine_map<(d0, d1) -> (0, 0, 0, 0)>
#map2 = affine_map<(d0, d1) -> (0, 0, 0)>
module attributes {stable_mosaic.version = 14 : i64} {
  func.func @_gather_sc(%arg0: i32, %arg1: i32, %arg2: memref<10112x128xf32, #tpu.memory_space<hbm>>, %arg3: memref<2x32x40x128xi32, #tpu.memory_space<hbm>>, %arg4: memref<2x160000x128xf32, #tpu.memory_space<hbm>>, %arg5: memref<80x128xi32, #tpu.memory_space<vmem>>, %arg6: memref<128x128xf32, #tpu.memory_space<vmem>>, %arg7: memref<128x128xf32, #tpu.memory_space<vmem>>, %arg8: memref<10112x128xf32, #tpu.memory_space<vmem_shared>>, %arg9: memref<!tpu.dma_semaphore, #tpu.memory_space<semaphore_mem>>, %arg10: memref<!tpu.dma_semaphore, #tpu.memory_space<semaphore_mem>>) attributes {dimension_semantics = [#tpu.dimension_semantics<core_parallel>, #tpu.dimension_semantics<subcore_parallel>], iteration_bounds = array<i64: 2, 16>, scalar_prefetch = 0 : i64, scratch_operands = 6 : i64, tpu.core_type = #tpu.core_type<sc_vector_subcore>, window_params = [{transform_indices = #map}, {transform_indices = #map1}, {transform_indices = #map2}]} {
    %mul3A = arith.constant 16 : i32
    %mul3A_0 = arith.muli %arg0, %mul3A : i32
    %add3A = arith.addi %mul3A_0, %arg1 : i32
    %run_scoped3A = arith.constant 0 : i32
    "tpu.region"() ({
      %run_scoped3A_57 = tpu.sem_alloc : memref<!tpu.dma_semaphore, #tpu.memory_space<semaphore_mem>>
      %dma_start3A_58 = arith.constant 0 : i32
      %dma_start3A_59 = arith.constant 0 : i32
      %dma_start3A_60 = tpu.memref_slice %arg5[%dma_start3A_58, %dma_start3A_59] : memref<80x128xi32, #tpu.memory_space<vmem>> -> memref<40x128xi32, #tpu.memory_space<vmem>>
      %dma_start3A_61 = arith.constant 0 : i32
      %dma_start3A_62 = arith.constant 0 : i32
      %dma_start3A_63 = tpu.memref_slice %arg3[%run_scoped3A, %add3A, %dma_start3A_61, %dma_start3A_62] : memref<2x32x40x128xi32, #tpu.memory_space<hbm>> -> memref<1x1x40x128xi32, #tpu.memory_space<hbm>>
      %dma_start3A_64 = tpu.memref_squeeze %dma_start3A_63 : memref<1x1x40x128xi32, #tpu.memory_space<hbm>> -> memref<40x128xi32, #tpu.memory_space<hbm>>
      %dma_start3A_65 = arith.constant 0 : i32
      %dma_start3A_66 = arith.constant 0 : i32
      %dma_start3A_67 = tpu.memref_slice %arg5[%dma_start3A_65, %dma_start3A_66] : memref<80x128xi32, #tpu.memory_space<vmem>> -> memref<40x128xi32, #tpu.memory_space<vmem>>
      %dma_start3A_68 = arith.constant 0 : i32
      %dma_start3A_69 = arith.constant 0 : i32
      %dma_start3A_70 = tpu.memref_slice %arg3[%run_scoped3A, %add3A, %dma_start3A_68, %dma_start3A_69] : memref<2x32x40x128xi32, #tpu.memory_space<hbm>> -> memref<1x1x40x128xi32, #tpu.memory_space<hbm>>
      %dma_start3A_71 = tpu.memref_squeeze %dma_start3A_70 : memref<1x1x40x128xi32, #tpu.memory_space<hbm>> -> memref<40x128xi32, #tpu.memory_space<hbm>>
      tpu.enqueue_dma source(%dma_start3A_71 : memref<40x128xi32, #tpu.memory_space<hbm>>) target(%dma_start3A_67 : memref<40x128xi32, #tpu.memory_space<vmem>>) target_semaphore(%run_scoped3A_57 : memref<!tpu.dma_semaphore, #tpu.memory_space<semaphore_mem>>)
      %dma_wait3A_72 = arith.constant 0 : i32
      %dma_wait3A_73 = arith.constant 0 : i32
      %dma_wait3A_74 = tpu.memref_slice %arg5[%dma_wait3A_72, %dma_wait3A_73] : memref<80x128xi32, #tpu.memory_space<vmem>> -> memref<40x128xi32, #tpu.memory_space<vmem>>
      %dma_wait3A_75 = arith.constant 0 : i32
      %dma_wait3A_76 = arith.constant 0 : i32
      %dma_wait3A_77 = tpu.memref_slice %arg3[%run_scoped3A, %add3A, %dma_wait3A_75, %dma_wait3A_76] : memref<2x32x40x128xi32, #tpu.memory_space<hbm>> -> memref<1x1x40x128xi32, #tpu.memory_space<hbm>>
      %dma_wait3A_78 = tpu.memref_squeeze %dma_wait3A_77 : memref<1x1x40x128xi32, #tpu.memory_space<hbm>> -> memref<40x128xi32, #tpu.memory_space<hbm>>
      %dma_wait3A_79 = arith.constant 0 : i32
      %dma_wait3A_80 = arith.constant 0 : i32
      %dma_wait3A_81 = tpu.memref_slice %arg5[%dma_wait3A_79, %dma_wait3A_80] : memref<80x128xi32, #tpu.memory_space<vmem>> -> memref<40x128xi32, #tpu.memory_space<vmem>>
      %dma_wait3A_82 = arith.constant 0 : i32
      %dma_wait3A_83 = arith.constant 0 : i32
      %dma_wait3A_84 = tpu.memref_slice %arg3[%run_scoped3A, %add3A, %dma_wait3A_82, %dma_wait3A_83] : memref<2x32x40x128xi32, #tpu.memory_space<hbm>> -> memref<1x1x40x128xi32, #tpu.memory_space<hbm>>
      %dma_wait3A_85 = tpu.memref_squeeze %dma_wait3A_84 : memref<1x1x40x128xi32, #tpu.memory_space<hbm>> -> memref<40x128xi32, #tpu.memory_space<hbm>>
      tpu.wait_dma2 semaphore(%run_scoped3A_57 : memref<!tpu.dma_semaphore, #tpu.memory_space<semaphore_mem>>) src(%dma_wait3A_85 : memref<40x128xi32, #tpu.memory_space<hbm>>) dst(%dma_wait3A_81 : memref<40x128xi32, #tpu.memory_space<vmem>>)
      tpu.yield
    }) : () -> ()
    %run_scoped3A_1 = arith.constant 1 : i32
    "tpu.region"() ({
      %run_scoped3A_57 = tpu.sem_alloc : memref<!tpu.dma_semaphore, #tpu.memory_space<semaphore_mem>>
      %dma_start3A_58 = arith.constant 40 : i32
      %dma_start3A_59 = arith.constant 0 : i32
      %dma_start3A_60 = tpu.memref_slice %arg5[%dma_start3A_58, %dma_start3A_59] : memref<80x128xi32, #tpu.memory_space<vmem>> -> memref<40x128xi32, #tpu.memory_space<vmem>>
      %dma_start3A_61 = arith.constant 0 : i32
      %dma_start3A_62 = arith.constant 0 : i32
      %dma_start3A_63 = tpu.memref_slice %arg3[%run_scoped3A_1, %add3A, %dma_start3A_61, %dma_start3A_62] : memref<2x32x40x128xi32, #tpu.memory_space<hbm>> -> memref<1x1x40x128xi32, #tpu.memory_space<hbm>>
      %dma_start3A_64 = tpu.memref_squeeze %dma_start3A_63 : memref<1x1x40x128xi32, #tpu.memory_space<hbm>> -> memref<40x128xi32, #tpu.memory_space<hbm>>
      %dma_start3A_65 = arith.constant 40 : i32
      %dma_start3A_66 = arith.constant 0 : i32
      %dma_start3A_67 = tpu.memref_slice %arg5[%dma_start3A_65, %dma_start3A_66] : memref<80x128xi32, #tpu.memory_space<vmem>> -> memref<40x128xi32, #tpu.memory_space<vmem>>
      %dma_start3A_68 = arith.constant 0 : i32
      %dma_start3A_69 = arith.constant 0 : i32
      %dma_start3A_70 = tpu.memref_slice %arg3[%run_scoped3A_1, %add3A, %dma_start3A_68, %dma_start3A_69] : memref<2x32x40x128xi32, #tpu.memory_space<hbm>> -> memref<1x1x40x128xi32, #tpu.memory_space<hbm>>
      %dma_start3A_71 = tpu.memref_squeeze %dma_start3A_70 : memref<1x1x40x128xi32, #tpu.memory_space<hbm>> -> memref<40x128xi32, #tpu.memory_space<hbm>>
      tpu.enqueue_dma source(%dma_start3A_71 : memref<40x128xi32, #tpu.memory_space<hbm>>) target(%dma_start3A_67 : memref<40x128xi32, #tpu.memory_space<vmem>>) target_semaphore(%run_scoped3A_57 : memref<!tpu.dma_semaphore, #tpu.memory_space<semaphore_mem>>)
      %dma_wait3A_72 = arith.constant 40 : i32
      %dma_wait3A_73 = arith.constant 0 : i32
      %dma_wait3A_74 = tpu.memref_slice %arg5[%dma_wait3A_72, %dma_wait3A_73] : memref<80x128xi32, #tpu.memory_space<vmem>> -> memref<40x128xi32, #tpu.memory_space<vmem>>
      %dma_wait3A_75 = arith.constant 0 : i32
      %dma_wait3A_76 = arith.constant 0 : i32
      %dma_wait3A_77 = tpu.memref_slice %arg3[%run_scoped3A_1, %add3A, %dma_wait3A_75, %dma_wait3A_76] : memref<2x32x40x128xi32, #tpu.memory_space<hbm>> -> memref<1x1x40x128xi32, #tpu.memory_space<hbm>>
      %dma_wait3A_78 = tpu.memref_squeeze %dma_wait3A_77 : memref<1x1x40x128xi32, #tpu.memory_space<hbm>> -> memref<40x128xi32, #tpu.memory_space<hbm>>
      %dma_wait3A_79 = arith.constant 40 : i32
      %dma_wait3A_80 = arith.constant 0 : i32
      %dma_wait3A_81 = tpu.memref_slice %arg5[%dma_wait3A_79, %dma_wait3A_80] : memref<80x128xi32, #tpu.memory_space<vmem>> -> memref<40x128xi32, #tpu.memory_space<vmem>>
      %dma_wait3A_82 = arith.constant 0 : i32
      %dma_wait3A_83 = arith.constant 0 : i32
      %dma_wait3A_84 = tpu.memref_slice %arg3[%run_scoped3A_1, %add3A, %dma_wait3A_82, %dma_wait3A_83] : memref<2x32x40x128xi32, #tpu.memory_space<hbm>> -> memref<1x1x40x128xi32, #tpu.memory_space<hbm>>
      %dma_wait3A_85 = tpu.memref_squeeze %dma_wait3A_84 : memref<1x1x40x128xi32, #tpu.memory_space<hbm>> -> memref<40x128xi32, #tpu.memory_space<hbm>>
      tpu.wait_dma2 semaphore(%run_scoped3A_57 : memref<!tpu.dma_semaphore, #tpu.memory_space<semaphore_mem>>) src(%dma_wait3A_85 : memref<40x128xi32, #tpu.memory_space<hbm>>) dst(%dma_wait3A_81 : memref<40x128xi32, #tpu.memory_space<vmem>>)
      tpu.yield
    }) : () -> ()
    %mul3A_2 = arith.constant 632 : i32
    %mul3A_3 = arith.muli %arg1, %mul3A_2 : i32
    %mul3A_4 = arith.constant 632 : i32
    %mul3A_5 = arith.muli %arg1, %mul3A_4 : i32
    "tpu.region"() ({
      %run_scoped3A_57 = tpu.sem_alloc : memref<!tpu.dma_semaphore, #tpu.memory_space<semaphore_mem>>
      %dma_start3A_58 = arith.constant 0 : i32
      %dma_start3A_59 = tpu.memref_slice %arg8[%mul3A_5, %dma_start3A_58] : memref<10112x128xf32, #tpu.memory_space<vmem_shared>> -> memref<632x128xf32, #tpu.memory_space<vmem_shared>>
      %dma_start3A_60 = arith.constant 0 : i32
      %dma_start3A_61 = tpu.memref_slice %arg2[%mul3A_3, %dma_start3A_60] : memref<10112x128xf32, #tpu.memory_space<hbm>> -> memref<632x128xf32, #tpu.memory_space<hbm>>
      tpu.enqueue_dma source(%dma_start3A_61 : memref<632x128xf32, #tpu.memory_space<hbm>>) target(%dma_start3A_59 : memref<632x128xf32, #tpu.memory_space<vmem_shared>>) target_semaphore(%run_scoped3A_57 : memref<!tpu.dma_semaphore, #tpu.memory_space<semaphore_mem>>)
      %dma_wait3A_62 = arith.constant 0 : i32
      %dma_wait3A_63 = tpu.memref_slice %arg8[%mul3A_5, %dma_wait3A_62] : memref<10112x128xf32, #tpu.memory_space<vmem_shared>> -> memref<632x128xf32, #tpu.memory_space<vmem_shared>>
      %dma_wait3A_64 = arith.constant 0 : i32
      %dma_wait3A_65 = tpu.memref_slice %arg2[%mul3A_3, %dma_wait3A_64] : memref<10112x128xf32, #tpu.memory_space<hbm>> -> memref<632x128xf32, #tpu.memory_space<hbm>>
      tpu.wait_dma2 semaphore(%run_scoped3A_57 : memref<!tpu.dma_semaphore, #tpu.memory_space<semaphore_mem>>) src(%dma_wait3A_65 : memref<632x128xf32, #tpu.memory_space<hbm>>) dst(%dma_wait3A_63 : memref<632x128xf32, #tpu.memory_space<vmem_shared>>)
      tpu.yield
    }) : () -> ()
    %barrier3A = arith.constant 0 : index
    tpu.barrier barrier_id(%barrier3A)
    %mul3A_6 = arith.constant 5000 : i32
    %mul3A_7 = arith.muli %add3A, %mul3A_6 : i32
    %dma_start3A = arith.constant 0 : i32
    %dma_start3A_8 = arith.constant 0 : i32
    %dma_start3A_9 = tpu.memref_slice %arg5[%dma_start3A, %dma_start3A_8] : memref<80x128xi32, #tpu.memory_space<vmem>> -> memref<1x128xi32, #tpu.memory_space<vmem>>
    %dma_start3A_10 = tpu.memref_squeeze %dma_start3A_9 : memref<1x128xi32, #tpu.memory_space<vmem>> -> memref<128xi32, #tpu.memory_space<vmem>>
    %dma_start3A_11 = arith.constant 0 : i32
    %dma_start3A_12 = arith.constant 0 : i32
    %dma_start3A_13 = tpu.memref_slice %arg8[%dma_start3A_11, %dma_start3A_12] : memref<10112x128xf32, #tpu.memory_space<vmem_shared>> -> memref<10112x128xf32, #tpu.memory_space<vmem_shared>>
    tpu.enqueue_indirect_dma source(%dma_start3A_13 : memref<10112x128xf32, #tpu.memory_space<vmem_shared>>) target(%arg6 : memref<128x128xf32, #tpu.memory_space<vmem>>) offsets(%dma_start3A_10 : memref<128xi32, #tpu.memory_space<vmem>>) semaphore(%arg9 : memref<!tpu.dma_semaphore, #tpu.memory_space<semaphore_mem>>)
    %scan3A = arith.constant 0 : i32
    %scan3A_14 = arith.constant 0 : i32
    %scan3A_15 = arith.constant 19 : i32
    %scan3A_16 = arith.addi %scan3A_14, %scan3A_15 : i32
    %scan3A_17 = arith.constant 1 : i32
    scf.for %scan3A_57 = %scan3A_14 to %scan3A_16 step %scan3A_17  : i32 {
      %mul3A_58 = arith.constant 2 : i32
      %mul3A_59 = arith.muli %mul3A_58, %scan3A_57 : i32
      %dma_wait3A_60 = arith.constant 0 : i32
      %dma_wait3A_61 = arith.constant 0 : i32
      %dma_wait3A_62 = tpu.memref_slice %arg2[%dma_wait3A_60, %dma_wait3A_61] : memref<10112x128xf32, #tpu.memory_space<hbm>> -> memref<128x128xf32, #tpu.memory_space<hbm>>
      %dma_wait3A_63 = arith.constant 0 : i32
      %dma_wait3A_64 = arith.constant 0 : i32
      %dma_wait3A_65 = tpu.memref_slice %arg2[%dma_wait3A_63, %dma_wait3A_64] : memref<10112x128xf32, #tpu.memory_space<hbm>> -> memref<128x128xf32, #tpu.memory_space<hbm>>
      tpu.wait_dma2 semaphore(%arg9 : memref<!tpu.dma_semaphore, #tpu.memory_space<semaphore_mem>>) src(%dma_wait3A_65 : memref<128x128xf32, #tpu.memory_space<hbm>>) dst(%arg6 : memref<128x128xf32, #tpu.memory_space<vmem>>)
      %add3A_66 = arith.constant 0 : i32
      %add3A_67 = arith.addi %add3A_66, %mul3A_59 : i32
      %add3A_68 = arith.constant 1 : i32
      %add3A_69 = arith.addi %add3A_67, %add3A_68 : i32
      %dma_start3A_70 = arith.constant 0 : i32
      %dma_start3A_71 = tpu.memref_slice %arg5[%add3A_69, %dma_start3A_70] : memref<80x128xi32, #tpu.memory_space<vmem>> -> memref<1x128xi32, #tpu.memory_space<vmem>>
      %dma_start3A_72 = tpu.memref_squeeze %dma_start3A_71 : memref<1x128xi32, #tpu.memory_space<vmem>> -> memref<128xi32, #tpu.memory_space<vmem>>
      %dma_start3A_73 = arith.constant 0 : i32
      %dma_start3A_74 = arith.constant 0 : i32
      %dma_start3A_75 = tpu.memref_slice %arg8[%dma_start3A_73, %dma_start3A_74] : memref<10112x128xf32, #tpu.memory_space<vmem_shared>> -> memref<10112x128xf32, #tpu.memory_space<vmem_shared>>
      tpu.enqueue_indirect_dma source(%dma_start3A_75 : memref<10112x128xf32, #tpu.memory_space<vmem_shared>>) target(%arg7 : memref<128x128xf32, #tpu.memory_space<vmem>>) offsets(%dma_start3A_72 : memref<128xi32, #tpu.memory_space<vmem>>) semaphore(%arg10 : memref<!tpu.dma_semaphore, #tpu.memory_space<semaphore_mem>>)
      %mul3A_76 = arith.constant 128 : i32
      %mul3A_77 = arith.muli %mul3A_59, %mul3A_76 : i32
      %add3A_78 = arith.addi %mul3A_7, %mul3A_77 : i32
      %run_scoped3A_79 = arith.constant 0 : i32
      "tpu.region"() ({
        %run_scoped3A_102 = tpu.sem_alloc : memref<!tpu.dma_semaphore, #tpu.memory_space<semaphore_mem>>
        %dma_start3A_103 = arith.constant 0 : i32
        %dma_start3A_104 = arith.constant 0 : i32
        %dma_start3A_105 = tpu.memref_slice %arg4[%run_scoped3A_79, %dma_start3A_103, %dma_start3A_104] : memref<2x160000x128xf32, #tpu.memory_space<hbm>> -> memref<1x160000x128xf32, #tpu.memory_space<hbm>>
        %dma_start3A_106 = tpu.memref_squeeze %dma_start3A_105 : memref<1x160000x128xf32, #tpu.memory_space<hbm>> -> memref<160000x128xf32, #tpu.memory_space<hbm>>
        %dma_start3A_107 = arith.constant 0 : i32
        %dma_start3A_108 = tpu.memref_slice %dma_start3A_106[%add3A_78, %dma_start3A_107] : memref<160000x128xf32, #tpu.memory_space<hbm>> -> memref<128x128xf32, #tpu.memory_space<hbm>>
        %dma_start3A_109 = arith.constant 0 : i32
        %dma_start3A_110 = arith.constant 0 : i32
        %dma_start3A_111 = tpu.memref_slice %arg4[%run_scoped3A_79, %dma_start3A_109, %dma_start3A_110] : memref<2x160000x128xf32, #tpu.memory_space<hbm>> -> memref<1x160000x128xf32, #tpu.memory_space<hbm>>
        %dma_start3A_112 = tpu.memref_squeeze %dma_start3A_111 : memref<1x160000x128xf32, #tpu.memory_space<hbm>> -> memref<160000x128xf32, #tpu.memory_space<hbm>>
        %dma_start3A_113 = arith.constant 0 : i32
        %dma_start3A_114 = tpu.memref_slice %dma_start3A_112[%add3A_78, %dma_start3A_113] : memref<160000x128xf32, #tpu.memory_space<hbm>> -> memref<128x128xf32, #tpu.memory_space<hbm>>
        tpu.enqueue_dma source(%arg6 : memref<128x128xf32, #tpu.memory_space<vmem>>) target(%dma_start3A_114 : memref<128x128xf32, #tpu.memory_space<hbm>>) target_semaphore(%run_scoped3A_102 : memref<!tpu.dma_semaphore, #tpu.memory_space<semaphore_mem>>)
        %dma_wait3A_115 = arith.constant 0 : i32
        %dma_wait3A_116 = arith.constant 0 : i32
        %dma_wait3A_117 = tpu.memref_slice %arg4[%run_scoped3A_79, %dma_wait3A_115, %dma_wait3A_116] : memref<2x160000x128xf32, #tpu.memory_space<hbm>> -> memref<1x160000x128xf32, #tpu.memory_space<hbm>>
        %dma_wait3A_118 = tpu.memref_squeeze %dma_wait3A_117 : memref<1x160000x128xf32, #tpu.memory_space<hbm>> -> memref<160000x128xf32, #tpu.memory_space<hbm>>
        %dma_wait3A_119 = arith.constant 0 : i32
        %dma_wait3A_120 = tpu.memref_slice %dma_wait3A_118[%add3A_78, %dma_wait3A_119] : memref<160000x128xf32, #tpu.memory_space<hbm>> -> memref<128x128xf32, #tpu.memory_space<hbm>>
        %dma_wait3A_121 = arith.constant 0 : i32
        %dma_wait3A_122 = arith.constant 0 : i32
        %dma_wait3A_123 = tpu.memref_slice %arg4[%run_scoped3A_79, %dma_wait3A_121, %dma_wait3A_122] : memref<2x160000x128xf32, #tpu.memory_space<hbm>> -> memref<1x160000x128xf32, #tpu.memory_space<hbm>>
        %dma_wait3A_124 = tpu.memref_squeeze %dma_wait3A_123 : memref<1x160000x128xf32, #tpu.memory_space<hbm>> -> memref<160000x128xf32, #tpu.memory_space<hbm>>
        %dma_wait3A_125 = arith.constant 0 : i32
        %dma_wait3A_126 = tpu.memref_slice %dma_wait3A_124[%add3A_78, %dma_wait3A_125] : memref<160000x128xf32, #tpu.memory_space<hbm>> -> memref<128x128xf32, #tpu.memory_space<hbm>>
        tpu.wait_dma2 semaphore(%run_scoped3A_102 : memref<!tpu.dma_semaphore, #tpu.memory_space<semaphore_mem>>) src(%arg6 : memref<128x128xf32, #tpu.memory_space<vmem>>) dst(%dma_wait3A_126 : memref<128x128xf32, #tpu.memory_space<hbm>>)
        tpu.yield
      }) : () -> ()
      %dma_wait3A_80 = arith.constant 0 : i32
      %dma_wait3A_81 = arith.constant 0 : i32
      %dma_wait3A_82 = tpu.memref_slice %arg2[%dma_wait3A_80, %dma_wait3A_81] : memref<10112x128xf32, #tpu.memory_space<hbm>> -> memref<128x128xf32, #tpu.memory_space<hbm>>
      %dma_wait3A_83 = arith.constant 0 : i32
      %dma_wait3A_84 = arith.constant 0 : i32
      %dma_wait3A_85 = tpu.memref_slice %arg2[%dma_wait3A_83, %dma_wait3A_84] : memref<10112x128xf32, #tpu.memory_space<hbm>> -> memref<128x128xf32, #tpu.memory_space<hbm>>
      tpu.wait_dma2 semaphore(%arg10 : memref<!tpu.dma_semaphore, #tpu.memory_space<semaphore_mem>>) src(%dma_wait3A_85 : memref<128x128xf32, #tpu.memory_space<hbm>>) dst(%arg7 : memref<128x128xf32, #tpu.memory_space<vmem>>)
      %add3A_86 = arith.constant 0 : i32
      %add3A_87 = arith.addi %add3A_86, %mul3A_59 : i32
      %add3A_88 = arith.constant 2 : i32
      %add3A_89 = arith.addi %add3A_87, %add3A_88 : i32
      %dma_start3A_90 = arith.constant 0 : i32
      %dma_start3A_91 = tpu.memref_slice %arg5[%add3A_89, %dma_start3A_90] : memref<80x128xi32, #tpu.memory_space<vmem>> -> memref<1x128xi32, #tpu.memory_space<vmem>>
      %dma_start3A_92 = tpu.memref_squeeze %dma_start3A_91 : memref<1x128xi32, #tpu.memory_space<vmem>> -> memref<128xi32, #tpu.memory_space<vmem>>
      %dma_start3A_93 = arith.constant 0 : i32
      %dma_start3A_94 = arith.constant 0 : i32
      %dma_start3A_95 = tpu.memref_slice %arg8[%dma_start3A_93, %dma_start3A_94] : memref<10112x128xf32, #tpu.memory_space<vmem_shared>> -> memref<10112x128xf32, #tpu.memory_space<vmem_shared>>
      tpu.enqueue_indirect_dma source(%dma_start3A_95 : memref<10112x128xf32, #tpu.memory_space<vmem_shared>>) target(%arg6 : memref<128x128xf32, #tpu.memory_space<vmem>>) offsets(%dma_start3A_92 : memref<128xi32, #tpu.memory_space<vmem>>) semaphore(%arg9 : memref<!tpu.dma_semaphore, #tpu.memory_space<semaphore_mem>>)
      %add3A_96 = arith.constant 1 : i32
      %add3A_97 = arith.addi %mul3A_59, %add3A_96 : i32
      %mul3A_98 = arith.constant 128 : i32
      %mul3A_99 = arith.muli %add3A_97, %mul3A_98 : i32
      %add3A_100 = arith.addi %mul3A_7, %mul3A_99 : i32
      %run_scoped3A_101 = arith.constant 0 : i32
      "tpu.region"() ({
        %run_scoped3A_102 = tpu.sem_alloc : memref<!tpu.dma_semaphore, #tpu.memory_space<semaphore_mem>>
        %dma_start3A_103 = arith.constant 0 : i32
        %dma_start3A_104 = arith.constant 0 : i32
        %dma_start3A_105 = tpu.memref_slice %arg4[%run_scoped3A_101, %dma_start3A_103, %dma_start3A_104] : memref<2x160000x128xf32, #tpu.memory_space<hbm>> -> memref<1x160000x128xf32, #tpu.memory_space<hbm>>
        %dma_start3A_106 = tpu.memref_squeeze %dma_start3A_105 : memref<1x160000x128xf32, #tpu.memory_space<hbm>> -> memref<160000x128xf32, #tpu.memory_space<hbm>>
        %dma_start3A_107 = arith.constant 0 : i32
        %dma_start3A_108 = tpu.memref_slice %dma_start3A_106[%add3A_100, %dma_start3A_107] : memref<160000x128xf32, #tpu.memory_space<hbm>> -> memref<128x128xf32, #tpu.memory_space<hbm>>
        %dma_start3A_109 = arith.constant 0 : i32
        %dma_start3A_110 = arith.constant 0 : i32
        %dma_start3A_111 = tpu.memref_slice %arg4[%run_scoped3A_101, %dma_start3A_109, %dma_start3A_110] : memref<2x160000x128xf32, #tpu.memory_space<hbm>> -> memref<1x160000x128xf32, #tpu.memory_space<hbm>>
        %dma_start3A_112 = tpu.memref_squeeze %dma_start3A_111 : memref<1x160000x128xf32, #tpu.memory_space<hbm>> -> memref<160000x128xf32, #tpu.memory_space<hbm>>
        %dma_start3A_113 = arith.constant 0 : i32
        %dma_start3A_114 = tpu.memref_slice %dma_start3A_112[%add3A_100, %dma_start3A_113] : memref<160000x128xf32, #tpu.memory_space<hbm>> -> memref<128x128xf32, #tpu.memory_space<hbm>>
        tpu.enqueue_dma source(%arg7 : memref<128x128xf32, #tpu.memory_space<vmem>>) target(%dma_start3A_114 : memref<128x128xf32, #tpu.memory_space<hbm>>) target_semaphore(%run_scoped3A_102 : memref<!tpu.dma_semaphore, #tpu.memory_space<semaphore_mem>>)
        %dma_wait3A_115 = arith.constant 0 : i32
        %dma_wait3A_116 = arith.constant 0 : i32
        %dma_wait3A_117 = tpu.memref_slice %arg4[%run_scoped3A_101, %dma_wait3A_115, %dma_wait3A_116] : memref<2x160000x128xf32, #tpu.memory_space<hbm>> -> memref<1x160000x128xf32, #tpu.memory_space<hbm>>
        %dma_wait3A_118 = tpu.memref_squeeze %dma_wait3A_117 : memref<1x160000x128xf32, #tpu.memory_space<hbm>> -> memref<160000x128xf32, #tpu.memory_space<hbm>>
        %dma_wait3A_119 = arith.constant 0 : i32
        %dma_wait3A_120 = tpu.memref_slice %dma_wait3A_118[%add3A_100, %dma_wait3A_119] : memref<160000x128xf32, #tpu.memory_space<hbm>> -> memref<128x128xf32, #tpu.memory_space<hbm>>
        %dma_wait3A_121 = arith.constant 0 : i32
        %dma_wait3A_122 = arith.constant 0 : i32
        %dma_wait3A_123 = tpu.memref_slice %arg4[%run_scoped3A_101, %dma_wait3A_121, %dma_wait3A_122] : memref<2x160000x128xf32, #tpu.memory_space<hbm>> -> memref<1x160000x128xf32, #tpu.memory_space<hbm>>
        %dma_wait3A_124 = tpu.memref_squeeze %dma_wait3A_123 : memref<1x160000x128xf32, #tpu.memory_space<hbm>> -> memref<160000x128xf32, #tpu.memory_space<hbm>>
        %dma_wait3A_125 = arith.constant 0 : i32
        %dma_wait3A_126 = tpu.memref_slice %dma_wait3A_124[%add3A_100, %dma_wait3A_125] : memref<160000x128xf32, #tpu.memory_space<hbm>> -> memref<128x128xf32, #tpu.memory_space<hbm>>
        tpu.wait_dma2 semaphore(%run_scoped3A_102 : memref<!tpu.dma_semaphore, #tpu.memory_space<semaphore_mem>>) src(%arg7 : memref<128x128xf32, #tpu.memory_space<vmem>>) dst(%dma_wait3A_126 : memref<128x128xf32, #tpu.memory_space<hbm>>)
        tpu.yield
      }) : () -> ()
    }
    %scan3A_18 = arith.constant 19 : i32
    %dma_wait3A = arith.constant 0 : i32
    %dma_wait3A_19 = arith.constant 0 : i32
    %dma_wait3A_20 = tpu.memref_slice %arg2[%dma_wait3A, %dma_wait3A_19] : memref<10112x128xf32, #tpu.memory_space<hbm>> -> memref<128x128xf32, #tpu.memory_space<hbm>>
    %dma_wait3A_21 = arith.constant 0 : i32
    %dma_wait3A_22 = arith.constant 0 : i32
    %dma_wait3A_23 = tpu.memref_slice %arg2[%dma_wait3A_21, %dma_wait3A_22] : memref<10112x128xf32, #tpu.memory_space<hbm>> -> memref<128x128xf32, #tpu.memory_space<hbm>>
    tpu.wait_dma2 semaphore(%arg9 : memref<!tpu.dma_semaphore, #tpu.memory_space<semaphore_mem>>) src(%dma_wait3A_23 : memref<128x128xf32, #tpu.memory_space<hbm>>) dst(%arg6 : memref<128x128xf32, #tpu.memory_space<vmem>>)
    %add3A_24 = arith.constant 4864 : i32
    %add3A_25 = arith.addi %mul3A_7, %add3A_24 : i32
    %run_scoped3A_26 = arith.constant 0 : i32
    "tpu.region"() ({
      %run_scoped3A_57 = tpu.sem_alloc : memref<!tpu.dma_semaphore, #tpu.memory_space<semaphore_mem>>
      %dma_start3A_58 = arith.constant 0 : i32
      %dma_start3A_59 = arith.constant 0 : i32
      %dma_start3A_60 = tpu.memref_slice %arg4[%run_scoped3A_26, %dma_start3A_58, %dma_start3A_59] : memref<2x160000x128xf32, #tpu.memory_space<hbm>> -> memref<1x160000x128xf32, #tpu.memory_space<hbm>>
      %dma_start3A_61 = tpu.memref_squeeze %dma_start3A_60 : memref<1x160000x128xf32, #tpu.memory_space<hbm>> -> memref<160000x128xf32, #tpu.memory_space<hbm>>
      %dma_start3A_62 = arith.constant 0 : i32
      %dma_start3A_63 = tpu.memref_slice %dma_start3A_61[%add3A_25, %dma_start3A_62] : memref<160000x128xf32, #tpu.memory_space<hbm>> -> memref<128x128xf32, #tpu.memory_space<hbm>>
      %dma_start3A_64 = arith.constant 0 : i32
      %dma_start3A_65 = arith.constant 0 : i32
      %dma_start3A_66 = tpu.memref_slice %arg4[%run_scoped3A_26, %dma_start3A_64, %dma_start3A_65] : memref<2x160000x128xf32, #tpu.memory_space<hbm>> -> memref<1x160000x128xf32, #tpu.memory_space<hbm>>
      %dma_start3A_67 = tpu.memref_squeeze %dma_start3A_66 : memref<1x160000x128xf32, #tpu.memory_space<hbm>> -> memref<160000x128xf32, #tpu.memory_space<hbm>>
      %dma_start3A_68 = arith.constant 0 : i32
      %dma_start3A_69 = tpu.memref_slice %dma_start3A_67[%add3A_25, %dma_start3A_68] : memref<160000x128xf32, #tpu.memory_space<hbm>> -> memref<128x128xf32, #tpu.memory_space<hbm>>
      tpu.enqueue_dma source(%arg6 : memref<128x128xf32, #tpu.memory_space<vmem>>) target(%dma_start3A_69 : memref<128x128xf32, #tpu.memory_space<hbm>>) target_semaphore(%run_scoped3A_57 : memref<!tpu.dma_semaphore, #tpu.memory_space<semaphore_mem>>)
      %dma_wait3A_70 = arith.constant 0 : i32
      %dma_wait3A_71 = arith.constant 0 : i32
      %dma_wait3A_72 = tpu.memref_slice %arg4[%run_scoped3A_26, %dma_wait3A_70, %dma_wait3A_71] : memref<2x160000x128xf32, #tpu.memory_space<hbm>> -> memref<1x160000x128xf32, #tpu.memory_space<hbm>>
      %dma_wait3A_73 = tpu.memref_squeeze %dma_wait3A_72 : memref<1x160000x128xf32, #tpu.memory_space<hbm>> -> memref<160000x128xf32, #tpu.memory_space<hbm>>
      %dma_wait3A_74 = arith.constant 0 : i32
      %dma_wait3A_75 = tpu.memref_slice %dma_wait3A_73[%add3A_25, %dma_wait3A_74] : memref<160000x128xf32, #tpu.memory_space<hbm>> -> memref<128x128xf32, #tpu.memory_space<hbm>>
      %dma_wait3A_76 = arith.constant 0 : i32
      %dma_wait3A_77 = arith.constant 0 : i32
      %dma_wait3A_78 = tpu.memref_slice %arg4[%run_scoped3A_26, %dma_wait3A_76, %dma_wait3A_77] : memref<2x160000x128xf32, #tpu.memory_space<hbm>> -> memref<1x160000x128xf32, #tpu.memory_space<hbm>>
      %dma_wait3A_79 = tpu.memref_squeeze %dma_wait3A_78 : memref<1x160000x128xf32, #tpu.memory_space<hbm>> -> memref<160000x128xf32, #tpu.memory_space<hbm>>
      %dma_wait3A_80 = arith.constant 0 : i32
      %dma_wait3A_81 = tpu.memref_slice %dma_wait3A_79[%add3A_25, %dma_wait3A_80] : memref<160000x128xf32, #tpu.memory_space<hbm>> -> memref<128x128xf32, #tpu.memory_space<hbm>>
      tpu.wait_dma2 semaphore(%run_scoped3A_57 : memref<!tpu.dma_semaphore, #tpu.memory_space<semaphore_mem>>) src(%arg6 : memref<128x128xf32, #tpu.memory_space<vmem>>) dst(%dma_wait3A_81 : memref<128x128xf32, #tpu.memory_space<hbm>>)
      tpu.yield
    }) : () -> ()
    %run_scoped3A_27 = arith.constant 39 : i32
    "tpu.region"() ({
      %run_scoped3A_57 = tpu.sem_alloc : memref<!tpu.dma_semaphore, #tpu.memory_space<semaphore_mem>>
      %dma_start3A_58 = arith.constant 0 : i32
      %dma_start3A_59 = tpu.memref_slice %arg5[%run_scoped3A_27, %dma_start3A_58] : memref<80x128xi32, #tpu.memory_space<vmem>> -> memref<1x128xi32, #tpu.memory_space<vmem>>
      %dma_start3A_60 = tpu.memref_squeeze %dma_start3A_59 : memref<1x128xi32, #tpu.memory_space<vmem>> -> memref<128xi32, #tpu.memory_space<vmem>>
      %dma_start3A_61 = arith.constant 0 : i32
      %dma_start3A_62 = arith.constant 0 : i32
      %dma_start3A_63 = tpu.memref_slice %arg8[%dma_start3A_61, %dma_start3A_62] : memref<10112x128xf32, #tpu.memory_space<vmem_shared>> -> memref<10112x128xf32, #tpu.memory_space<vmem_shared>>
      tpu.enqueue_indirect_dma source(%dma_start3A_63 : memref<10112x128xf32, #tpu.memory_space<vmem_shared>>) target(%arg7 : memref<128x128xf32, #tpu.memory_space<vmem>>) offsets(%dma_start3A_60 : memref<128xi32, #tpu.memory_space<vmem>>) semaphore(%run_scoped3A_57 : memref<!tpu.dma_semaphore, #tpu.memory_space<semaphore_mem>>)
      %dma_wait3A_64 = arith.constant 0 : i32
      %dma_wait3A_65 = tpu.memref_slice %arg5[%run_scoped3A_27, %dma_wait3A_64] : memref<80x128xi32, #tpu.memory_space<vmem>> -> memref<1x128xi32, #tpu.memory_space<vmem>>
      %dma_wait3A_66 = tpu.memref_squeeze %dma_wait3A_65 : memref<1x128xi32, #tpu.memory_space<vmem>> -> memref<128xi32, #tpu.memory_space<vmem>>
      %dma_wait3A_67 = arith.constant 0 : i32
      %dma_wait3A_68 = arith.constant 0 : i32
      %dma_wait3A_69 = tpu.memref_slice %arg8[%dma_wait3A_67, %dma_wait3A_68] : memref<10112x128xf32, #tpu.memory_space<vmem_shared>> -> memref<10112x128xf32, #tpu.memory_space<vmem_shared>>
      tpu.wait_indirect_dma semaphore(%run_scoped3A_57 : memref<!tpu.dma_semaphore, #tpu.memory_space<semaphore_mem>>) src(%dma_wait3A_69 : memref<10112x128xf32, #tpu.memory_space<vmem_shared>>) dst(%arg7 : memref<128x128xf32, #tpu.memory_space<vmem>>)
      tpu.yield
    }) : () -> ()
    %add3A_28 = arith.constant 4992 : i32
    %add3A_29 = arith.addi %mul3A_7, %add3A_28 : i32
    %run_scoped3A_30 = arith.constant 0 : i32
    "tpu.region"() ({
      %run_scoped3A_57 = tpu.sem_alloc : memref<!tpu.dma_semaphore, #tpu.memory_space<semaphore_mem>>
      %dma_start3A_58 = arith.constant 0 : i32
      %dma_start3A_59 = arith.constant 0 : i32
      %dma_start3A_60 = tpu.memref_slice %arg7[%dma_start3A_58, %dma_start3A_59] : memref<128x128xf32, #tpu.memory_space<vmem>> -> memref<8x128xf32, #tpu.memory_space<vmem>>
      %dma_start3A_61 = arith.constant 0 : i32
      %dma_start3A_62 = arith.constant 0 : i32
      %dma_start3A_63 = tpu.memref_slice %arg4[%run_scoped3A_30, %dma_start3A_61, %dma_start3A_62] : memref<2x160000x128xf32, #tpu.memory_space<hbm>> -> memref<1x160000x128xf32, #tpu.memory_space<hbm>>
      %dma_start3A_64 = tpu.memref_squeeze %dma_start3A_63 : memref<1x160000x128xf32, #tpu.memory_space<hbm>> -> memref<160000x128xf32, #tpu.memory_space<hbm>>
      %dma_start3A_65 = arith.constant 0 : i32
      %dma_start3A_66 = tpu.memref_slice %dma_start3A_64[%add3A_29, %dma_start3A_65] : memref<160000x128xf32, #tpu.memory_space<hbm>> -> memref<8x128xf32, #tpu.memory_space<hbm>>
      %dma_start3A_67 = arith.constant 0 : i32
      %dma_start3A_68 = arith.constant 0 : i32
      %dma_start3A_69 = tpu.memref_slice %arg4[%run_scoped3A_30, %dma_start3A_67, %dma_start3A_68] : memref<2x160000x128xf32, #tpu.memory_space<hbm>> -> memref<1x160000x128xf32, #tpu.memory_space<hbm>>
      %dma_start3A_70 = tpu.memref_squeeze %dma_start3A_69 : memref<1x160000x128xf32, #tpu.memory_space<hbm>> -> memref<160000x128xf32, #tpu.memory_space<hbm>>
      %dma_start3A_71 = arith.constant 0 : i32
      %dma_start3A_72 = tpu.memref_slice %dma_start3A_70[%add3A_29, %dma_start3A_71] : memref<160000x128xf32, #tpu.memory_space<hbm>> -> memref<8x128xf32, #tpu.memory_space<hbm>>
      %dma_start3A_73 = arith.constant 0 : i32
      %dma_start3A_74 = arith.constant 0 : i32
      %dma_start3A_75 = tpu.memref_slice %arg7[%dma_start3A_73, %dma_start3A_74] : memref<128x128xf32, #tpu.memory_space<vmem>> -> memref<8x128xf32, #tpu.memory_space<vmem>>
      tpu.enqueue_dma source(%dma_start3A_75 : memref<8x128xf32, #tpu.memory_space<vmem>>) target(%dma_start3A_72 : memref<8x128xf32, #tpu.memory_space<hbm>>) target_semaphore(%run_scoped3A_57 : memref<!tpu.dma_semaphore, #tpu.memory_space<semaphore_mem>>)
      %dma_wait3A_76 = arith.constant 0 : i32
      %dma_wait3A_77 = arith.constant 0 : i32
      %dma_wait3A_78 = tpu.memref_slice %arg7[%dma_wait3A_76, %dma_wait3A_77] : memref<128x128xf32, #tpu.memory_space<vmem>> -> memref<8x128xf32, #tpu.memory_space<vmem>>
      %dma_wait3A_79 = arith.constant 0 : i32
      %dma_wait3A_80 = arith.constant 0 : i32
      %dma_wait3A_81 = tpu.memref_slice %arg4[%run_scoped3A_30, %dma_wait3A_79, %dma_wait3A_80] : memref<2x160000x128xf32, #tpu.memory_space<hbm>> -> memref<1x160000x128xf32, #tpu.memory_space<hbm>>
      %dma_wait3A_82 = tpu.memref_squeeze %dma_wait3A_81 : memref<1x160000x128xf32, #tpu.memory_space<hbm>> -> memref<160000x128xf32, #tpu.memory_space<hbm>>
      %dma_wait3A_83 = arith.constant 0 : i32
      %dma_wait3A_84 = tpu.memref_slice %dma_wait3A_82[%add3A_29, %dma_wait3A_83] : memref<160000x128xf32, #tpu.memory_space<hbm>> -> memref<8x128xf32, #tpu.memory_space<hbm>>
      %dma_wait3A_85 = arith.constant 0 : i32
      %dma_wait3A_86 = arith.constant 0 : i32
      %dma_wait3A_87 = tpu.memref_slice %arg4[%run_scoped3A_30, %dma_wait3A_85, %dma_wait3A_86] : memref<2x160000x128xf32, #tpu.memory_space<hbm>> -> memref<1x160000x128xf32, #tpu.memory_space<hbm>>
      %dma_wait3A_88 = tpu.memref_squeeze %dma_wait3A_87 : memref<1x160000x128xf32, #tpu.memory_space<hbm>> -> memref<160000x128xf32, #tpu.memory_space<hbm>>
      %dma_wait3A_89 = arith.constant 0 : i32
      %dma_wait3A_90 = tpu.memref_slice %dma_wait3A_88[%add3A_29, %dma_wait3A_89] : memref<160000x128xf32, #tpu.memory_space<hbm>> -> memref<8x128xf32, #tpu.memory_space<hbm>>
      %dma_wait3A_91 = arith.constant 0 : i32
      %dma_wait3A_92 = arith.constant 0 : i32
      %dma_wait3A_93 = tpu.memref_slice %arg7[%dma_wait3A_91, %dma_wait3A_92] : memref<128x128xf32, #tpu.memory_space<vmem>> -> memref<8x128xf32, #tpu.memory_space<vmem>>
      tpu.wait_dma2 semaphore(%run_scoped3A_57 : memref<!tpu.dma_semaphore, #tpu.memory_space<semaphore_mem>>) src(%dma_wait3A_93 : memref<8x128xf32, #tpu.memory_space<vmem>>) dst(%dma_wait3A_90 : memref<8x128xf32, #tpu.memory_space<hbm>>)
      tpu.yield
    }) : () -> ()
    %dma_start3A_31 = arith.constant 40 : i32
    %dma_start3A_32 = arith.constant 0 : i32
    %dma_start3A_33 = tpu.memref_slice %arg5[%dma_start3A_31, %dma_start3A_32] : memref<80x128xi32, #tpu.memory_space<vmem>> -> memref<1x128xi32, #tpu.memory_space<vmem>>
    %dma_start3A_34 = tpu.memref_squeeze %dma_start3A_33 : memref<1x128xi32, #tpu.memory_space<vmem>> -> memref<128xi32, #tpu.memory_space<vmem>>
    %dma_start3A_35 = arith.constant 0 : i32
    %dma_start3A_36 = arith.constant 0 : i32
    %dma_start3A_37 = tpu.memref_slice %arg8[%dma_start3A_35, %dma_start3A_36] : memref<10112x128xf32, #tpu.memory_space<vmem_shared>> -> memref<10112x128xf32, #tpu.memory_space<vmem_shared>>
    tpu.enqueue_indirect_dma source(%dma_start3A_37 : memref<10112x128xf32, #tpu.memory_space<vmem_shared>>) target(%arg6 : memref<128x128xf32, #tpu.memory_space<vmem>>) offsets(%dma_start3A_34 : memref<128xi32, #tpu.memory_space<vmem>>) semaphore(%arg9 : memref<!tpu.dma_semaphore, #tpu.memory_space<semaphore_mem>>)
    %scan3A_38 = arith.constant 0 : i32
    %scan3A_39 = arith.constant 0 : i32
    %scan3A_40 = arith.constant 19 : i32
    %scan3A_41 = arith.addi %scan3A_39, %scan3A_40 : i32
    %scan3A_42 = arith.constant 1 : i32
    scf.for %scan3A_57 = %scan3A_39 to %scan3A_41 step %scan3A_42  : i32 {
      %mul3A_58 = arith.constant 2 : i32
      %mul3A_59 = arith.muli %mul3A_58, %scan3A_57 : i32
      %dma_wait3A_60 = arith.constant 0 : i32
      %dma_wait3A_61 = arith.constant 0 : i32
      %dma_wait3A_62 = tpu.memref_slice %arg2[%dma_wait3A_60, %dma_wait3A_61] : memref<10112x128xf32, #tpu.memory_space<hbm>> -> memref<128x128xf32, #tpu.memory_space<hbm>>
      %dma_wait3A_63 = arith.constant 0 : i32
      %dma_wait3A_64 = arith.constant 0 : i32
      %dma_wait3A_65 = tpu.memref_slice %arg2[%dma_wait3A_63, %dma_wait3A_64] : memref<10112x128xf32, #tpu.memory_space<hbm>> -> memref<128x128xf32, #tpu.memory_space<hbm>>
      tpu.wait_dma2 semaphore(%arg9 : memref<!tpu.dma_semaphore, #tpu.memory_space<semaphore_mem>>) src(%dma_wait3A_65 : memref<128x128xf32, #tpu.memory_space<hbm>>) dst(%arg6 : memref<128x128xf32, #tpu.memory_space<vmem>>)
      %add3A_66 = arith.constant 40 : i32
      %add3A_67 = arith.addi %add3A_66, %mul3A_59 : i32
      %add3A_68 = arith.constant 1 : i32
      %add3A_69 = arith.addi %add3A_67, %add3A_68 : i32
      %dma_start3A_70 = arith.constant 0 : i32
      %dma_start3A_71 = tpu.memref_slice %arg5[%add3A_69, %dma_start3A_70] : memref<80x128xi32, #tpu.memory_space<vmem>> -> memref<1x128xi32, #tpu.memory_space<vmem>>
      %dma_start3A_72 = tpu.memref_squeeze %dma_start3A_71 : memref<1x128xi32, #tpu.memory_space<vmem>> -> memref<128xi32, #tpu.memory_space<vmem>>
      %dma_start3A_73 = arith.constant 0 : i32
      %dma_start3A_74 = arith.constant 0 : i32
      %dma_start3A_75 = tpu.memref_slice %arg8[%dma_start3A_73, %dma_start3A_74] : memref<10112x128xf32, #tpu.memory_space<vmem_shared>> -> memref<10112x128xf32, #tpu.memory_space<vmem_shared>>
      tpu.enqueue_indirect_dma source(%dma_start3A_75 : memref<10112x128xf32, #tpu.memory_space<vmem_shared>>) target(%arg7 : memref<128x128xf32, #tpu.memory_space<vmem>>) offsets(%dma_start3A_72 : memref<128xi32, #tpu.memory_space<vmem>>) semaphore(%arg10 : memref<!tpu.dma_semaphore, #tpu.memory_space<semaphore_mem>>)
      %mul3A_76 = arith.constant 128 : i32
      %mul3A_77 = arith.muli %mul3A_59, %mul3A_76 : i32
      %add3A_78 = arith.addi %mul3A_7, %mul3A_77 : i32
      %run_scoped3A_79 = arith.constant 1 : i32
      "tpu.region"() ({
        %run_scoped3A_102 = tpu.sem_alloc : memref<!tpu.dma_semaphore, #tpu.memory_space<semaphore_mem>>
        %dma_start3A_103 = arith.constant 0 : i32
        %dma_start3A_104 = arith.constant 0 : i32
        %dma_start3A_105 = tpu.memref_slice %arg4[%run_scoped3A_79, %dma_start3A_103, %dma_start3A_104] : memref<2x160000x128xf32, #tpu.memory_space<hbm>> -> memref<1x160000x128xf32, #tpu.memory_space<hbm>>
        %dma_start3A_106 = tpu.memref_squeeze %dma_start3A_105 : memref<1x160000x128xf32, #tpu.memory_space<hbm>> -> memref<160000x128xf32, #tpu.memory_space<hbm>>
        %dma_start3A_107 = arith.constant 0 : i32
        %dma_start3A_108 = tpu.memref_slice %dma_start3A_106[%add3A_78, %dma_start3A_107] : memref<160000x128xf32, #tpu.memory_space<hbm>> -> memref<128x128xf32, #tpu.memory_space<hbm>>
        %dma_start3A_109 = arith.constant 0 : i32
        %dma_start3A_110 = arith.constant 0 : i32
        %dma_start3A_111 = tpu.memref_slice %arg4[%run_scoped3A_79, %dma_start3A_109, %dma_start3A_110] : memref<2x160000x128xf32, #tpu.memory_space<hbm>> -> memref<1x160000x128xf32, #tpu.memory_space<hbm>>
        %dma_start3A_112 = tpu.memref_squeeze %dma_start3A_111 : memref<1x160000x128xf32, #tpu.memory_space<hbm>> -> memref<160000x128xf32, #tpu.memory_space<hbm>>
        %dma_start3A_113 = arith.constant 0 : i32
        %dma_start3A_114 = tpu.memref_slice %dma_start3A_112[%add3A_78, %dma_start3A_113] : memref<160000x128xf32, #tpu.memory_space<hbm>> -> memref<128x128xf32, #tpu.memory_space<hbm>>
        tpu.enqueue_dma source(%arg6 : memref<128x128xf32, #tpu.memory_space<vmem>>) target(%dma_start3A_114 : memref<128x128xf32, #tpu.memory_space<hbm>>) target_semaphore(%run_scoped3A_102 : memref<!tpu.dma_semaphore, #tpu.memory_space<semaphore_mem>>)
        %dma_wait3A_115 = arith.constant 0 : i32
        %dma_wait3A_116 = arith.constant 0 : i32
        %dma_wait3A_117 = tpu.memref_slice %arg4[%run_scoped3A_79, %dma_wait3A_115, %dma_wait3A_116] : memref<2x160000x128xf32, #tpu.memory_space<hbm>> -> memref<1x160000x128xf32, #tpu.memory_space<hbm>>
        %dma_wait3A_118 = tpu.memref_squeeze %dma_wait3A_117 : memref<1x160000x128xf32, #tpu.memory_space<hbm>> -> memref<160000x128xf32, #tpu.memory_space<hbm>>
        %dma_wait3A_119 = arith.constant 0 : i32
        %dma_wait3A_120 = tpu.memref_slice %dma_wait3A_118[%add3A_78, %dma_wait3A_119] : memref<160000x128xf32, #tpu.memory_space<hbm>> -> memref<128x128xf32, #tpu.memory_space<hbm>>
        %dma_wait3A_121 = arith.constant 0 : i32
        %dma_wait3A_122 = arith.constant 0 : i32
        %dma_wait3A_123 = tpu.memref_slice %arg4[%run_scoped3A_79, %dma_wait3A_121, %dma_wait3A_122] : memref<2x160000x128xf32, #tpu.memory_space<hbm>> -> memref<1x160000x128xf32, #tpu.memory_space<hbm>>
        %dma_wait3A_124 = tpu.memref_squeeze %dma_wait3A_123 : memref<1x160000x128xf32, #tpu.memory_space<hbm>> -> memref<160000x128xf32, #tpu.memory_space<hbm>>
        %dma_wait3A_125 = arith.constant 0 : i32
        %dma_wait3A_126 = tpu.memref_slice %dma_wait3A_124[%add3A_78, %dma_wait3A_125] : memref<160000x128xf32, #tpu.memory_space<hbm>> -> memref<128x128xf32, #tpu.memory_space<hbm>>
        tpu.wait_dma2 semaphore(%run_scoped3A_102 : memref<!tpu.dma_semaphore, #tpu.memory_space<semaphore_mem>>) src(%arg6 : memref<128x128xf32, #tpu.memory_space<vmem>>) dst(%dma_wait3A_126 : memref<128x128xf32, #tpu.memory_space<hbm>>)
        tpu.yield
      }) : () -> ()
      %dma_wait3A_80 = arith.constant 0 : i32
      %dma_wait3A_81 = arith.constant 0 : i32
      %dma_wait3A_82 = tpu.memref_slice %arg2[%dma_wait3A_80, %dma_wait3A_81] : memref<10112x128xf32, #tpu.memory_space<hbm>> -> memref<128x128xf32, #tpu.memory_space<hbm>>
      %dma_wait3A_83 = arith.constant 0 : i32
      %dma_wait3A_84 = arith.constant 0 : i32
      %dma_wait3A_85 = tpu.memref_slice %arg2[%dma_wait3A_83, %dma_wait3A_84] : memref<10112x128xf32, #tpu.memory_space<hbm>> -> memref<128x128xf32, #tpu.memory_space<hbm>>
      tpu.wait_dma2 semaphore(%arg10 : memref<!tpu.dma_semaphore, #tpu.memory_space<semaphore_mem>>) src(%dma_wait3A_85 : memref<128x128xf32, #tpu.memory_space<hbm>>) dst(%arg7 : memref<128x128xf32, #tpu.memory_space<vmem>>)
      %add3A_86 = arith.constant 40 : i32
      %add3A_87 = arith.addi %add3A_86, %mul3A_59 : i32
      %add3A_88 = arith.constant 2 : i32
      %add3A_89 = arith.addi %add3A_87, %add3A_88 : i32
      %dma_start3A_90 = arith.constant 0 : i32
      %dma_start3A_91 = tpu.memref_slice %arg5[%add3A_89, %dma_start3A_90] : memref<80x128xi32, #tpu.memory_space<vmem>> -> memref<1x128xi32, #tpu.memory_space<vmem>>
      %dma_start3A_92 = tpu.memref_squeeze %dma_start3A_91 : memref<1x128xi32, #tpu.memory_space<vmem>> -> memref<128xi32, #tpu.memory_space<vmem>>
      %dma_start3A_93 = arith.constant 0 : i32
      %dma_start3A_94 = arith.constant 0 : i32
      %dma_start3A_95 = tpu.memref_slice %arg8[%dma_start3A_93, %dma_start3A_94] : memref<10112x128xf32, #tpu.memory_space<vmem_shared>> -> memref<10112x128xf32, #tpu.memory_space<vmem_shared>>
      tpu.enqueue_indirect_dma source(%dma_start3A_95 : memref<10112x128xf32, #tpu.memory_space<vmem_shared>>) target(%arg6 : memref<128x128xf32, #tpu.memory_space<vmem>>) offsets(%dma_start3A_92 : memref<128xi32, #tpu.memory_space<vmem>>) semaphore(%arg9 : memref<!tpu.dma_semaphore, #tpu.memory_space<semaphore_mem>>)
      %add3A_96 = arith.constant 1 : i32
      %add3A_97 = arith.addi %mul3A_59, %add3A_96 : i32
      %mul3A_98 = arith.constant 128 : i32
      %mul3A_99 = arith.muli %add3A_97, %mul3A_98 : i32
      %add3A_100 = arith.addi %mul3A_7, %mul3A_99 : i32
      %run_scoped3A_101 = arith.constant 1 : i32
      "tpu.region"() ({
        %run_scoped3A_102 = tpu.sem_alloc : memref<!tpu.dma_semaphore, #tpu.memory_space<semaphore_mem>>
        %dma_start3A_103 = arith.constant 0 : i32
        %dma_start3A_104 = arith.constant 0 : i32
        %dma_start3A_105 = tpu.memref_slice %arg4[%run_scoped3A_101, %dma_start3A_103, %dma_start3A_104] : memref<2x160000x128xf32, #tpu.memory_space<hbm>> -> memref<1x160000x128xf32, #tpu.memory_space<hbm>>
        %dma_start3A_106 = tpu.memref_squeeze %dma_start3A_105 : memref<1x160000x128xf32, #tpu.memory_space<hbm>> -> memref<160000x128xf32, #tpu.memory_space<hbm>>
        %dma_start3A_107 = arith.constant 0 : i32
        %dma_start3A_108 = tpu.memref_slice %dma_start3A_106[%add3A_100, %dma_start3A_107] : memref<160000x128xf32, #tpu.memory_space<hbm>> -> memref<128x128xf32, #tpu.memory_space<hbm>>
        %dma_start3A_109 = arith.constant 0 : i32
        %dma_start3A_110 = arith.constant 0 : i32
        %dma_start3A_111 = tpu.memref_slice %arg4[%run_scoped3A_101, %dma_start3A_109, %dma_start3A_110] : memref<2x160000x128xf32, #tpu.memory_space<hbm>> -> memref<1x160000x128xf32, #tpu.memory_space<hbm>>
        %dma_start3A_112 = tpu.memref_squeeze %dma_start3A_111 : memref<1x160000x128xf32, #tpu.memory_space<hbm>> -> memref<160000x128xf32, #tpu.memory_space<hbm>>
        %dma_start3A_113 = arith.constant 0 : i32
        %dma_start3A_114 = tpu.memref_slice %dma_start3A_112[%add3A_100, %dma_start3A_113] : memref<160000x128xf32, #tpu.memory_space<hbm>> -> memref<128x128xf32, #tpu.memory_space<hbm>>
        tpu.enqueue_dma source(%arg7 : memref<128x128xf32, #tpu.memory_space<vmem>>) target(%dma_start3A_114 : memref<128x128xf32, #tpu.memory_space<hbm>>) target_semaphore(%run_scoped3A_102 : memref<!tpu.dma_semaphore, #tpu.memory_space<semaphore_mem>>)
        %dma_wait3A_115 = arith.constant 0 : i32
        %dma_wait3A_116 = arith.constant 0 : i32
        %dma_wait3A_117 = tpu.memref_slice %arg4[%run_scoped3A_101, %dma_wait3A_115, %dma_wait3A_116] : memref<2x160000x128xf32, #tpu.memory_space<hbm>> -> memref<1x160000x128xf32, #tpu.memory_space<hbm>>
        %dma_wait3A_118 = tpu.memref_squeeze %dma_wait3A_117 : memref<1x160000x128xf32, #tpu.memory_space<hbm>> -> memref<160000x128xf32, #tpu.memory_space<hbm>>
        %dma_wait3A_119 = arith.constant 0 : i32
        %dma_wait3A_120 = tpu.memref_slice %dma_wait3A_118[%add3A_100, %dma_wait3A_119] : memref<160000x128xf32, #tpu.memory_space<hbm>> -> memref<128x128xf32, #tpu.memory_space<hbm>>
        %dma_wait3A_121 = arith.constant 0 : i32
        %dma_wait3A_122 = arith.constant 0 : i32
        %dma_wait3A_123 = tpu.memref_slice %arg4[%run_scoped3A_101, %dma_wait3A_121, %dma_wait3A_122] : memref<2x160000x128xf32, #tpu.memory_space<hbm>> -> memref<1x160000x128xf32, #tpu.memory_space<hbm>>
        %dma_wait3A_124 = tpu.memref_squeeze %dma_wait3A_123 : memref<1x160000x128xf32, #tpu.memory_space<hbm>> -> memref<160000x128xf32, #tpu.memory_space<hbm>>
        %dma_wait3A_125 = arith.constant 0 : i32
        %dma_wait3A_126 = tpu.memref_slice %dma_wait3A_124[%add3A_100, %dma_wait3A_125] : memref<160000x128xf32, #tpu.memory_space<hbm>> -> memref<128x128xf32, #tpu.memory_space<hbm>>
        tpu.wait_dma2 semaphore(%run_scoped3A_102 : memref<!tpu.dma_semaphore, #tpu.memory_space<semaphore_mem>>) src(%arg7 : memref<128x128xf32, #tpu.memory_space<vmem>>) dst(%dma_wait3A_126 : memref<128x128xf32, #tpu.memory_space<hbm>>)
        tpu.yield
      }) : () -> ()
    }
    %scan3A_43 = arith.constant 19 : i32
    %dma_wait3A_44 = arith.constant 0 : i32
    %dma_wait3A_45 = arith.constant 0 : i32
    %dma_wait3A_46 = tpu.memref_slice %arg2[%dma_wait3A_44, %dma_wait3A_45] : memref<10112x128xf32, #tpu.memory_space<hbm>> -> memref<128x128xf32, #tpu.memory_space<hbm>>
    %dma_wait3A_47 = arith.constant 0 : i32
    %dma_wait3A_48 = arith.constant 0 : i32
    %dma_wait3A_49 = tpu.memref_slice %arg2[%dma_wait3A_47, %dma_wait3A_48] : memref<10112x128xf32, #tpu.memory_space<hbm>> -> memref<128x128xf32, #tpu.memory_space<hbm>>
    tpu.wait_dma2 semaphore(%arg9 : memref<!tpu.dma_semaphore, #tpu.memory_space<semaphore_mem>>) src(%dma_wait3A_49 : memref<128x128xf32, #tpu.memory_space<hbm>>) dst(%arg6 : memref<128x128xf32, #tpu.memory_space<vmem>>)
    %add3A_50 = arith.constant 4864 : i32
    %add3A_51 = arith.addi %mul3A_7, %add3A_50 : i32
    %run_scoped3A_52 = arith.constant 1 : i32
    "tpu.region"() ({
      %run_scoped3A_57 = tpu.sem_alloc : memref<!tpu.dma_semaphore, #tpu.memory_space<semaphore_mem>>
      %dma_start3A_58 = arith.constant 0 : i32
      %dma_start3A_59 = arith.constant 0 : i32
      %dma_start3A_60 = tpu.memref_slice %arg4[%run_scoped3A_52, %dma_start3A_58, %dma_start3A_59] : memref<2x160000x128xf32, #tpu.memory_space<hbm>> -> memref<1x160000x128xf32, #tpu.memory_space<hbm>>
      %dma_start3A_61 = tpu.memref_squeeze %dma_start3A_60 : memref<1x160000x128xf32, #tpu.memory_space<hbm>> -> memref<160000x128xf32, #tpu.memory_space<hbm>>
      %dma_start3A_62 = arith.constant 0 : i32
      %dma_start3A_63 = tpu.memref_slice %dma_start3A_61[%add3A_51, %dma_start3A_62] : memref<160000x128xf32, #tpu.memory_space<hbm>> -> memref<128x128xf32, #tpu.memory_space<hbm>>
      %dma_start3A_64 = arith.constant 0 : i32
      %dma_start3A_65 = arith.constant 0 : i32
      %dma_start3A_66 = tpu.memref_slice %arg4[%run_scoped3A_52, %dma_start3A_64, %dma_start3A_65] : memref<2x160000x128xf32, #tpu.memory_space<hbm>> -> memref<1x160000x128xf32, #tpu.memory_space<hbm>>
      %dma_start3A_67 = tpu.memref_squeeze %dma_start3A_66 : memref<1x160000x128xf32, #tpu.memory_space<hbm>> -> memref<160000x128xf32, #tpu.memory_space<hbm>>
      %dma_start3A_68 = arith.constant 0 : i32
      %dma_start3A_69 = tpu.memref_slice %dma_start3A_67[%add3A_51, %dma_start3A_68] : memref<160000x128xf32, #tpu.memory_space<hbm>> -> memref<128x128xf32, #tpu.memory_space<hbm>>
      tpu.enqueue_dma source(%arg6 : memref<128x128xf32, #tpu.memory_space<vmem>>) target(%dma_start3A_69 : memref<128x128xf32, #tpu.memory_space<hbm>>) target_semaphore(%run_scoped3A_57 : memref<!tpu.dma_semaphore, #tpu.memory_space<semaphore_mem>>)
      %dma_wait3A_70 = arith.constant 0 : i32
      %dma_wait3A_71 = arith.constant 0 : i32
      %dma_wait3A_72 = tpu.memref_slice %arg4[%run_scoped3A_52, %dma_wait3A_70, %dma_wait3A_71] : memref<2x160000x128xf32, #tpu.memory_space<hbm>> -> memref<1x160000x128xf32, #tpu.memory_space<hbm>>
      %dma_wait3A_73 = tpu.memref_squeeze %dma_wait3A_72 : memref<1x160000x128xf32, #tpu.memory_space<hbm>> -> memref<160000x128xf32, #tpu.memory_space<hbm>>
      %dma_wait3A_74 = arith.constant 0 : i32
      %dma_wait3A_75 = tpu.memref_slice %dma_wait3A_73[%add3A_51, %dma_wait3A_74] : memref<160000x128xf32, #tpu.memory_space<hbm>> -> memref<128x128xf32, #tpu.memory_space<hbm>>
      %dma_wait3A_76 = arith.constant 0 : i32
      %dma_wait3A_77 = arith.constant 0 : i32
      %dma_wait3A_78 = tpu.memref_slice %arg4[%run_scoped3A_52, %dma_wait3A_76, %dma_wait3A_77] : memref<2x160000x128xf32, #tpu.memory_space<hbm>> -> memref<1x160000x128xf32, #tpu.memory_space<hbm>>
      %dma_wait3A_79 = tpu.memref_squeeze %dma_wait3A_78 : memref<1x160000x128xf32, #tpu.memory_space<hbm>> -> memref<160000x128xf32, #tpu.memory_space<hbm>>
      %dma_wait3A_80 = arith.constant 0 : i32
      %dma_wait3A_81 = tpu.memref_slice %dma_wait3A_79[%add3A_51, %dma_wait3A_80] : memref<160000x128xf32, #tpu.memory_space<hbm>> -> memref<128x128xf32, #tpu.memory_space<hbm>>
      tpu.wait_dma2 semaphore(%run_scoped3A_57 : memref<!tpu.dma_semaphore, #tpu.memory_space<semaphore_mem>>) src(%arg6 : memref<128x128xf32, #tpu.memory_space<vmem>>) dst(%dma_wait3A_81 : memref<128x128xf32, #tpu.memory_space<hbm>>)
      tpu.yield
    }) : () -> ()
    %run_scoped3A_53 = arith.constant 79 : i32
    "tpu.region"() ({
      %run_scoped3A_57 = tpu.sem_alloc : memref<!tpu.dma_semaphore, #tpu.memory_space<semaphore_mem>>
      %dma_start3A_58 = arith.constant 0 : i32
      %dma_start3A_59 = tpu.memref_slice %arg5[%run_scoped3A_53, %dma_start3A_58] : memref<80x128xi32, #tpu.memory_space<vmem>> -> memref<1x128xi32, #tpu.memory_space<vmem>>
      %dma_start3A_60 = tpu.memref_squeeze %dma_start3A_59 : memref<1x128xi32, #tpu.memory_space<vmem>> -> memref<128xi32, #tpu.memory_space<vmem>>
      %dma_start3A_61 = arith.constant 0 : i32
      %dma_start3A_62 = arith.constant 0 : i32
      %dma_start3A_63 = tpu.memref_slice %arg8[%dma_start3A_61, %dma_start3A_62] : memref<10112x128xf32, #tpu.memory_space<vmem_shared>> -> memref<10112x128xf32, #tpu.memory_space<vmem_shared>>
      tpu.enqueue_indirect_dma source(%dma_start3A_63 : memref<10112x128xf32, #tpu.memory_space<vmem_shared>>) target(%arg7 : memref<128x128xf32, #tpu.memory_space<vmem>>) offsets(%dma_start3A_60 : memref<128xi32, #tpu.memory_space<vmem>>) semaphore(%run_scoped3A_57 : memref<!tpu.dma_semaphore, #tpu.memory_space<semaphore_mem>>)
      %dma_wait3A_64 = arith.constant 0 : i32
      %dma_wait3A_65 = tpu.memref_slice %arg5[%run_scoped3A_53, %dma_wait3A_64] : memref<80x128xi32, #tpu.memory_space<vmem>> -> memref<1x128xi32, #tpu.memory_space<vmem>>
      %dma_wait3A_66 = tpu.memref_squeeze %dma_wait3A_65 : memref<1x128xi32, #tpu.memory_space<vmem>> -> memref<128xi32, #tpu.memory_space<vmem>>
      %dma_wait3A_67 = arith.constant 0 : i32
      %dma_wait3A_68 = arith.constant 0 : i32
      %dma_wait3A_69 = tpu.memref_slice %arg8[%dma_wait3A_67, %dma_wait3A_68] : memref<10112x128xf32, #tpu.memory_space<vmem_shared>> -> memref<10112x128xf32, #tpu.memory_space<vmem_shared>>
      tpu.wait_indirect_dma semaphore(%run_scoped3A_57 : memref<!tpu.dma_semaphore, #tpu.memory_space<semaphore_mem>>) src(%dma_wait3A_69 : memref<10112x128xf32, #tpu.memory_space<vmem_shared>>) dst(%arg7 : memref<128x128xf32, #tpu.memory_space<vmem>>)
      tpu.yield
    }) : () -> ()
    %add3A_54 = arith.constant 4992 : i32
    %add3A_55 = arith.addi %mul3A_7, %add3A_54 : i32
    %run_scoped3A_56 = arith.constant 1 : i32
    "tpu.region"() ({
      %run_scoped3A_57 = tpu.sem_alloc : memref<!tpu.dma_semaphore, #tpu.memory_space<semaphore_mem>>
      %dma_start3A_58 = arith.constant 0 : i32
      %dma_start3A_59 = arith.constant 0 : i32
      %dma_start3A_60 = tpu.memref_slice %arg7[%dma_start3A_58, %dma_start3A_59] : memref<128x128xf32, #tpu.memory_space<vmem>> -> memref<8x128xf32, #tpu.memory_space<vmem>>
      %dma_start3A_61 = arith.constant 0 : i32
      %dma_start3A_62 = arith.constant 0 : i32
      %dma_start3A_63 = tpu.memref_slice %arg4[%run_scoped3A_56, %dma_start3A_61, %dma_start3A_62] : memref<2x160000x128xf32, #tpu.memory_space<hbm>> -> memref<1x160000x128xf32, #tpu.memory_space<hbm>>
      %dma_start3A_64 = tpu.memref_squeeze %dma_start3A_63 : memref<1x160000x128xf32, #tpu.memory_space<hbm>> -> memref<160000x128xf32, #tpu.memory_space<hbm>>
      %dma_start3A_65 = arith.constant 0 : i32
      %dma_start3A_66 = tpu.memref_slice %dma_start3A_64[%add3A_55, %dma_start3A_65] : memref<160000x128xf32, #tpu.memory_space<hbm>> -> memref<8x128xf32, #tpu.memory_space<hbm>>
      %dma_start3A_67 = arith.constant 0 : i32
      %dma_start3A_68 = arith.constant 0 : i32
      %dma_start3A_69 = tpu.memref_slice %arg4[%run_scoped3A_56, %dma_start3A_67, %dma_start3A_68] : memref<2x160000x128xf32, #tpu.memory_space<hbm>> -> memref<1x160000x128xf32, #tpu.memory_space<hbm>>
      %dma_start3A_70 = tpu.memref_squeeze %dma_start3A_69 : memref<1x160000x128xf32, #tpu.memory_space<hbm>> -> memref<160000x128xf32, #tpu.memory_space<hbm>>
      %dma_start3A_71 = arith.constant 0 : i32
      %dma_start3A_72 = tpu.memref_slice %dma_start3A_70[%add3A_55, %dma_start3A_71] : memref<160000x128xf32, #tpu.memory_space<hbm>> -> memref<8x128xf32, #tpu.memory_space<hbm>>
      %dma_start3A_73 = arith.constant 0 : i32
      %dma_start3A_74 = arith.constant 0 : i32
      %dma_start3A_75 = tpu.memref_slice %arg7[%dma_start3A_73, %dma_start3A_74] : memref<128x128xf32, #tpu.memory_space<vmem>> -> memref<8x128xf32, #tpu.memory_space<vmem>>
      tpu.enqueue_dma source(%dma_start3A_75 : memref<8x128xf32, #tpu.memory_space<vmem>>) target(%dma_start3A_72 : memref<8x128xf32, #tpu.memory_space<hbm>>) target_semaphore(%run_scoped3A_57 : memref<!tpu.dma_semaphore, #tpu.memory_space<semaphore_mem>>)
      %dma_wait3A_76 = arith.constant 0 : i32
      %dma_wait3A_77 = arith.constant 0 : i32
      %dma_wait3A_78 = tpu.memref_slice %arg7[%dma_wait3A_76, %dma_wait3A_77] : memref<128x128xf32, #tpu.memory_space<vmem>> -> memref<8x128xf32, #tpu.memory_space<vmem>>
      %dma_wait3A_79 = arith.constant 0 : i32
      %dma_wait3A_80 = arith.constant 0 : i32
      %dma_wait3A_81 = tpu.memref_slice %arg4[%run_scoped3A_56, %dma_wait3A_79, %dma_wait3A_80] : memref<2x160000x128xf32, #tpu.memory_space<hbm>> -> memref<1x160000x128xf32, #tpu.memory_space<hbm>>
      %dma_wait3A_82 = tpu.memref_squeeze %dma_wait3A_81 : memref<1x160000x128xf32, #tpu.memory_space<hbm>> -> memref<160000x128xf32, #tpu.memory_space<hbm>>
      %dma_wait3A_83 = arith.constant 0 : i32
      %dma_wait3A_84 = tpu.memref_slice %dma_wait3A_82[%add3A_55, %dma_wait3A_83] : memref<160000x128xf32, #tpu.memory_space<hbm>> -> memref<8x128xf32, #tpu.memory_space<hbm>>
      %dma_wait3A_85 = arith.constant 0 : i32
      %dma_wait3A_86 = arith.constant 0 : i32
      %dma_wait3A_87 = tpu.memref_slice %arg4[%run_scoped3A_56, %dma_wait3A_85, %dma_wait3A_86] : memref<2x160000x128xf32, #tpu.memory_space<hbm>> -> memref<1x160000x128xf32, #tpu.memory_space<hbm>>
      %dma_wait3A_88 = tpu.memref_squeeze %dma_wait3A_87 : memref<1x160000x128xf32, #tpu.memory_space<hbm>> -> memref<160000x128xf32, #tpu.memory_space<hbm>>
      %dma_wait3A_89 = arith.constant 0 : i32
      %dma_wait3A_90 = tpu.memref_slice %dma_wait3A_88[%add3A_55, %dma_wait3A_89] : memref<160000x128xf32, #tpu.memory_space<hbm>> -> memref<8x128xf32, #tpu.memory_space<hbm>>
      %dma_wait3A_91 = arith.constant 0 : i32
      %dma_wait3A_92 = arith.constant 0 : i32
      %dma_wait3A_93 = tpu.memref_slice %arg7[%dma_wait3A_91, %dma_wait3A_92] : memref<128x128xf32, #tpu.memory_space<vmem>> -> memref<8x128xf32, #tpu.memory_space<vmem>>
      tpu.wait_dma2 semaphore(%run_scoped3A_57 : memref<!tpu.dma_semaphore, #tpu.memory_space<semaphore_mem>>) src(%dma_wait3A_93 : memref<8x128xf32, #tpu.memory_space<vmem>>) dst(%dma_wait3A_90 : memref<8x128xf32, #tpu.memory_space<hbm>>)
      tpu.yield
    }) : () -> ()
    return
  }
}

#map = affine_map<(d0, d1) -> (0, 0)>
#map1 = affine_map<(d0, d1) -> (0, 0, 0)>
module attributes {stable_mosaic.version = 14 : i64} {
  func.func @_scatter_sc(%arg0: i32, %arg1: i32, %arg2: memref<160000x128xf32, #tpu.memory_space<hbm>>, %arg3: memref<32x40x128xi32, #tpu.memory_space<hbm>>, %arg4: memref<10112x128xf32, #tpu.memory_space<hbm>>, %arg5: memref<2x10112x128xf32, #tpu.memory_space<hbm>>, %arg6: memref<40x128xi32, #tpu.memory_space<vmem>>, %arg7: memref<128x128xf32, #tpu.memory_space<vmem>>, %arg8: memref<128x128xf32, #tpu.memory_space<vmem>>, %arg9: memref<10112x128xf32, #tpu.memory_space<vmem_shared>>, %arg10: memref<!tpu.dma_semaphore, #tpu.memory_space<semaphore_mem>>, %arg11: memref<!tpu.dma_semaphore, #tpu.memory_space<semaphore_mem>>) attributes {dimension_semantics = [#tpu.dimension_semantics<core_parallel>, #tpu.dimension_semantics<subcore_parallel>], iteration_bounds = array<i64: 2, 16>, scalar_prefetch = 0 : i64, scratch_operands = 6 : i64, tpu.core_type = #tpu.core_type<sc_vector_subcore>, window_params = [{transform_indices = #map}, {transform_indices = #map1}, {transform_indices = #map}, {transform_indices = #map1}]} {
    %mul3A = arith.constant 16 : i32
    %mul3A_0 = arith.muli %arg0, %mul3A : i32
    %add3A = arith.addi %mul3A_0, %arg1 : i32
    "tpu.region"() ({
      %run_scoped3A_28 = tpu.sem_alloc : memref<!tpu.dma_semaphore, #tpu.memory_space<semaphore_mem>>
      %dma_start3A_29 = arith.constant 0 : i32
      %dma_start3A_30 = arith.constant 0 : i32
      %dma_start3A_31 = tpu.memref_slice %arg3[%add3A, %dma_start3A_29, %dma_start3A_30] : memref<32x40x128xi32, #tpu.memory_space<hbm>> -> memref<1x40x128xi32, #tpu.memory_space<hbm>>
      %dma_start3A_32 = tpu.memref_squeeze %dma_start3A_31 : memref<1x40x128xi32, #tpu.memory_space<hbm>> -> memref<40x128xi32, #tpu.memory_space<hbm>>
      %dma_start3A_33 = arith.constant 0 : i32
      %dma_start3A_34 = arith.constant 0 : i32
      %dma_start3A_35 = tpu.memref_slice %arg3[%add3A, %dma_start3A_33, %dma_start3A_34] : memref<32x40x128xi32, #tpu.memory_space<hbm>> -> memref<1x40x128xi32, #tpu.memory_space<hbm>>
      %dma_start3A_36 = tpu.memref_squeeze %dma_start3A_35 : memref<1x40x128xi32, #tpu.memory_space<hbm>> -> memref<40x128xi32, #tpu.memory_space<hbm>>
      tpu.enqueue_dma source(%dma_start3A_36 : memref<40x128xi32, #tpu.memory_space<hbm>>) target(%arg6 : memref<40x128xi32, #tpu.memory_space<vmem>>) target_semaphore(%run_scoped3A_28 : memref<!tpu.dma_semaphore, #tpu.memory_space<semaphore_mem>>)
      %dma_wait3A_37 = arith.constant 0 : i32
      %dma_wait3A_38 = arith.constant 0 : i32
      %dma_wait3A_39 = tpu.memref_slice %arg3[%add3A, %dma_wait3A_37, %dma_wait3A_38] : memref<32x40x128xi32, #tpu.memory_space<hbm>> -> memref<1x40x128xi32, #tpu.memory_space<hbm>>
      %dma_wait3A_40 = tpu.memref_squeeze %dma_wait3A_39 : memref<1x40x128xi32, #tpu.memory_space<hbm>> -> memref<40x128xi32, #tpu.memory_space<hbm>>
      %dma_wait3A_41 = arith.constant 0 : i32
      %dma_wait3A_42 = arith.constant 0 : i32
      %dma_wait3A_43 = tpu.memref_slice %arg3[%add3A, %dma_wait3A_41, %dma_wait3A_42] : memref<32x40x128xi32, #tpu.memory_space<hbm>> -> memref<1x40x128xi32, #tpu.memory_space<hbm>>
      %dma_wait3A_44 = tpu.memref_squeeze %dma_wait3A_43 : memref<1x40x128xi32, #tpu.memory_space<hbm>> -> memref<40x128xi32, #tpu.memory_space<hbm>>
      tpu.wait_dma2 semaphore(%run_scoped3A_28 : memref<!tpu.dma_semaphore, #tpu.memory_space<semaphore_mem>>) src(%dma_wait3A_44 : memref<40x128xi32, #tpu.memory_space<hbm>>) dst(%arg6 : memref<40x128xi32, #tpu.memory_space<vmem>>)
      tpu.yield
    }) : () -> ()
    %mul3A_1 = arith.constant 632 : i32
    %mul3A_2 = arith.muli %arg1, %mul3A_1 : i32
    %mul3A_3 = arith.constant 632 : i32
    %mul3A_4 = arith.muli %arg1, %mul3A_3 : i32
    "tpu.region"() ({
      %run_scoped3A_28 = tpu.sem_alloc : memref<!tpu.dma_semaphore, #tpu.memory_space<semaphore_mem>>
      %dma_start3A_29 = arith.constant 0 : i32
      %dma_start3A_30 = tpu.memref_slice %arg9[%mul3A_4, %dma_start3A_29] : memref<10112x128xf32, #tpu.memory_space<vmem_shared>> -> memref<632x128xf32, #tpu.memory_space<vmem_shared>>
      %dma_start3A_31 = arith.constant 0 : i32
      %dma_start3A_32 = tpu.memref_slice %arg4[%mul3A_2, %dma_start3A_31] : memref<10112x128xf32, #tpu.memory_space<hbm>> -> memref<632x128xf32, #tpu.memory_space<hbm>>
      tpu.enqueue_dma source(%dma_start3A_32 : memref<632x128xf32, #tpu.memory_space<hbm>>) target(%dma_start3A_30 : memref<632x128xf32, #tpu.memory_space<vmem_shared>>) target_semaphore(%run_scoped3A_28 : memref<!tpu.dma_semaphore, #tpu.memory_space<semaphore_mem>>)
      %dma_wait3A_33 = arith.constant 0 : i32
      %dma_wait3A_34 = tpu.memref_slice %arg9[%mul3A_4, %dma_wait3A_33] : memref<10112x128xf32, #tpu.memory_space<vmem_shared>> -> memref<632x128xf32, #tpu.memory_space<vmem_shared>>
      %dma_wait3A_35 = arith.constant 0 : i32
      %dma_wait3A_36 = tpu.memref_slice %arg4[%mul3A_2, %dma_wait3A_35] : memref<10112x128xf32, #tpu.memory_space<hbm>> -> memref<632x128xf32, #tpu.memory_space<hbm>>
      tpu.wait_dma2 semaphore(%run_scoped3A_28 : memref<!tpu.dma_semaphore, #tpu.memory_space<semaphore_mem>>) src(%dma_wait3A_36 : memref<632x128xf32, #tpu.memory_space<hbm>>) dst(%dma_wait3A_34 : memref<632x128xf32, #tpu.memory_space<vmem_shared>>)
      tpu.yield
    }) : () -> ()
    %barrier3A = arith.constant 0 : index
    tpu.barrier barrier_id(%barrier3A)
    %mul3A_5 = arith.constant 5000 : i32
    %mul3A_6 = arith.muli %add3A, %mul3A_5 : i32
    %dma_start3A = arith.constant 0 : i32
    %dma_start3A_7 = tpu.memref_slice %arg2[%mul3A_6, %dma_start3A] : memref<160000x128xf32, #tpu.memory_space<hbm>> -> memref<128x128xf32, #tpu.memory_space<hbm>>
    %dma_start3A_8 = arith.constant 0 : i32
    %dma_start3A_9 = tpu.memref_slice %arg2[%mul3A_6, %dma_start3A_8] : memref<160000x128xf32, #tpu.memory_space<hbm>> -> memref<128x128xf32, #tpu.memory_space<hbm>>
    tpu.enqueue_dma source(%dma_start3A_9 : memref<128x128xf32, #tpu.memory_space<hbm>>) target(%arg7 : memref<128x128xf32, #tpu.memory_space<vmem>>) target_semaphore(%arg10 : memref<!tpu.dma_semaphore, #tpu.memory_space<semaphore_mem>>)
    %scan3A = arith.constant 0 : i32
    %scan3A_10 = arith.constant 0 : i32
    %scan3A_11 = arith.constant 19 : i32
    %scan3A_12 = arith.addi %scan3A_10, %scan3A_11 : i32
    %scan3A_13 = arith.constant 1 : i32
    scf.for %scan3A_28 = %scan3A_10 to %scan3A_12 step %scan3A_13  : i32 {
      %mul3A_29 = arith.constant 2 : i32
      %mul3A_30 = arith.muli %mul3A_29, %scan3A_28 : i32
      %dma_wait3A_31 = arith.constant 0 : i32
      %dma_wait3A_32 = arith.constant 0 : i32
      %dma_wait3A_33 = tpu.memref_slice %arg2[%dma_wait3A_31, %dma_wait3A_32] : memref<160000x128xf32, #tpu.memory_space<hbm>> -> memref<128x128xf32, #tpu.memory_space<hbm>>
      %dma_wait3A_34 = arith.constant 0 : i32
      %dma_wait3A_35 = arith.constant 0 : i32
      %dma_wait3A_36 = tpu.memref_slice %arg2[%dma_wait3A_34, %dma_wait3A_35] : memref<160000x128xf32, #tpu.memory_space<hbm>> -> memref<128x128xf32, #tpu.memory_space<hbm>>
      tpu.wait_dma2 semaphore(%arg10 : memref<!tpu.dma_semaphore, #tpu.memory_space<semaphore_mem>>) src(%dma_wait3A_36 : memref<128x128xf32, #tpu.memory_space<hbm>>) dst(%arg7 : memref<128x128xf32, #tpu.memory_space<vmem>>)
      %add3A_37 = arith.constant 1 : i32
      %add3A_38 = arith.addi %mul3A_30, %add3A_37 : i32
      %mul3A_39 = arith.constant 128 : i32
      %mul3A_40 = arith.muli %add3A_38, %mul3A_39 : i32
      %add3A_41 = arith.addi %mul3A_6, %mul3A_40 : i32
      %dma_start3A_42 = arith.constant 0 : i32
      %dma_start3A_43 = tpu.memref_slice %arg2[%add3A_41, %dma_start3A_42] : memref<160000x128xf32, #tpu.memory_space<hbm>> -> memref<128x128xf32, #tpu.memory_space<hbm>>
      %dma_start3A_44 = arith.constant 0 : i32
      %dma_start3A_45 = tpu.memref_slice %arg2[%add3A_41, %dma_start3A_44] : memref<160000x128xf32, #tpu.memory_space<hbm>> -> memref<128x128xf32, #tpu.memory_space<hbm>>
      tpu.enqueue_dma source(%dma_start3A_45 : memref<128x128xf32, #tpu.memory_space<hbm>>) target(%arg8 : memref<128x128xf32, #tpu.memory_space<vmem>>) target_semaphore(%arg11 : memref<!tpu.dma_semaphore, #tpu.memory_space<semaphore_mem>>)
      "tpu.region"() ({
        %run_scoped3A_63 = tpu.sem_alloc : memref<!tpu.dma_semaphore, #tpu.memory_space<semaphore_mem>>
        %dma_start3A_64 = arith.constant 0 : i32
        %dma_start3A_65 = tpu.memref_slice %arg6[%mul3A_30, %dma_start3A_64] : memref<40x128xi32, #tpu.memory_space<vmem>> -> memref<1x128xi32, #tpu.memory_space<vmem>>
        %dma_start3A_66 = tpu.memref_squeeze %dma_start3A_65 : memref<1x128xi32, #tpu.memory_space<vmem>> -> memref<128xi32, #tpu.memory_space<vmem>>
        %dma_start3A_67 = arith.constant 0 : i32
        %dma_start3A_68 = arith.constant 0 : i32
        %dma_start3A_69 = tpu.memref_slice %arg9[%dma_start3A_67, %dma_start3A_68] : memref<10112x128xf32, #tpu.memory_space<vmem_shared>> -> memref<10112x128xf32, #tpu.memory_space<vmem_shared>>
        tpu.enqueue_indirect_dma source(%arg7 : memref<128x128xf32, #tpu.memory_space<vmem>>) target(%dma_start3A_69 : memref<10112x128xf32, #tpu.memory_space<vmem_shared>>) offsets(%dma_start3A_66 : memref<128xi32, #tpu.memory_space<vmem>>) semaphore(%run_scoped3A_63 : memref<!tpu.dma_semaphore, #tpu.memory_space<semaphore_mem>>) {add = true}
        %dma_wait3A_70 = arith.constant 0 : i32
        %dma_wait3A_71 = tpu.memref_slice %arg6[%mul3A_30, %dma_wait3A_70] : memref<40x128xi32, #tpu.memory_space<vmem>> -> memref<1x128xi32, #tpu.memory_space<vmem>>
        %dma_wait3A_72 = tpu.memref_squeeze %dma_wait3A_71 : memref<1x128xi32, #tpu.memory_space<vmem>> -> memref<128xi32, #tpu.memory_space<vmem>>
        %dma_wait3A_73 = arith.constant 0 : i32
        %dma_wait3A_74 = arith.constant 0 : i32
        %dma_wait3A_75 = tpu.memref_slice %arg9[%dma_wait3A_73, %dma_wait3A_74] : memref<10112x128xf32, #tpu.memory_space<vmem_shared>> -> memref<10112x128xf32, #tpu.memory_space<vmem_shared>>
        tpu.wait_indirect_dma semaphore(%run_scoped3A_63 : memref<!tpu.dma_semaphore, #tpu.memory_space<semaphore_mem>>) src(%arg7 : memref<128x128xf32, #tpu.memory_space<vmem>>) dst(%dma_wait3A_75 : memref<10112x128xf32, #tpu.memory_space<vmem_shared>>)
        tpu.yield
      }) : () -> ()
      %dma_wait3A_46 = arith.constant 0 : i32
      %dma_wait3A_47 = arith.constant 0 : i32
      %dma_wait3A_48 = tpu.memref_slice %arg2[%dma_wait3A_46, %dma_wait3A_47] : memref<160000x128xf32, #tpu.memory_space<hbm>> -> memref<128x128xf32, #tpu.memory_space<hbm>>
      %dma_wait3A_49 = arith.constant 0 : i32
      %dma_wait3A_50 = arith.constant 0 : i32
      %dma_wait3A_51 = tpu.memref_slice %arg2[%dma_wait3A_49, %dma_wait3A_50] : memref<160000x128xf32, #tpu.memory_space<hbm>> -> memref<128x128xf32, #tpu.memory_space<hbm>>
      tpu.wait_dma2 semaphore(%arg11 : memref<!tpu.dma_semaphore, #tpu.memory_space<semaphore_mem>>) src(%dma_wait3A_51 : memref<128x128xf32, #tpu.memory_space<hbm>>) dst(%arg8 : memref<128x128xf32, #tpu.memory_space<vmem>>)
      %add3A_52 = arith.constant 2 : i32
      %add3A_53 = arith.addi %mul3A_30, %add3A_52 : i32
      %mul3A_54 = arith.constant 128 : i32
      %mul3A_55 = arith.muli %add3A_53, %mul3A_54 : i32
      %add3A_56 = arith.addi %mul3A_6, %mul3A_55 : i32
      %dma_start3A_57 = arith.constant 0 : i32
      %dma_start3A_58 = tpu.memref_slice %arg2[%add3A_56, %dma_start3A_57] : memref<160000x128xf32, #tpu.memory_space<hbm>> -> memref<128x128xf32, #tpu.memory_space<hbm>>
      %dma_start3A_59 = arith.constant 0 : i32
      %dma_start3A_60 = tpu.memref_slice %arg2[%add3A_56, %dma_start3A_59] : memref<160000x128xf32, #tpu.memory_space<hbm>> -> memref<128x128xf32, #tpu.memory_space<hbm>>
      tpu.enqueue_dma source(%dma_start3A_60 : memref<128x128xf32, #tpu.memory_space<hbm>>) target(%arg7 : memref<128x128xf32, #tpu.memory_space<vmem>>) target_semaphore(%arg10 : memref<!tpu.dma_semaphore, #tpu.memory_space<semaphore_mem>>)
      %add3A_61 = arith.constant 1 : i32
      %add3A_62 = arith.addi %mul3A_30, %add3A_61 : i32
      "tpu.region"() ({
        %run_scoped3A_63 = tpu.sem_alloc : memref<!tpu.dma_semaphore, #tpu.memory_space<semaphore_mem>>
        %dma_start3A_64 = arith.constant 0 : i32
        %dma_start3A_65 = tpu.memref_slice %arg6[%add3A_62, %dma_start3A_64] : memref<40x128xi32, #tpu.memory_space<vmem>> -> memref<1x128xi32, #tpu.memory_space<vmem>>
        %dma_start3A_66 = tpu.memref_squeeze %dma_start3A_65 : memref<1x128xi32, #tpu.memory_space<vmem>> -> memref<128xi32, #tpu.memory_space<vmem>>
        %dma_start3A_67 = arith.constant 0 : i32
        %dma_start3A_68 = arith.constant 0 : i32
        %dma_start3A_69 = tpu.memref_slice %arg9[%dma_start3A_67, %dma_start3A_68] : memref<10112x128xf32, #tpu.memory_space<vmem_shared>> -> memref<10112x128xf32, #tpu.memory_space<vmem_shared>>
        tpu.enqueue_indirect_dma source(%arg8 : memref<128x128xf32, #tpu.memory_space<vmem>>) target(%dma_start3A_69 : memref<10112x128xf32, #tpu.memory_space<vmem_shared>>) offsets(%dma_start3A_66 : memref<128xi32, #tpu.memory_space<vmem>>) semaphore(%run_scoped3A_63 : memref<!tpu.dma_semaphore, #tpu.memory_space<semaphore_mem>>) {add = true}
        %dma_wait3A_70 = arith.constant 0 : i32
        %dma_wait3A_71 = tpu.memref_slice %arg6[%add3A_62, %dma_wait3A_70] : memref<40x128xi32, #tpu.memory_space<vmem>> -> memref<1x128xi32, #tpu.memory_space<vmem>>
        %dma_wait3A_72 = tpu.memref_squeeze %dma_wait3A_71 : memref<1x128xi32, #tpu.memory_space<vmem>> -> memref<128xi32, #tpu.memory_space<vmem>>
        %dma_wait3A_73 = arith.constant 0 : i32
        %dma_wait3A_74 = arith.constant 0 : i32
        %dma_wait3A_75 = tpu.memref_slice %arg9[%dma_wait3A_73, %dma_wait3A_74] : memref<10112x128xf32, #tpu.memory_space<vmem_shared>> -> memref<10112x128xf32, #tpu.memory_space<vmem_shared>>
        tpu.wait_indirect_dma semaphore(%run_scoped3A_63 : memref<!tpu.dma_semaphore, #tpu.memory_space<semaphore_mem>>) src(%arg8 : memref<128x128xf32, #tpu.memory_space<vmem>>) dst(%dma_wait3A_75 : memref<10112x128xf32, #tpu.memory_space<vmem_shared>>)
        tpu.yield
      }) : () -> ()
    }
    %scan3A_14 = arith.constant 19 : i32
    %dma_wait3A = arith.constant 0 : i32
    %dma_wait3A_15 = arith.constant 0 : i32
    %dma_wait3A_16 = tpu.memref_slice %arg2[%dma_wait3A, %dma_wait3A_15] : memref<160000x128xf32, #tpu.memory_space<hbm>> -> memref<128x128xf32, #tpu.memory_space<hbm>>
    %dma_wait3A_17 = arith.constant 0 : i32
    %dma_wait3A_18 = arith.constant 0 : i32
    %dma_wait3A_19 = tpu.memref_slice %arg2[%dma_wait3A_17, %dma_wait3A_18] : memref<160000x128xf32, #tpu.memory_space<hbm>> -> memref<128x128xf32, #tpu.memory_space<hbm>>
    tpu.wait_dma2 semaphore(%arg10 : memref<!tpu.dma_semaphore, #tpu.memory_space<semaphore_mem>>) src(%dma_wait3A_19 : memref<128x128xf32, #tpu.memory_space<hbm>>) dst(%arg7 : memref<128x128xf32, #tpu.memory_space<vmem>>)
    %run_scoped3A = arith.constant 38 : i32
    "tpu.region"() ({
      %run_scoped3A_28 = tpu.sem_alloc : memref<!tpu.dma_semaphore, #tpu.memory_space<semaphore_mem>>
      %dma_start3A_29 = arith.constant 0 : i32
      %dma_start3A_30 = tpu.memref_slice %arg6[%run_scoped3A, %dma_start3A_29] : memref<40x128xi32, #tpu.memory_space<vmem>> -> memref<1x128xi32, #tpu.memory_space<vmem>>
      %dma_start3A_31 = tpu.memref_squeeze %dma_start3A_30 : memref<1x128xi32, #tpu.memory_space<vmem>> -> memref<128xi32, #tpu.memory_space<vmem>>
      %dma_start3A_32 = arith.constant 0 : i32
      %dma_start3A_33 = arith.constant 0 : i32
      %dma_start3A_34 = tpu.memref_slice %arg9[%dma_start3A_32, %dma_start3A_33] : memref<10112x128xf32, #tpu.memory_space<vmem_shared>> -> memref<10112x128xf32, #tpu.memory_space<vmem_shared>>
      tpu.enqueue_indirect_dma source(%arg7 : memref<128x128xf32, #tpu.memory_space<vmem>>) target(%dma_start3A_34 : memref<10112x128xf32, #tpu.memory_space<vmem_shared>>) offsets(%dma_start3A_31 : memref<128xi32, #tpu.memory_space<vmem>>) semaphore(%run_scoped3A_28 : memref<!tpu.dma_semaphore, #tpu.memory_space<semaphore_mem>>) {add = true}
      %dma_wait3A_35 = arith.constant 0 : i32
      %dma_wait3A_36 = tpu.memref_slice %arg6[%run_scoped3A, %dma_wait3A_35] : memref<40x128xi32, #tpu.memory_space<vmem>> -> memref<1x128xi32, #tpu.memory_space<vmem>>
      %dma_wait3A_37 = tpu.memref_squeeze %dma_wait3A_36 : memref<1x128xi32, #tpu.memory_space<vmem>> -> memref<128xi32, #tpu.memory_space<vmem>>
      %dma_wait3A_38 = arith.constant 0 : i32
      %dma_wait3A_39 = arith.constant 0 : i32
      %dma_wait3A_40 = tpu.memref_slice %arg9[%dma_wait3A_38, %dma_wait3A_39] : memref<10112x128xf32, #tpu.memory_space<vmem_shared>> -> memref<10112x128xf32, #tpu.memory_space<vmem_shared>>
      tpu.wait_indirect_dma semaphore(%run_scoped3A_28 : memref<!tpu.dma_semaphore, #tpu.memory_space<semaphore_mem>>) src(%arg7 : memref<128x128xf32, #tpu.memory_space<vmem>>) dst(%dma_wait3A_40 : memref<10112x128xf32, #tpu.memory_space<vmem_shared>>)
      tpu.yield
    }) : () -> ()
    %add3A_20 = arith.constant 4992 : i32
    %add3A_21 = arith.addi %mul3A_6, %add3A_20 : i32
    "tpu.region"() ({
      %run_scoped3A_28 = tpu.sem_alloc : memref<!tpu.dma_semaphore, #tpu.memory_space<semaphore_mem>>
      %dma_start3A_29 = arith.constant 0 : i32
      %dma_start3A_30 = arith.constant 0 : i32
      %dma_start3A_31 = tpu.memref_slice %arg8[%dma_start3A_29, %dma_start3A_30] : memref<128x128xf32, #tpu.memory_space<vmem>> -> memref<8x128xf32, #tpu.memory_space<vmem>>
      %dma_start3A_32 = arith.constant 0 : i32
      %dma_start3A_33 = tpu.memref_slice %arg2[%add3A_21, %dma_start3A_32] : memref<160000x128xf32, #tpu.memory_space<hbm>> -> memref<8x128xf32, #tpu.memory_space<hbm>>
      %dma_start3A_34 = arith.constant 0 : i32
      %dma_start3A_35 = arith.constant 0 : i32
      %dma_start3A_36 = tpu.memref_slice %arg8[%dma_start3A_34, %dma_start3A_35] : memref<128x128xf32, #tpu.memory_space<vmem>> -> memref<8x128xf32, #tpu.memory_space<vmem>>
      %dma_start3A_37 = arith.constant 0 : i32
      %dma_start3A_38 = tpu.memref_slice %arg2[%add3A_21, %dma_start3A_37] : memref<160000x128xf32, #tpu.memory_space<hbm>> -> memref<8x128xf32, #tpu.memory_space<hbm>>
      tpu.enqueue_dma source(%dma_start3A_38 : memref<8x128xf32, #tpu.memory_space<hbm>>) target(%dma_start3A_36 : memref<8x128xf32, #tpu.memory_space<vmem>>) target_semaphore(%run_scoped3A_28 : memref<!tpu.dma_semaphore, #tpu.memory_space<semaphore_mem>>)
      %dma_wait3A_39 = arith.constant 0 : i32
      %dma_wait3A_40 = arith.constant 0 : i32
      %dma_wait3A_41 = tpu.memref_slice %arg8[%dma_wait3A_39, %dma_wait3A_40] : memref<128x128xf32, #tpu.memory_space<vmem>> -> memref<8x128xf32, #tpu.memory_space<vmem>>
      %dma_wait3A_42 = arith.constant 0 : i32
      %dma_wait3A_43 = tpu.memref_slice %arg2[%add3A_21, %dma_wait3A_42] : memref<160000x128xf32, #tpu.memory_space<hbm>> -> memref<8x128xf32, #tpu.memory_space<hbm>>
      %dma_wait3A_44 = arith.constant 0 : i32
      %dma_wait3A_45 = arith.constant 0 : i32
      %dma_wait3A_46 = tpu.memref_slice %arg8[%dma_wait3A_44, %dma_wait3A_45] : memref<128x128xf32, #tpu.memory_space<vmem>> -> memref<8x128xf32, #tpu.memory_space<vmem>>
      %dma_wait3A_47 = arith.constant 0 : i32
      %dma_wait3A_48 = tpu.memref_slice %arg2[%add3A_21, %dma_wait3A_47] : memref<160000x128xf32, #tpu.memory_space<hbm>> -> memref<8x128xf32, #tpu.memory_space<hbm>>
      tpu.wait_dma2 semaphore(%run_scoped3A_28 : memref<!tpu.dma_semaphore, #tpu.memory_space<semaphore_mem>>) src(%dma_wait3A_48 : memref<8x128xf32, #tpu.memory_space<hbm>>) dst(%dma_wait3A_46 : memref<8x128xf32, #tpu.memory_space<vmem>>)
      tpu.yield
    }) : () -> ()
    %run_scoped3A_22 = arith.constant 39 : i32
    "tpu.region"() ({
      %run_scoped3A_28 = tpu.sem_alloc : memref<!tpu.dma_semaphore, #tpu.memory_space<semaphore_mem>>
      %dma_start3A_29 = arith.constant 0 : i32
      %dma_start3A_30 = tpu.memref_slice %arg6[%run_scoped3A_22, %dma_start3A_29] : memref<40x128xi32, #tpu.memory_space<vmem>> -> memref<1x128xi32, #tpu.memory_space<vmem>>
      %dma_start3A_31 = tpu.memref_squeeze %dma_start3A_30 : memref<1x128xi32, #tpu.memory_space<vmem>> -> memref<128xi32, #tpu.memory_space<vmem>>
      %dma_start3A_32 = arith.constant 0 : i32
      %dma_start3A_33 = arith.constant 0 : i32
      %dma_start3A_34 = tpu.memref_slice %arg9[%dma_start3A_32, %dma_start3A_33] : memref<10112x128xf32, #tpu.memory_space<vmem_shared>> -> memref<10112x128xf32, #tpu.memory_space<vmem_shared>>
      tpu.enqueue_indirect_dma source(%arg8 : memref<128x128xf32, #tpu.memory_space<vmem>>) target(%dma_start3A_34 : memref<10112x128xf32, #tpu.memory_space<vmem_shared>>) offsets(%dma_start3A_31 : memref<128xi32, #tpu.memory_space<vmem>>) semaphore(%run_scoped3A_28 : memref<!tpu.dma_semaphore, #tpu.memory_space<semaphore_mem>>) {add = true}
      %dma_wait3A_35 = arith.constant 0 : i32
      %dma_wait3A_36 = tpu.memref_slice %arg6[%run_scoped3A_22, %dma_wait3A_35] : memref<40x128xi32, #tpu.memory_space<vmem>> -> memref<1x128xi32, #tpu.memory_space<vmem>>
      %dma_wait3A_37 = tpu.memref_squeeze %dma_wait3A_36 : memref<1x128xi32, #tpu.memory_space<vmem>> -> memref<128xi32, #tpu.memory_space<vmem>>
      %dma_wait3A_38 = arith.constant 0 : i32
      %dma_wait3A_39 = arith.constant 0 : i32
      %dma_wait3A_40 = tpu.memref_slice %arg9[%dma_wait3A_38, %dma_wait3A_39] : memref<10112x128xf32, #tpu.memory_space<vmem_shared>> -> memref<10112x128xf32, #tpu.memory_space<vmem_shared>>
      tpu.wait_indirect_dma semaphore(%run_scoped3A_28 : memref<!tpu.dma_semaphore, #tpu.memory_space<semaphore_mem>>) src(%arg8 : memref<128x128xf32, #tpu.memory_space<vmem>>) dst(%dma_wait3A_40 : memref<10112x128xf32, #tpu.memory_space<vmem_shared>>)
      tpu.yield
    }) : () -> ()
    %barrier3A_23 = arith.constant 0 : index
    tpu.barrier barrier_id(%barrier3A_23)
    %mul3A_24 = arith.constant 632 : i32
    %mul3A_25 = arith.muli %arg1, %mul3A_24 : i32
    %mul3A_26 = arith.constant 632 : i32
    %mul3A_27 = arith.muli %arg1, %mul3A_26 : i32
    "tpu.region"() ({
      %run_scoped3A_28 = tpu.sem_alloc : memref<!tpu.dma_semaphore, #tpu.memory_space<semaphore_mem>>
      %dma_start3A_29 = arith.constant 0 : i32
      %dma_start3A_30 = arith.constant 0 : i32
      %dma_start3A_31 = tpu.memref_slice %arg5[%arg0, %dma_start3A_29, %dma_start3A_30] : memref<2x10112x128xf32, #tpu.memory_space<hbm>> -> memref<1x10112x128xf32, #tpu.memory_space<hbm>>
      %dma_start3A_32 = tpu.memref_squeeze %dma_start3A_31 : memref<1x10112x128xf32, #tpu.memory_space<hbm>> -> memref<10112x128xf32, #tpu.memory_space<hbm>>
      %dma_start3A_33 = arith.constant 0 : i32
      %dma_start3A_34 = tpu.memref_slice %dma_start3A_32[%mul3A_27, %dma_start3A_33] : memref<10112x128xf32, #tpu.memory_space<hbm>> -> memref<632x128xf32, #tpu.memory_space<hbm>>
      %dma_start3A_35 = arith.constant 0 : i32
      %dma_start3A_36 = tpu.memref_slice %arg9[%mul3A_25, %dma_start3A_35] : memref<10112x128xf32, #tpu.memory_space<vmem_shared>> -> memref<632x128xf32, #tpu.memory_space<vmem_shared>>
      tpu.enqueue_dma source(%dma_start3A_36 : memref<632x128xf32, #tpu.memory_space<vmem_shared>>) target(%dma_start3A_34 : memref<632x128xf32, #tpu.memory_space<hbm>>) target_semaphore(%run_scoped3A_28 : memref<!tpu.dma_semaphore, #tpu.memory_space<semaphore_mem>>)
      %dma_wait3A_37 = arith.constant 0 : i32
      %dma_wait3A_38 = arith.constant 0 : i32
      %dma_wait3A_39 = tpu.memref_slice %arg5[%arg0, %dma_wait3A_37, %dma_wait3A_38] : memref<2x10112x128xf32, #tpu.memory_space<hbm>> -> memref<1x10112x128xf32, #tpu.memory_space<hbm>>
      %dma_wait3A_40 = tpu.memref_squeeze %dma_wait3A_39 : memref<1x10112x128xf32, #tpu.memory_space<hbm>> -> memref<10112x128xf32, #tpu.memory_space<hbm>>
      %dma_wait3A_41 = arith.constant 0 : i32
      %dma_wait3A_42 = tpu.memref_slice %dma_wait3A_40[%mul3A_27, %dma_wait3A_41] : memref<10112x128xf32, #tpu.memory_space<hbm>> -> memref<632x128xf32, #tpu.memory_space<hbm>>
      %dma_wait3A_43 = arith.constant 0 : i32
      %dma_wait3A_44 = tpu.memref_slice %arg9[%mul3A_25, %dma_wait3A_43] : memref<10112x128xf32, #tpu.memory_space<vmem_shared>> -> memref<632x128xf32, #tpu.memory_space<vmem_shared>>
      tpu.wait_dma2 semaphore(%run_scoped3A_28 : memref<!tpu.dma_semaphore, #tpu.memory_space<semaphore_mem>>) src(%dma_wait3A_44 : memref<632x128xf32, #tpu.memory_space<vmem_shared>>) dst(%dma_wait3A_42 : memref<632x128xf32, #tpu.memory_space<hbm>>)
      tpu.yield
    }) : () -> ()
    return
  }
}

module attributes {stable_mosaic.version = 14 : i64} {
  func.func @_emb_body(%arg0: i32, %arg1: memref<1000x128xf32, #tpu.memory_space<vmem>>, %arg2: memref<1000x4xf32, #tpu.memory_space<vmem>>, %arg3: memref<512x128xf32, #tpu.memory_space<vmem>>, %arg4: memref<1x128xf32, #tpu.memory_space<vmem>>, %arg5: memref<1000x128xf32, #tpu.memory_space<vmem>>) attributes {dimension_semantics = [#tpu.dimension_semantics<arbitrary>], iteration_bounds = array<i64: 10>, scalar_prefetch = 0 : i64, scratch_operands = 0 : i64, tpu.core_type = #tpu.core_type<tc>, window_params = [{transform_indices = @transform_0, window_bounds = array<i64: 1000, 128>}, {transform_indices = @transform_1, window_bounds = array<i64: 1000, 4>}, {pipeline_mode = #tpu.pipeline_mode<synchronous>, transform_indices = @transform_2, window_bounds = array<i64: 512, 128>}, {pipeline_mode = #tpu.pipeline_mode<synchronous>, transform_indices = @transform_3, window_bounds = array<i64: 1, 128>}, {transform_indices = @transform_4, window_bounds = array<i64: 1000, 128>}]} {
    %get3A = arith.constant 0 : index
    %get3A_0 = arith.constant 0 : index
    %get3A_1 = vector.load %arg2[%get3A, %get3A_0] : memref<1000x4xf32, #tpu.memory_space<vmem>>, vector<1000x4xf32>
    %get3A_2 = arith.constant 0 : index
    %get3A_3 = arith.constant 0 : index
    %get3A_4 = vector.load %arg1[%get3A_2, %get3A_3] : memref<1000x128xf32, #tpu.memory_space<vmem>>, vector<1000x128xf32>
    %slice3A = vector.extract_strided_slice %get3A_1 {offsets = [0, 0], sizes = [1000, 1], strides = [1, 1]} : vector<1000x4xf32> to vector<1000x1xf32>
    %mul3A = vector.broadcast %slice3A : vector<1000x1xf32> to vector<1000x128xf32>
    %mul3A_5 = arith.mulf %mul3A, %get3A_4 : vector<1000x128xf32>
    %slice3A_6 = vector.extract_strided_slice %get3A_1 {offsets = [0, 1], sizes = [1000, 1], strides = [1, 1]} : vector<1000x4xf32> to vector<1000x1xf32>
    %mul3A_7 = vector.broadcast %slice3A_6 : vector<1000x1xf32> to vector<1000x128xf32>
    %mul3A_8 = arith.mulf %mul3A_7, %get3A_4 : vector<1000x128xf32>
    %slice3A_9 = vector.extract_strided_slice %get3A_1 {offsets = [0, 2], sizes = [1000, 1], strides = [1, 1]} : vector<1000x4xf32> to vector<1000x1xf32>
    %mul3A_10 = vector.broadcast %slice3A_9 : vector<1000x1xf32> to vector<1000x128xf32>
    %mul3A_11 = arith.mulf %mul3A_10, %get3A_4 : vector<1000x128xf32>
    %slice3A_12 = vector.extract_strided_slice %get3A_1 {offsets = [0, 3], sizes = [1000, 1], strides = [1, 1]} : vector<1000x4xf32> to vector<1000x1xf32>
    %mul3A_13 = vector.broadcast %slice3A_12 : vector<1000x1xf32> to vector<1000x128xf32>
    %mul3A_14 = arith.mulf %mul3A_13, %get3A_4 : vector<1000x128xf32>
    %concatenate3A = tpu.concatenate %mul3A_5, %mul3A_8, %mul3A_11, %mul3A_14 in 1 : vector<1000x128xf32>, vector<1000x128xf32>, vector<1000x128xf32>, vector<1000x128xf32> -> vector<1000x512xf32>
    %get3A_15 = arith.constant 0 : index
    %get3A_16 = arith.constant 0 : index
    %get3A_17 = vector.load %arg3[%get3A_15, %get3A_16] : memref<512x128xf32, #tpu.memory_space<vmem>>, vector<512x128xf32>
    %dot_general3A = arith.constant dense<0.000000e+00> : vector<1000x128xf32>
    %dot_general3A_18 = tpu.matmul %concatenate3A, %get3A_17, %dot_general3A {dimension_numbers = #tpu.dot_dimension_numbers<[1], [0], [0], [1], [0, 0, 1, 1], [], []>, transpose_lhs_hint = false} : vector<1000x512xf32>, vector<512x128xf32>, vector<1000x128xf32> -> vector<1000x128xf32>
    %get3A_19 = arith.constant 0 : index
    %get3A_20 = arith.constant 0 : index
    %get3A_21 = vector.load %arg4[%get3A_19, %get3A_20] : memref<1x128xf32, #tpu.memory_space<vmem>>, vector<1x128xf32>
    %add3A = vector.broadcast %get3A_21 : vector<1x128xf32> to vector<1000x128xf32>
    %add3A_22 = arith.addf %dot_general3A_18, %add3A : vector<1000x128xf32>
    %swap3A = arith.constant 0 : index
    %swap3A_23 = arith.constant 0 : index
    %swap3A_24 = vector.load %arg5[%swap3A, %swap3A_23] : memref<1000x128xf32, #tpu.memory_space<vmem>>, vector<1000x128xf32>
    tpu.vector_store %arg5[%swap3A, %swap3A_23], %add3A_22 {strides = array<i32>} : memref<1000x128xf32, #tpu.memory_space<vmem>>, vector<1000x128xf32>,
    return
  }
  func.func @transform_0(%arg0: i32) -> (i32, i32) {
    %c0_i32 = arith.constant 0 : i32
    %c0_i32_0 = arith.constant 0 : i32
    return %arg0, %c0_i32 : i32, i32
  }
  func.func @transform_1(%arg0: i32) -> (i32, i32) {
    %c0_i32 = arith.constant 0 : i32
    %c0_i32_0 = arith.constant 0 : i32
    return %arg0, %c0_i32 : i32, i32
  }
  func.func @transform_2(%arg0: i32) -> (i32, i32) {
    %c0_i32 = arith.constant 0 : i32
    %c0_i32_0 = arith.constant 0 : i32
    %c0_i32_1 = arith.constant 0 : i32
    return %c0_i32, %c0_i32_0 : i32, i32
  }
  func.func @transform_3(%arg0: i32) -> (i32, i32) {
    %c0_i32 = arith.constant 0 : i32
    %c0_i32_0 = arith.constant 0 : i32
    %c0_i32_1 = arith.constant 0 : i32
    return %c0_i32, %c0_i32_0 : i32, i32
  }
  func.func @transform_4(%arg0: i32) -> (i32, i32) {
    %c0_i32 = arith.constant 0 : i32
    %c0_i32_0 = arith.constant 0 : i32
    return %arg0, %c0_i32 : i32, i32
  }
}

module attributes {stable_mosaic.version = 14 : i64} {
  func.func @_edge_body(%arg0: i32, %arg1: memref<2x4000x128xf32, #tpu.memory_space<vmem>>, %arg2: memref<4000x4xf32, #tpu.memory_space<vmem>>, %arg3: memref<1024x128xbf16, #tpu.memory_space<vmem>>, %arg4: memref<1x128xf32, #tpu.memory_space<vmem>>, %arg5: memref<512x128xbf16, #tpu.memory_space<vmem>>, %arg6: memref<1x128xf32, #tpu.memory_space<vmem>>, %arg7: memref<4000x128xf32, #tpu.memory_space<vmem>>) attributes {dimension_semantics = [#tpu.dimension_semantics<arbitrary>], iteration_bounds = array<i64: 40>, scalar_prefetch = 0 : i64, scratch_operands = 0 : i64, tpu.core_type = #tpu.core_type<tc>, window_params = [{transform_indices = @transform_0, window_bounds = array<i64: 2, 4000, 128>}, {transform_indices = @transform_1, window_bounds = array<i64: 4000, 4>}, {pipeline_mode = #tpu.pipeline_mode<synchronous>, transform_indices = @transform_2, window_bounds = array<i64: 1024, 128>}, {pipeline_mode = #tpu.pipeline_mode<synchronous>, transform_indices = @transform_3, window_bounds = array<i64: 1, 128>}, {pipeline_mode = #tpu.pipeline_mode<synchronous>, transform_indices = @transform_4, window_bounds = array<i64: 512, 128>}, {pipeline_mode = #tpu.pipeline_mode<synchronous>, transform_indices = @transform_5, window_bounds = array<i64: 1, 128>}, {transform_indices = @transform_6, window_bounds = array<i64: 4000, 128>}]} {
    %get3A = arith.constant 0 : index
    %get3A_0 = arith.constant 0 : index
    %get3A_1 = vector.load %arg2[%get3A, %get3A_0] : memref<4000x4xf32, #tpu.memory_space<vmem>>, vector<4000x4xf32>
    %get3A_2 = arith.constant 0 : index
    %get3A_3 = arith.constant 0 : index
    %get3A_4 = arith.constant 0 : index
    %get3A_5 = vector.load %arg1[%get3A_2, %get3A_3, %get3A_4] : memref<2x4000x128xf32, #tpu.memory_space<vmem>>, vector<1x4000x128xf32>
    %get3A_6 = vector.shape_cast %get3A_5 : vector<1x4000x128xf32> to vector<4000x128xf32>
    %get3A_7 = arith.constant 1 : index
    %get3A_8 = arith.constant 0 : index
    %get3A_9 = arith.constant 0 : index
    %get3A_10 = vector.load %arg1[%get3A_7, %get3A_8, %get3A_9] : memref<2x4000x128xf32, #tpu.memory_space<vmem>>, vector<1x4000x128xf32>
    %get3A_11 = vector.shape_cast %get3A_10 : vector<1x4000x128xf32> to vector<4000x128xf32>
    %concatenate3A = tpu.concatenate %get3A_6, %get3A_11 in 1 : vector<4000x128xf32>, vector<4000x128xf32> -> vector<4000x256xf32>
    %slice3A = vector.extract_strided_slice %get3A_1 {offsets = [0, 0], sizes = [4000, 1], strides = [1, 1]} : vector<4000x4xf32> to vector<4000x1xf32>
    %mul3A = vector.broadcast %slice3A : vector<4000x1xf32> to vector<4000x256xf32>
    %mul3A_12 = arith.mulf %mul3A, %concatenate3A : vector<4000x256xf32>
    %slice3A_13 = vector.extract_strided_slice %get3A_1 {offsets = [0, 1], sizes = [4000, 1], strides = [1, 1]} : vector<4000x4xf32> to vector<4000x1xf32>
    %mul3A_14 = vector.broadcast %slice3A_13 : vector<4000x1xf32> to vector<4000x256xf32>
    %mul3A_15 = arith.mulf %mul3A_14, %concatenate3A : vector<4000x256xf32>
    %slice3A_16 = vector.extract_strided_slice %get3A_1 {offsets = [0, 2], sizes = [4000, 1], strides = [1, 1]} : vector<4000x4xf32> to vector<4000x1xf32>
    %mul3A_17 = vector.broadcast %slice3A_16 : vector<4000x1xf32> to vector<4000x256xf32>
    %mul3A_18 = arith.mulf %mul3A_17, %concatenate3A : vector<4000x256xf32>
    %slice3A_19 = vector.extract_strided_slice %get3A_1 {offsets = [0, 3], sizes = [4000, 1], strides = [1, 1]} : vector<4000x4xf32> to vector<4000x1xf32>
    %mul3A_20 = vector.broadcast %slice3A_19 : vector<4000x1xf32> to vector<4000x256xf32>
    %mul3A_21 = arith.mulf %mul3A_20, %concatenate3A : vector<4000x256xf32>
    %concatenate3A_22 = tpu.concatenate %mul3A_12, %mul3A_15, %mul3A_18, %mul3A_21 in 1 : vector<4000x256xf32>, vector<4000x256xf32>, vector<4000x256xf32>, vector<4000x256xf32> -> vector<4000x1024xf32>
    %convert_element_type3A = arith.truncf %concatenate3A_22 : vector<4000x1024xf32> to vector<4000x1024xbf16>
    %get3A_23 = arith.constant 0 : index
    %get3A_24 = arith.constant 0 : index
    %get3A_25 = vector.load %arg3[%get3A_23, %get3A_24] : memref<1024x128xbf16, #tpu.memory_space<vmem>>, vector<1024x128xbf16>
    %dot_general3A = arith.constant dense<0.000000e+00> : vector<4000x128xf32>
    %dot_general3A_26 = tpu.matmul %convert_element_type3A, %get3A_25, %dot_general3A {dimension_numbers = #tpu.dot_dimension_numbers<[1], [0], [0], [1], [0, 0, 1, 1], [], []>, transpose_lhs_hint = false} : vector<4000x1024xbf16>, vector<1024x128xbf16>, vector<4000x128xf32> -> vector<4000x128xf32>
    %get3A_27 = arith.constant 0 : index
    %get3A_28 = arith.constant 0 : index
    %get3A_29 = vector.load %arg4[%get3A_27, %get3A_28] : memref<1x128xf32, #tpu.memory_space<vmem>>, vector<1x128xf32>
    %add3A = vector.broadcast %get3A_29 : vector<1x128xf32> to vector<4000x128xf32>
    %add3A_30 = arith.addf %dot_general3A_26, %add3A : vector<4000x128xf32>
    %logistic3A = arith.negf %add3A_30 : vector<4000x128xf32>
    %logistic3A_31 = math.exp %logistic3A : vector<4000x128xf32>
    %logistic3A_32 = arith.constant 1.000000e+00 : f32
    %logistic3A_33 = vector.broadcast %logistic3A_32 : f32 to vector<4000x128xf32>
    %logistic3A_34 = arith.addf %logistic3A_33, %logistic3A_31 : vector<4000x128xf32>
    %logistic3A_35 = arith.divf %logistic3A_33, %logistic3A_34 : vector<4000x128xf32>
    %mul3A_36 = arith.mulf %add3A_30, %logistic3A_35 : vector<4000x128xf32>
    %slice3A_37 = vector.extract_strided_slice %get3A_1 {offsets = [0, 0], sizes = [4000, 1], strides = [1, 1]} : vector<4000x4xf32> to vector<4000x1xf32>
    %mul3A_38 = vector.broadcast %slice3A_37 : vector<4000x1xf32> to vector<4000x128xf32>
    %mul3A_39 = arith.mulf %mul3A_38, %mul3A_36 : vector<4000x128xf32>
    %slice3A_40 = vector.extract_strided_slice %get3A_1 {offsets = [0, 1], sizes = [4000, 1], strides = [1, 1]} : vector<4000x4xf32> to vector<4000x1xf32>
    %mul3A_41 = vector.broadcast %slice3A_40 : vector<4000x1xf32> to vector<4000x128xf32>
    %mul3A_42 = arith.mulf %mul3A_41, %mul3A_36 : vector<4000x128xf32>
    %slice3A_43 = vector.extract_strided_slice %get3A_1 {offsets = [0, 2], sizes = [4000, 1], strides = [1, 1]} : vector<4000x4xf32> to vector<4000x1xf32>
    %mul3A_44 = vector.broadcast %slice3A_43 : vector<4000x1xf32> to vector<4000x128xf32>
    %mul3A_45 = arith.mulf %mul3A_44, %mul3A_36 : vector<4000x128xf32>
    %slice3A_46 = vector.extract_strided_slice %get3A_1 {offsets = [0, 3], sizes = [4000, 1], strides = [1, 1]} : vector<4000x4xf32> to vector<4000x1xf32>
    %mul3A_47 = vector.broadcast %slice3A_46 : vector<4000x1xf32> to vector<4000x128xf32>
    %mul3A_48 = arith.mulf %mul3A_47, %mul3A_36 : vector<4000x128xf32>
    %concatenate3A_49 = tpu.concatenate %mul3A_39, %mul3A_42, %mul3A_45, %mul3A_48 in 1 : vector<4000x128xf32>, vector<4000x128xf32>, vector<4000x128xf32>, vector<4000x128xf32> -> vector<4000x512xf32>
    %convert_element_type3A_50 = arith.truncf %concatenate3A_49 : vector<4000x512xf32> to vector<4000x512xbf16>
    %get3A_51 = arith.constant 0 : index
    %get3A_52 = arith.constant 0 : index
    %get3A_53 = vector.load %arg5[%get3A_51, %get3A_52] : memref<512x128xbf16, #tpu.memory_space<vmem>>, vector<512x128xbf16>
    %dot_general3A_54 = arith.constant dense<0.000000e+00> : vector<4000x128xf32>
    %dot_general3A_55 = tpu.matmul %convert_element_type3A_50, %get3A_53, %dot_general3A_54 {dimension_numbers = #tpu.dot_dimension_numbers<[1], [0], [0], [1], [0, 0, 1, 1], [], []>, transpose_lhs_hint = false} : vector<4000x512xbf16>, vector<512x128xbf16>, vector<4000x128xf32> -> vector<4000x128xf32>
    %get3A_56 = arith.constant 0 : index
    %get3A_57 = arith.constant 0 : index
    %get3A_58 = vector.load %arg6[%get3A_56, %get3A_57] : memref<1x128xf32, #tpu.memory_space<vmem>>, vector<1x128xf32>
    %add3A_59 = vector.broadcast %get3A_58 : vector<1x128xf32> to vector<4000x128xf32>
    %add3A_60 = arith.addf %dot_general3A_55, %add3A_59 : vector<4000x128xf32>
    %logistic3A_61 = arith.negf %add3A_60 : vector<4000x128xf32>
    %logistic3A_62 = math.exp %logistic3A_61 : vector<4000x128xf32>
    %logistic3A_63 = arith.constant 1.000000e+00 : f32
    %logistic3A_64 = vector.broadcast %logistic3A_63 : f32 to vector<4000x128xf32>
    %logistic3A_65 = arith.addf %logistic3A_64, %logistic3A_62 : vector<4000x128xf32>
    %logistic3A_66 = arith.divf %logistic3A_64, %logistic3A_65 : vector<4000x128xf32>
    %mul3A_67 = arith.mulf %add3A_60, %logistic3A_66 : vector<4000x128xf32>
    %swap3A = arith.constant 0 : index
    %swap3A_68 = arith.constant 0 : index
    %swap3A_69 = vector.load %arg7[%swap3A, %swap3A_68] : memref<4000x128xf32, #tpu.memory_space<vmem>>, vector<4000x128xf32>
    tpu.vector_store %arg7[%swap3A, %swap3A_68], %mul3A_67 {strides = array<i32>} : memref<4000x128xf32, #tpu.memory_space<vmem>>, vector<4000x128xf32>,
    return
  }
  func.func @transform_0(%arg0: i32) -> (i32, i32, i32) {
    %c0_i32 = arith.constant 0 : i32
    %c0_i32_0 = arith.constant 0 : i32
    %c0_i32_1 = arith.constant 0 : i32
    return %c0_i32, %arg0, %c0_i32_0 : i32, i32, i32
  }
  func.func @transform_1(%arg0: i32) -> (i32, i32) {
    %c0_i32 = arith.constant 0 : i32
    %c0_i32_0 = arith.constant 0 : i32
    return %arg0, %c0_i32 : i32, i32
  }
  func.func @transform_2(%arg0: i32) -> (i32, i32) {
    %c0_i32 = arith.constant 0 : i32
    %c0_i32_0 = arith.constant 0 : i32
    %c0_i32_1 = arith.constant 0 : i32
    return %c0_i32, %c0_i32_0 : i32, i32
  }
  func.func @transform_3(%arg0: i32) -> (i32, i32) {
    %c0_i32 = arith.constant 0 : i32
    %c0_i32_0 = arith.constant 0 : i32
    %c0_i32_1 = arith.constant 0 : i32
    return %c0_i32, %c0_i32_0 : i32, i32
  }
  func.func @transform_4(%arg0: i32) -> (i32, i32) {
    %c0_i32 = arith.constant 0 : i32
    %c0_i32_0 = arith.constant 0 : i32
    %c0_i32_1 = arith.constant 0 : i32
    return %c0_i32, %c0_i32_0 : i32, i32
  }
  func.func @transform_5(%arg0: i32) -> (i32, i32) {
    %c0_i32 = arith.constant 0 : i32
    %c0_i32_0 = arith.constant 0 : i32
    %c0_i32_1 = arith.constant 0 : i32
    return %c0_i32, %c0_i32_0 : i32, i32
  }
  func.func @transform_6(%arg0: i32) -> (i32, i32) {
    %c0_i32 = arith.constant 0 : i32
    %c0_i32_0 = arith.constant 0 : i32
    return %arg0, %c0_i32 : i32, i32
  }
}

module attributes {stable_mosaic.version = 14 : i64} {
  func.func @_update_body(%arg0: i32, %arg1: memref<1000x128xf32, #tpu.memory_space<vmem>>, %arg2: memref<2x1000x128xf32, #tpu.memory_space<vmem>>, %arg3: memref<1000x4xf32, #tpu.memory_space<vmem>>, %arg4: memref<1024x128xf32, #tpu.memory_space<vmem>>, %arg5: memref<1x128xf32, #tpu.memory_space<vmem>>, %arg6: memref<512x128xf32, #tpu.memory_space<vmem>>, %arg7: memref<1x128xf32, #tpu.memory_space<vmem>>, %arg8: memref<1000x128xf32, #tpu.memory_space<vmem>>) attributes {dimension_semantics = [#tpu.dimension_semantics<arbitrary>], iteration_bounds = array<i64: 10>, scalar_prefetch = 0 : i64, scratch_operands = 0 : i64, tpu.core_type = #tpu.core_type<tc>, window_params = [{transform_indices = @transform_0, window_bounds = array<i64: 1000, 128>}, {transform_indices = @transform_1, window_bounds = array<i64: 2, 1000, 128>}, {transform_indices = @transform_2, window_bounds = array<i64: 1000, 4>}, {pipeline_mode = #tpu.pipeline_mode<synchronous>, transform_indices = @transform_3, window_bounds = array<i64: 1024, 128>}, {pipeline_mode = #tpu.pipeline_mode<synchronous>, transform_indices = @transform_4, window_bounds = array<i64: 1, 128>}, {pipeline_mode = #tpu.pipeline_mode<synchronous>, transform_indices = @transform_5, window_bounds = array<i64: 512, 128>}, {pipeline_mode = #tpu.pipeline_mode<synchronous>, transform_indices = @transform_6, window_bounds = array<i64: 1, 128>}, {transform_indices = @transform_7, window_bounds = array<i64: 1000, 128>}]} {
    %get3A = arith.constant 0 : index
    %get3A_0 = arith.constant 0 : index
    %get3A_1 = vector.load %arg3[%get3A, %get3A_0] : memref<1000x4xf32, #tpu.memory_space<vmem>>, vector<1000x4xf32>
    %get3A_2 = arith.constant 0 : index
    %get3A_3 = arith.constant 0 : index
    %get3A_4 = vector.load %arg1[%get3A_2, %get3A_3] : memref<1000x128xf32, #tpu.memory_space<vmem>>, vector<1000x128xf32>
    %get3A_5 = arith.constant 0 : index
    %get3A_6 = arith.constant 0 : index
    %get3A_7 = arith.constant 0 : index
    %get3A_8 = vector.load %arg2[%get3A_5, %get3A_6, %get3A_7] : memref<2x1000x128xf32, #tpu.memory_space<vmem>>, vector<1x1000x128xf32>
    %get3A_9 = vector.shape_cast %get3A_8 : vector<1x1000x128xf32> to vector<1000x128xf32>
    %get3A_10 = arith.constant 1 : index
    %get3A_11 = arith.constant 0 : index
    %get3A_12 = arith.constant 0 : index
    %get3A_13 = vector.load %arg2[%get3A_10, %get3A_11, %get3A_12] : memref<2x1000x128xf32, #tpu.memory_space<vmem>>, vector<1x1000x128xf32>
    %get3A_14 = vector.shape_cast %get3A_13 : vector<1x1000x128xf32> to vector<1000x128xf32>
    %add3A = arith.addf %get3A_9, %get3A_14 : vector<1000x128xf32>
    %concatenate3A = tpu.concatenate %get3A_4, %add3A in 1 : vector<1000x128xf32>, vector<1000x128xf32> -> vector<1000x256xf32>
    %slice3A = vector.extract_strided_slice %get3A_1 {offsets = [0, 0], sizes = [1000, 1], strides = [1, 1]} : vector<1000x4xf32> to vector<1000x1xf32>
    %mul3A = vector.broadcast %slice3A : vector<1000x1xf32> to vector<1000x256xf32>
    %mul3A_15 = arith.mulf %mul3A, %concatenate3A : vector<1000x256xf32>
    %slice3A_16 = vector.extract_strided_slice %get3A_1 {offsets = [0, 1], sizes = [1000, 1], strides = [1, 1]} : vector<1000x4xf32> to vector<1000x1xf32>
    %mul3A_17 = vector.broadcast %slice3A_16 : vector<1000x1xf32> to vector<1000x256xf32>
    %mul3A_18 = arith.mulf %mul3A_17, %concatenate3A : vector<1000x256xf32>
    %slice3A_19 = vector.extract_strided_slice %get3A_1 {offsets = [0, 2], sizes = [1000, 1], strides = [1, 1]} : vector<1000x4xf32> to vector<1000x1xf32>
    %mul3A_20 = vector.broadcast %slice3A_19 : vector<1000x1xf32> to vector<1000x256xf32>
    %mul3A_21 = arith.mulf %mul3A_20, %concatenate3A : vector<1000x256xf32>
    %slice3A_22 = vector.extract_strided_slice %get3A_1 {offsets = [0, 3], sizes = [1000, 1], strides = [1, 1]} : vector<1000x4xf32> to vector<1000x1xf32>
    %mul3A_23 = vector.broadcast %slice3A_22 : vector<1000x1xf32> to vector<1000x256xf32>
    %mul3A_24 = arith.mulf %mul3A_23, %concatenate3A : vector<1000x256xf32>
    %concatenate3A_25 = tpu.concatenate %mul3A_15, %mul3A_18, %mul3A_21, %mul3A_24 in 1 : vector<1000x256xf32>, vector<1000x256xf32>, vector<1000x256xf32>, vector<1000x256xf32> -> vector<1000x1024xf32>
    %get3A_26 = arith.constant 0 : index
    %get3A_27 = arith.constant 0 : index
    %get3A_28 = vector.load %arg4[%get3A_26, %get3A_27] : memref<1024x128xf32, #tpu.memory_space<vmem>>, vector<1024x128xf32>
    %dot_general3A = arith.constant dense<0.000000e+00> : vector<1000x128xf32>
    %dot_general3A_29 = tpu.matmul %concatenate3A_25, %get3A_28, %dot_general3A {dimension_numbers = #tpu.dot_dimension_numbers<[1], [0], [0], [1], [0, 0, 1, 1], [], []>, transpose_lhs_hint = false} : vector<1000x1024xf32>, vector<1024x128xf32>, vector<1000x128xf32> -> vector<1000x128xf32>
    %get3A_30 = arith.constant 0 : index
    %get3A_31 = arith.constant 0 : index
    %get3A_32 = vector.load %arg5[%get3A_30, %get3A_31] : memref<1x128xf32, #tpu.memory_space<vmem>>, vector<1x128xf32>
    %add3A_33 = vector.broadcast %get3A_32 : vector<1x128xf32> to vector<1000x128xf32>
    %add3A_34 = arith.addf %dot_general3A_29, %add3A_33 : vector<1000x128xf32>
    %logistic3A = arith.negf %add3A_34 : vector<1000x128xf32>
    %logistic3A_35 = math.exp %logistic3A : vector<1000x128xf32>
    %logistic3A_36 = arith.constant 1.000000e+00 : f32
    %logistic3A_37 = vector.broadcast %logistic3A_36 : f32 to vector<1000x128xf32>
    %logistic3A_38 = arith.addf %logistic3A_37, %logistic3A_35 : vector<1000x128xf32>
    %logistic3A_39 = arith.divf %logistic3A_37, %logistic3A_38 : vector<1000x128xf32>
    %mul3A_40 = arith.mulf %add3A_34, %logistic3A_39 : vector<1000x128xf32>
    %slice3A_41 = vector.extract_strided_slice %get3A_1 {offsets = [0, 0], sizes = [1000, 1], strides = [1, 1]} : vector<1000x4xf32> to vector<1000x1xf32>
    %mul3A_42 = vector.broadcast %slice3A_41 : vector<1000x1xf32> to vector<1000x128xf32>
    %mul3A_43 = arith.mulf %mul3A_42, %mul3A_40 : vector<1000x128xf32>
    %slice3A_44 = vector.extract_strided_slice %get3A_1 {offsets = [0, 1], sizes = [1000, 1], strides = [1, 1]} : vector<1000x4xf32> to vector<1000x1xf32>
    %mul3A_45 = vector.broadcast %slice3A_44 : vector<1000x1xf32> to vector<1000x128xf32>
    %mul3A_46 = arith.mulf %mul3A_45, %mul3A_40 : vector<1000x128xf32>
    %slice3A_47 = vector.extract_strided_slice %get3A_1 {offsets = [0, 2], sizes = [1000, 1], strides = [1, 1]} : vector<1000x4xf32> to vector<1000x1xf32>
    %mul3A_48 = vector.broadcast %slice3A_47 : vector<1000x1xf32> to vector<1000x128xf32>
    %mul3A_49 = arith.mulf %mul3A_48, %mul3A_40 : vector<1000x128xf32>
    %slice3A_50 = vector.extract_strided_slice %get3A_1 {offsets = [0, 3], sizes = [1000, 1], strides = [1, 1]} : vector<1000x4xf32> to vector<1000x1xf32>
    %mul3A_51 = vector.broadcast %slice3A_50 : vector<1000x1xf32> to vector<1000x128xf32>
    %mul3A_52 = arith.mulf %mul3A_51, %mul3A_40 : vector<1000x128xf32>
    %concatenate3A_53 = tpu.concatenate %mul3A_43, %mul3A_46, %mul3A_49, %mul3A_52 in 1 : vector<1000x128xf32>, vector<1000x128xf32>, vector<1000x128xf32>, vector<1000x128xf32> -> vector<1000x512xf32>
    %get3A_54 = arith.constant 0 : index
    %get3A_55 = arith.constant 0 : index
    %get3A_56 = vector.load %arg6[%get3A_54, %get3A_55] : memref<512x128xf32, #tpu.memory_space<vmem>>, vector<512x128xf32>
    %dot_general3A_57 = arith.constant dense<0.000000e+00> : vector<1000x128xf32>
    %dot_general3A_58 = tpu.matmul %concatenate3A_53, %get3A_56, %dot_general3A_57 {dimension_numbers = #tpu.dot_dimension_numbers<[1], [0], [0], [1], [0, 0, 1, 1], [], []>, transpose_lhs_hint = false} : vector<1000x512xf32>, vector<512x128xf32>, vector<1000x128xf32> -> vector<1000x128xf32>
    %add3A_59 = arith.addf %get3A_4, %dot_general3A_58 : vector<1000x128xf32>
    %get3A_60 = arith.constant 0 : index
    %get3A_61 = arith.constant 0 : index
    %get3A_62 = vector.load %arg7[%get3A_60, %get3A_61] : memref<1x128xf32, #tpu.memory_space<vmem>>, vector<1x128xf32>
    %add3A_63 = vector.broadcast %get3A_62 : vector<1x128xf32> to vector<1000x128xf32>
    %add3A_64 = arith.addf %add3A_59, %add3A_63 : vector<1000x128xf32>
    %swap3A = arith.constant 0 : index
    %swap3A_65 = arith.constant 0 : index
    %swap3A_66 = vector.load %arg8[%swap3A, %swap3A_65] : memref<1000x128xf32, #tpu.memory_space<vmem>>, vector<1000x128xf32>
    tpu.vector_store %arg8[%swap3A, %swap3A_65], %add3A_64 {strides = array<i32>} : memref<1000x128xf32, #tpu.memory_space<vmem>>, vector<1000x128xf32>,
    return
  }
  func.func @transform_0(%arg0: i32) -> (i32, i32) {
    %c0_i32 = arith.constant 0 : i32
    %c0_i32_0 = arith.constant 0 : i32
    return %arg0, %c0_i32 : i32, i32
  }
  func.func @transform_1(%arg0: i32) -> (i32, i32, i32) {
    %c0_i32 = arith.constant 0 : i32
    %c0_i32_0 = arith.constant 0 : i32
    %c0_i32_1 = arith.constant 0 : i32
    return %c0_i32, %arg0, %c0_i32_0 : i32, i32, i32
  }
  func.func @transform_2(%arg0: i32) -> (i32, i32) {
    %c0_i32 = arith.constant 0 : i32
    %c0_i32_0 = arith.constant 0 : i32
    return %arg0, %c0_i32 : i32, i32
  }
  func.func @transform_3(%arg0: i32) -> (i32, i32) {
    %c0_i32 = arith.constant 0 : i32
    %c0_i32_0 = arith.constant 0 : i32
    %c0_i32_1 = arith.constant 0 : i32
    return %c0_i32, %c0_i32_0 : i32, i32
  }
  func.func @transform_4(%arg0: i32) -> (i32, i32) {
    %c0_i32 = arith.constant 0 : i32
    %c0_i32_0 = arith.constant 0 : i32
    %c0_i32_1 = arith.constant 0 : i32
    return %c0_i32, %c0_i32_0 : i32, i32
  }
  func.func @transform_5(%arg0: i32) -> (i32, i32) {
    %c0_i32 = arith.constant 0 : i32
    %c0_i32_0 = arith.constant 0 : i32
    %c0_i32_1 = arith.constant 0 : i32
    return %c0_i32, %c0_i32_0 : i32, i32
  }
  func.func @transform_6(%arg0: i32) -> (i32, i32) {
    %c0_i32 = arith.constant 0 : i32
    %c0_i32_0 = arith.constant 0 : i32
    %c0_i32_1 = arith.constant 0 : i32
    return %c0_i32, %c0_i32_0 : i32, i32
  }
  func.func @transform_7(%arg0: i32) -> (i32, i32) {
    %c0_i32 = arith.constant 0 : i32
    %c0_i32_0 = arith.constant 0 : i32
    return %arg0, %c0_i32 : i32, i32
  }
}

module attributes {stable_mosaic.version = 14 : i64} {
  func.func @_update_head_body(%arg0: i32, %arg1: memref<1000x128xf32, #tpu.memory_space<vmem>>, %arg2: memref<2x1000x128xf32, #tpu.memory_space<vmem>>, %arg3: memref<1000x4xf32, #tpu.memory_space<vmem>>, %arg4: memref<1024x128xf32, #tpu.memory_space<vmem>>, %arg5: memref<1x128xf32, #tpu.memory_space<vmem>>, %arg6: memref<512x128xf32, #tpu.memory_space<vmem>>, %arg7: memref<1x128xf32, #tpu.memory_space<vmem>>, %arg8: memref<512x128xf32, #tpu.memory_space<vmem>>, %arg9: memref<1x128xf32, #tpu.memory_space<vmem>>, %arg10: memref<512x128xf32, #tpu.memory_space<vmem>>, %arg11: memref<1x128xf32, #tpu.memory_space<vmem>>, %arg12: memref<1000x128xf32, #tpu.memory_space<vmem>>) attributes {dimension_semantics = [#tpu.dimension_semantics<arbitrary>], iteration_bounds = array<i64: 10>, scalar_prefetch = 0 : i64, scratch_operands = 0 : i64, tpu.core_type = #tpu.core_type<tc>, window_params = [{transform_indices = @transform_0, window_bounds = array<i64: 1000, 128>}, {transform_indices = @transform_1, window_bounds = array<i64: 2, 1000, 128>}, {transform_indices = @transform_2, window_bounds = array<i64: 1000, 4>}, {pipeline_mode = #tpu.pipeline_mode<synchronous>, transform_indices = @transform_3, window_bounds = array<i64: 1024, 128>}, {pipeline_mode = #tpu.pipeline_mode<synchronous>, transform_indices = @transform_4, window_bounds = array<i64: 1, 128>}, {pipeline_mode = #tpu.pipeline_mode<synchronous>, transform_indices = @transform_5, window_bounds = array<i64: 512, 128>}, {pipeline_mode = #tpu.pipeline_mode<synchronous>, transform_indices = @transform_6, window_bounds = array<i64: 1, 128>}, {pipeline_mode = #tpu.pipeline_mode<synchronous>, transform_indices = @transform_7, window_bounds = array<i64: 512, 128>}, {pipeline_mode = #tpu.pipeline_mode<synchronous>, transform_indices = @transform_8, window_bounds = array<i64: 1, 128>}, {pipeline_mode = #tpu.pipeline_mode<synchronous>, transform_indices = @transform_9, window_bounds = array<i64: 512, 128>}, {pipeline_mode = #tpu.pipeline_mode<synchronous>, transform_indices = @transform_10, window_bounds = array<i64: 1, 128>}, {transform_indices = @transform_11, window_bounds = array<i64: 1000, 128>}]} {
    %get3A = arith.constant 0 : index
    %get3A_0 = arith.constant 0 : index
    %get3A_1 = vector.load %arg3[%get3A, %get3A_0] : memref<1000x4xf32, #tpu.memory_space<vmem>>, vector<1000x4xf32>
    %get3A_2 = arith.constant 0 : index
    %get3A_3 = arith.constant 0 : index
    %get3A_4 = vector.load %arg1[%get3A_2, %get3A_3] : memref<1000x128xf32, #tpu.memory_space<vmem>>, vector<1000x128xf32>
    %get3A_5 = arith.constant 0 : index
    %get3A_6 = arith.constant 0 : index
    %get3A_7 = arith.constant 0 : index
    %get3A_8 = vector.load %arg2[%get3A_5, %get3A_6, %get3A_7] : memref<2x1000x128xf32, #tpu.memory_space<vmem>>, vector<1x1000x128xf32>
    %get3A_9 = vector.shape_cast %get3A_8 : vector<1x1000x128xf32> to vector<1000x128xf32>
    %get3A_10 = arith.constant 1 : index
    %get3A_11 = arith.constant 0 : index
    %get3A_12 = arith.constant 0 : index
    %get3A_13 = vector.load %arg2[%get3A_10, %get3A_11, %get3A_12] : memref<2x1000x128xf32, #tpu.memory_space<vmem>>, vector<1x1000x128xf32>
    %get3A_14 = vector.shape_cast %get3A_13 : vector<1x1000x128xf32> to vector<1000x128xf32>
    %add3A = arith.addf %get3A_9, %get3A_14 : vector<1000x128xf32>
    %concatenate3A = tpu.concatenate %get3A_4, %add3A in 1 : vector<1000x128xf32>, vector<1000x128xf32> -> vector<1000x256xf32>
    %slice3A = vector.extract_strided_slice %get3A_1 {offsets = [0, 0], sizes = [1000, 1], strides = [1, 1]} : vector<1000x4xf32> to vector<1000x1xf32>
    %mul3A = vector.broadcast %slice3A : vector<1000x1xf32> to vector<1000x256xf32>
    %mul3A_15 = arith.mulf %mul3A, %concatenate3A : vector<1000x256xf32>
    %slice3A_16 = vector.extract_strided_slice %get3A_1 {offsets = [0, 1], sizes = [1000, 1], strides = [1, 1]} : vector<1000x4xf32> to vector<1000x1xf32>
    %mul3A_17 = vector.broadcast %slice3A_16 : vector<1000x1xf32> to vector<1000x256xf32>
    %mul3A_18 = arith.mulf %mul3A_17, %concatenate3A : vector<1000x256xf32>
    %slice3A_19 = vector.extract_strided_slice %get3A_1 {offsets = [0, 2], sizes = [1000, 1], strides = [1, 1]} : vector<1000x4xf32> to vector<1000x1xf32>
    %mul3A_20 = vector.broadcast %slice3A_19 : vector<1000x1xf32> to vector<1000x256xf32>
    %mul3A_21 = arith.mulf %mul3A_20, %concatenate3A : vector<1000x256xf32>
    %slice3A_22 = vector.extract_strided_slice %get3A_1 {offsets = [0, 3], sizes = [1000, 1], strides = [1, 1]} : vector<1000x4xf32> to vector<1000x1xf32>
    %mul3A_23 = vector.broadcast %slice3A_22 : vector<1000x1xf32> to vector<1000x256xf32>
    %mul3A_24 = arith.mulf %mul3A_23, %concatenate3A : vector<1000x256xf32>
    %concatenate3A_25 = tpu.concatenate %mul3A_15, %mul3A_18, %mul3A_21, %mul3A_24 in 1 : vector<1000x256xf32>, vector<1000x256xf32>, vector<1000x256xf32>, vector<1000x256xf32> -> vector<1000x1024xf32>
    %get3A_26 = arith.constant 0 : index
    %get3A_27 = arith.constant 0 : index
    %get3A_28 = vector.load %arg4[%get3A_26, %get3A_27] : memref<1024x128xf32, #tpu.memory_space<vmem>>, vector<1024x128xf32>
    %dot_general3A = arith.constant dense<0.000000e+00> : vector<1000x128xf32>
    %dot_general3A_29 = tpu.matmul %concatenate3A_25, %get3A_28, %dot_general3A {dimension_numbers = #tpu.dot_dimension_numbers<[1], [0], [0], [1], [0, 0, 1, 1], [], []>, transpose_lhs_hint = false} : vector<1000x1024xf32>, vector<1024x128xf32>, vector<1000x128xf32> -> vector<1000x128xf32>
    %get3A_30 = arith.constant 0 : index
    %get3A_31 = arith.constant 0 : index
    %get3A_32 = vector.load %arg5[%get3A_30, %get3A_31] : memref<1x128xf32, #tpu.memory_space<vmem>>, vector<1x128xf32>
    %add3A_33 = vector.broadcast %get3A_32 : vector<1x128xf32> to vector<1000x128xf32>
    %add3A_34 = arith.addf %dot_general3A_29, %add3A_33 : vector<1000x128xf32>
    %logistic3A = arith.negf %add3A_34 : vector<1000x128xf32>
    %logistic3A_35 = math.exp %logistic3A : vector<1000x128xf32>
    %logistic3A_36 = arith.constant 1.000000e+00 : f32
    %logistic3A_37 = vector.broadcast %logistic3A_36 : f32 to vector<1000x128xf32>
    %logistic3A_38 = arith.addf %logistic3A_37, %logistic3A_35 : vector<1000x128xf32>
    %logistic3A_39 = arith.divf %logistic3A_37, %logistic3A_38 : vector<1000x128xf32>
    %mul3A_40 = arith.mulf %add3A_34, %logistic3A_39 : vector<1000x128xf32>
    %slice3A_41 = vector.extract_strided_slice %get3A_1 {offsets = [0, 0], sizes = [1000, 1], strides = [1, 1]} : vector<1000x4xf32> to vector<1000x1xf32>
    %mul3A_42 = vector.broadcast %slice3A_41 : vector<1000x1xf32> to vector<1000x128xf32>
    %mul3A_43 = arith.mulf %mul3A_42, %mul3A_40 : vector<1000x128xf32>
    %slice3A_44 = vector.extract_strided_slice %get3A_1 {offsets = [0, 1], sizes = [1000, 1], strides = [1, 1]} : vector<1000x4xf32> to vector<1000x1xf32>
    %mul3A_45 = vector.broadcast %slice3A_44 : vector<1000x1xf32> to vector<1000x128xf32>
    %mul3A_46 = arith.mulf %mul3A_45, %mul3A_40 : vector<1000x128xf32>
    %slice3A_47 = vector.extract_strided_slice %get3A_1 {offsets = [0, 2], sizes = [1000, 1], strides = [1, 1]} : vector<1000x4xf32> to vector<1000x1xf32>
    %mul3A_48 = vector.broadcast %slice3A_47 : vector<1000x1xf32> to vector<1000x128xf32>
    %mul3A_49 = arith.mulf %mul3A_48, %mul3A_40 : vector<1000x128xf32>
    %slice3A_50 = vector.extract_strided_slice %get3A_1 {offsets = [0, 3], sizes = [1000, 1], strides = [1, 1]} : vector<1000x4xf32> to vector<1000x1xf32>
    %mul3A_51 = vector.broadcast %slice3A_50 : vector<1000x1xf32> to vector<1000x128xf32>
    %mul3A_52 = arith.mulf %mul3A_51, %mul3A_40 : vector<1000x128xf32>
    %concatenate3A_53 = tpu.concatenate %mul3A_43, %mul3A_46, %mul3A_49, %mul3A_52 in 1 : vector<1000x128xf32>, vector<1000x128xf32>, vector<1000x128xf32>, vector<1000x128xf32> -> vector<1000x512xf32>
    %get3A_54 = arith.constant 0 : index
    %get3A_55 = arith.constant 0 : index
    %get3A_56 = vector.load %arg6[%get3A_54, %get3A_55] : memref<512x128xf32, #tpu.memory_space<vmem>>, vector<512x128xf32>
    %dot_general3A_57 = arith.constant dense<0.000000e+00> : vector<1000x128xf32>
    %dot_general3A_58 = tpu.matmul %concatenate3A_53, %get3A_56, %dot_general3A_57 {dimension_numbers = #tpu.dot_dimension_numbers<[1], [0], [0], [1], [0, 0, 1, 1], [], []>, transpose_lhs_hint = false} : vector<1000x512xf32>, vector<512x128xf32>, vector<1000x128xf32> -> vector<1000x128xf32>
    %add3A_59 = arith.addf %get3A_4, %dot_general3A_58 : vector<1000x128xf32>
    %get3A_60 = arith.constant 0 : index
    %get3A_61 = arith.constant 0 : index
    %get3A_62 = vector.load %arg7[%get3A_60, %get3A_61] : memref<1x128xf32, #tpu.memory_space<vmem>>, vector<1x128xf32>
    %add3A_63 = vector.broadcast %get3A_62 : vector<1x128xf32> to vector<1000x128xf32>
    %add3A_64 = arith.addf %add3A_59, %add3A_63 : vector<1000x128xf32>
    %slice3A_65 = vector.extract_strided_slice %get3A_1 {offsets = [0, 0], sizes = [1000, 1], strides = [1, 1]} : vector<1000x4xf32> to vector<1000x1xf32>
    %mul3A_66 = vector.broadcast %slice3A_65 : vector<1000x1xf32> to vector<1000x128xf32>
    %mul3A_67 = arith.mulf %mul3A_66, %add3A_64 : vector<1000x128xf32>
    %slice3A_68 = vector.extract_strided_slice %get3A_1 {offsets = [0, 1], sizes = [1000, 1], strides = [1, 1]} : vector<1000x4xf32> to vector<1000x1xf32>
    %mul3A_69 = vector.broadcast %slice3A_68 : vector<1000x1xf32> to vector<1000x128xf32>
    %mul3A_70 = arith.mulf %mul3A_69, %add3A_64 : vector<1000x128xf32>
    %slice3A_71 = vector.extract_strided_slice %get3A_1 {offsets = [0, 2], sizes = [1000, 1], strides = [1, 1]} : vector<1000x4xf32> to vector<1000x1xf32>
    %mul3A_72 = vector.broadcast %slice3A_71 : vector<1000x1xf32> to vector<1000x128xf32>
    %mul3A_73 = arith.mulf %mul3A_72, %add3A_64 : vector<1000x128xf32>
    %slice3A_74 = vector.extract_strided_slice %get3A_1 {offsets = [0, 3], sizes = [1000, 1], strides = [1, 1]} : vector<1000x4xf32> to vector<1000x1xf32>
    %mul3A_75 = vector.broadcast %slice3A_74 : vector<1000x1xf32> to vector<1000x128xf32>
    %mul3A_76 = arith.mulf %mul3A_75, %add3A_64 : vector<1000x128xf32>
    %concatenate3A_77 = tpu.concatenate %mul3A_67, %mul3A_70, %mul3A_73, %mul3A_76 in 1 : vector<1000x128xf32>, vector<1000x128xf32>, vector<1000x128xf32>, vector<1000x128xf32> -> vector<1000x512xf32>
    %get3A_78 = arith.constant 0 : index
    %get3A_79 = arith.constant 0 : index
    %get3A_80 = vector.load %arg8[%get3A_78, %get3A_79] : memref<512x128xf32, #tpu.memory_space<vmem>>, vector<512x128xf32>
    %dot_general3A_81 = arith.constant dense<0.000000e+00> : vector<1000x128xf32>
    %dot_general3A_82 = tpu.matmul %concatenate3A_77, %get3A_80, %dot_general3A_81 {dimension_numbers = #tpu.dot_dimension_numbers<[1], [0], [0], [1], [0, 0, 1, 1], [], []>, transpose_lhs_hint = false} : vector<1000x512xf32>, vector<512x128xf32>, vector<1000x128xf32> -> vector<1000x128xf32>
    %get3A_83 = arith.constant 0 : index
    %get3A_84 = arith.constant 0 : index
    %get3A_85 = vector.load %arg9[%get3A_83, %get3A_84] : memref<1x128xf32, #tpu.memory_space<vmem>>, vector<1x128xf32>
    %add3A_86 = vector.broadcast %get3A_85 : vector<1x128xf32> to vector<1000x128xf32>
    %add3A_87 = arith.addf %dot_general3A_82, %add3A_86 : vector<1000x128xf32>
    %logistic3A_88 = arith.negf %add3A_87 : vector<1000x128xf32>
    %logistic3A_89 = math.exp %logistic3A_88 : vector<1000x128xf32>
    %logistic3A_90 = arith.constant 1.000000e+00 : f32
    %logistic3A_91 = vector.broadcast %logistic3A_90 : f32 to vector<1000x128xf32>
    %logistic3A_92 = arith.addf %logistic3A_91, %logistic3A_89 : vector<1000x128xf32>
    %logistic3A_93 = arith.divf %logistic3A_91, %logistic3A_92 : vector<1000x128xf32>
    %mul3A_94 = arith.mulf %add3A_87, %logistic3A_93 : vector<1000x128xf32>
    %slice3A_95 = vector.extract_strided_slice %get3A_1 {offsets = [0, 0], sizes = [1000, 1], strides = [1, 1]} : vector<1000x4xf32> to vector<1000x1xf32>
    %mul3A_96 = vector.broadcast %slice3A_95 : vector<1000x1xf32> to vector<1000x128xf32>
    %mul3A_97 = arith.mulf %mul3A_96, %mul3A_94 : vector<1000x128xf32>
    %slice3A_98 = vector.extract_strided_slice %get3A_1 {offsets = [0, 1], sizes = [1000, 1], strides = [1, 1]} : vector<1000x4xf32> to vector<1000x1xf32>
    %mul3A_99 = vector.broadcast %slice3A_98 : vector<1000x1xf32> to vector<1000x128xf32>
    %mul3A_100 = arith.mulf %mul3A_99, %mul3A_94 : vector<1000x128xf32>
    %slice3A_101 = vector.extract_strided_slice %get3A_1 {offsets = [0, 2], sizes = [1000, 1], strides = [1, 1]} : vector<1000x4xf32> to vector<1000x1xf32>
    %mul3A_102 = vector.broadcast %slice3A_101 : vector<1000x1xf32> to vector<1000x128xf32>
    %mul3A_103 = arith.mulf %mul3A_102, %mul3A_94 : vector<1000x128xf32>
    %slice3A_104 = vector.extract_strided_slice %get3A_1 {offsets = [0, 3], sizes = [1000, 1], strides = [1, 1]} : vector<1000x4xf32> to vector<1000x1xf32>
    %mul3A_105 = vector.broadcast %slice3A_104 : vector<1000x1xf32> to vector<1000x128xf32>
    %mul3A_106 = arith.mulf %mul3A_105, %mul3A_94 : vector<1000x128xf32>
    %concatenate3A_107 = tpu.concatenate %mul3A_97, %mul3A_100, %mul3A_103, %mul3A_106 in 1 : vector<1000x128xf32>, vector<1000x128xf32>, vector<1000x128xf32>, vector<1000x128xf32> -> vector<1000x512xf32>
    %get3A_108 = arith.constant 0 : index
    %get3A_109 = arith.constant 0 : index
    %get3A_110 = vector.load %arg10[%get3A_108, %get3A_109] : memref<512x128xf32, #tpu.memory_space<vmem>>, vector<512x128xf32>
    %dot_general3A_111 = arith.constant dense<0.000000e+00> : vector<1000x128xf32>
    %dot_general3A_112 = tpu.matmul %concatenate3A_107, %get3A_110, %dot_general3A_111 {dimension_numbers = #tpu.dot_dimension_numbers<[1], [0], [0], [1], [0, 0, 1, 1], [], []>, transpose_lhs_hint = false} : vector<1000x512xf32>, vector<512x128xf32>, vector<1000x128xf32> -> vector<1000x128xf32>
    %get3A_113 = arith.constant 0 : index
    %get3A_114 = arith.constant 0 : index
    %get3A_115 = vector.load %arg11[%get3A_113, %get3A_114] : memref<1x128xf32, #tpu.memory_space<vmem>>, vector<1x128xf32>
    %add3A_116 = vector.broadcast %get3A_115 : vector<1x128xf32> to vector<1000x128xf32>
    %add3A_117 = arith.addf %dot_general3A_112, %add3A_116 : vector<1000x128xf32>
    %swap3A = arith.constant 0 : index
    %swap3A_118 = arith.constant 0 : index
    %swap3A_119 = vector.load %arg12[%swap3A, %swap3A_118] : memref<1000x128xf32, #tpu.memory_space<vmem>>, vector<1000x128xf32>
    tpu.vector_store %arg12[%swap3A, %swap3A_118], %add3A_117 {strides = array<i32>} : memref<1000x128xf32, #tpu.memory_space<vmem>>, vector<1000x128xf32>,
    return
  }
  func.func @transform_0(%arg0: i32) -> (i32, i32) {
    %c0_i32 = arith.constant 0 : i32
    %c0_i32_0 = arith.constant 0 : i32
    return %arg0, %c0_i32 : i32, i32
  }
  func.func @transform_1(%arg0: i32) -> (i32, i32, i32) {
    %c0_i32 = arith.constant 0 : i32
    %c0_i32_0 = arith.constant 0 : i32
    %c0_i32_1 = arith.constant 0 : i32
    return %c0_i32, %arg0, %c0_i32_0 : i32, i32, i32
  }
  func.func @transform_2(%arg0: i32) -> (i32, i32) {
    %c0_i32 = arith.constant 0 : i32
    %c0_i32_0 = arith.constant 0 : i32
    return %arg0, %c0_i32 : i32, i32
  }
  func.func @transform_3(%arg0: i32) -> (i32, i32) {
    %c0_i32 = arith.constant 0 : i32
    %c0_i32_0 = arith.constant 0 : i32
    %c0_i32_1 = arith.constant 0 : i32
    return %c0_i32, %c0_i32_0 : i32, i32
  }
  func.func @transform_4(%arg0: i32) -> (i32, i32) {
    %c0_i32 = arith.constant 0 : i32
    %c0_i32_0 = arith.constant 0 : i32
    %c0_i32_1 = arith.constant 0 : i32
    return %c0_i32, %c0_i32_0 : i32, i32
  }
  func.func @transform_5(%arg0: i32) -> (i32, i32) {
    %c0_i32 = arith.constant 0 : i32
    %c0_i32_0 = arith.constant 0 : i32
    %c0_i32_1 = arith.constant 0 : i32
    return %c0_i32, %c0_i32_0 : i32, i32
  }
  func.func @transform_6(%arg0: i32) -> (i32, i32) {
    %c0_i32 = arith.constant 0 : i32
    %c0_i32_0 = arith.constant 0 : i32
    %c0_i32_1 = arith.constant 0 : i32
    return %c0_i32, %c0_i32_0 : i32, i32
  }
  func.func @transform_7(%arg0: i32) -> (i32, i32) {
    %c0_i32 = arith.constant 0 : i32
    %c0_i32_0 = arith.constant 0 : i32
    %c0_i32_1 = arith.constant 0 : i32
    return %c0_i32, %c0_i32_0 : i32, i32
  }
  func.func @transform_8(%arg0: i32) -> (i32, i32) {
    %c0_i32 = arith.constant 0 : i32
    %c0_i32_0 = arith.constant 0 : i32
    %c0_i32_1 = arith.constant 0 : i32
    return %c0_i32, %c0_i32_0 : i32, i32
  }
  func.func @transform_9(%arg0: i32) -> (i32, i32) {
    %c0_i32 = arith.constant 0 : i32
    %c0_i32_0 = arith.constant 0 : i32
    %c0_i32_1 = arith.constant 0 : i32
    return %c0_i32, %c0_i32_0 : i32, i32
  }
  func.func @transform_10(%arg0: i32) -> (i32, i32) {
    %c0_i32 = arith.constant 0 : i32
    %c0_i32_0 = arith.constant 0 : i32
    %c0_i32_1 = arith.constant 0 : i32
    return %c0_i32, %c0_i32_0 : i32, i32
  }
  func.func @transform_11(%arg0: i32) -> (i32, i32) {
    %c0_i32 = arith.constant 0 : i32
    %c0_i32_0 = arith.constant 0 : i32
    return %arg0, %c0_i32 : i32, i32
  }
}

</mosaic_0001>

<sc_bundles>
// kernel: kernel.11.cloned.1.call-start
scs
__scs_entry_jumppad:
0x0: {  	(pc) =	sbr.rel $0x88, $3  }
0x1: {  	(tag) =	ssettag $0x0;
	lr =	simm.s32 $0x1  }
0x2: {  	[smem:$0x3F8F] =	sst lr;
	_ =	strace $0xD0000000  }
0x3: {  	_ = 	snop  }
0x4: {  	_ = 	snop  }
0x5: {  	_ = 	snop  }
0x6: {  	_ = 	snop  }
0x7: {  	_ = 	snop  }
__scs_overlays_trampoline_lowered:
0x8: {  	[smem:$0x3F9E] =	sst s0  }
0x9: {  	[smem:$0x3F9F] =	sst s1  }
0xa: {  	[smem:$0x3FA0] =	sst s2  }
0xb: {  	[smem:$0x3FA1] =	sst s3  }
0xc: {  	[smem:$0x3FA2] =	sst s4  }
0xd: {  	[smem:$0x3FA3] =	sst s5  }
0xe: {  	[smem:$0x3FA4] =	sst s6  }
0xf: {  	[smem:$0x3FA5] =	sst s7  }
0x10: {  	[smem:$0x3FA6] =	sst s8  }
0x11: {  	[smem:$0x3FA7] =	sst s9;
	s0 =	simm.s32 @!p0 $0x0  }
0x12: {  	s1 =	sld [smem:$0x3F8D];
	s0 =	simm.s32 @p0 $0x1  }
0x13: {  	[smem:$0x3FA8] =	sst s0;
	s0 =	simm.s32 @!p1 $0x0  }
0x14: {  	s2 =	sld [smem:$0x3F8C];
	s0 =	simm.s32 @p1 $0x1  }
0x15: {  	[smem:$0x3FA9] =	sst s0;
	s0 =	simm.s32 @!p2 $0x0  }
0x16: {  	s3 =	sld [smem:$0x3FDB];
	s0 =	simm.s32 @p2 $0x1  }
0x17: {  	s4 =	simm.s32 $0x1BF5;
	[smem:$0x3FAB] =	sst s0  }
0x18: {  	s0 =	sld [smem:$0x3F8E];
	_ =	swait.ge [sflag:s4], $0x0  }
0x19: {  	s7 =	sld [smem:$0x3F8F]  }
0x1a: {  	s8 =	sadd.s32 $0xFFFFE003, lr  }
0x1b: {  	s9 =	sadd.s32 $0xFFFFFEF7, lr;
	s5 =	simm.s32 $0xFFFFFFFF;
	p2 =	slt.u32 s8, $0xFFFFF086  }
0x1c: {  	p1 =	slt.u32 s9, $0xF7A;
	s5 =	simm.s32 @!p2 $0x0  }
0x1d: {  	s5 =	simm.s32 @p1 $0x1;
	p0 =	seq.s32 s7, s2  }
0x1e: {  	s7 =	smul.u32 @!p0 $0xF7A, s2;
	p2 =	seq.s32 @!p0 s5, $0x0  }
0x1f: {  	s9 =	smul.u32 $0xF7A, s1;
	s8 =	simm.s32 @!p0 $0x1BF5;
	p2 =	por !p2, p0  }
0x20: {  	[sflag:s8] =	ssyncset.s32 @!p0 $0xFFFFF086;
	s6 =	sadd.s32 @!p0 s3, s7;
	s7 =	simm.s32 @!p0 $0x108  }
0x21: {  	s3 =	sadd.s32 s3, s9;
	s6 =	sadd.s32 @!p0 $0x88, s6;
	s7 =	simm.s32 @p2 $0x1082  }
0x22: {  	[simem:s7], [sflag:s8] =	dma.local @!p0 [hbm:s6], $0xF7A  }
0x23: {  	s9 =	sor.u32 $0xD0000000, s2;
	s6 =	simm.s32 $0x108;
	_ =	swait.ge @!p0 [sflag:s8], $0x0  }
0x24: {  	s3 =	sadd.s32 $0x88, s3;
	s6 =	simm.s32 @!p1 $0x1082;
	[sflag:s4] =	ssyncset.s32 $0xFFFFF086  }
0x25: {  	[simem:s6], [sflag:s4] =	dma.local [hbm:s3], $0xF7A  }
0x26: {  	[smem:$0x3F8F] =	sst s1;
	(tag) =	ssettag s2;
	_ =	strace s9  }
0x27: {  	s1 =	sld [smem:$0x3F9F]  }
0x28: {  	s2 =	sld [smem:$0x3FA0]  }
0x29: {  	s4 =	sld [smem:$0x3FA2]  }
0x2a: {  	p0 =	seq.s32 s5, $0x0;
	s5 =	sld [smem:$0x3FA3]  }
0x2b: {  	s6 =	sld [smem:$0x3FA4]  }
0x2c: {  	s7 =	sld [smem:$0x3FA5]  }
0x2d: {  	s3 =	simm.s32 $0x108;
	s8 =	sld [smem:$0x3FA6]  }
0x2e: {  	s3 =	simm.s32 @!p0 $0x1082;
	s9 =	sld [smem:$0x3FA7]  }
0x2f: {  	lr =	sadd.s32 s0, s3;
	s0 =	sld [smem:$0x3F9E]  }
0x30: {  	s3 =	sld [smem:$0x3FA1]  }
0x31: {  	[smem:$0x3FAA] =	sst s10  }
0x32: {  	s10 =	sld [smem:$0x3FA8];
	_ =	sdelay $0x3  }
0x33: {  	p0 =	seq.s32 s10, $0x1;
	s10 =	sld [smem:$0x3FAA];
	_ =	sdelay $0x3  }
0x34: {  	[smem:$0x3FAA] =	sst s10  }
0x35: {  	s10 =	sld [smem:$0x3FA9];
	_ =	sdelay $0x3  }
0x36: {  	p1 =	seq.s32 s10, $0x1;
	s10 =	sld [smem:$0x3FAA];
	_ =	sdelay $0x3  }
0x37: {  	[smem:$0x3FAA] =	sst s10  }
0x38: {  	s10 =	sld [smem:$0x3FAB]  }
0x39: {  	_ = 	snop;
	(pc) =	sbr.ind lr, $3  }
0x3a: {  	_ = 	snop  }
0x3b: {  	_ = 	snop  }
0x3c: {  	p2 =	seq.s32 s10, $0x1;
	s10 =	sld [smem:$0x3FAA]  }
0x3d: {  	_ =	shalt  }
0x3e: {  	_ =	shalt  }
0x3f: {  	_ =	shalt  }
0x40: {  	_ =	shalt  }
0x41: {  	_ =	shalt  }
0x42: {  	_ =	shalt  }
0x43: {  	_ =	shalt  }
0x44: {  	_ =	shalt  }
0x45: {  	_ =	shalt  }
0x46: {  	_ =	shalt  }
0x47: {  	_ =	shalt  }
0x48: {  	_ =	shalt  }
0x49: {  	_ =	shalt  }
0x4a: {  	_ =	shalt  }
0x4b: {  	_ =	shalt  }
0x4c: {  	_ =	shalt  }
0x4d: {  	_ =	shalt  }
0x4e: {  	_ =	shalt  }
0x4f: {  	_ =	shalt  }
0x50: {  	_ =	shalt  }
0x51: {  	_ =	shalt  }
0x52: {  	_ =	shalt  }
0x53: {  	_ =	shalt  }
0x54: {  	_ =	shalt  }
0x55: {  	_ =	shalt  }
0x56: {  	_ =	shalt  }
0x57: {  	_ =	shalt  }
0x58: {  	_ =	shalt  }
0x59: {  	_ =	shalt  }
0x5a: {  	_ =	shalt  }
0x5b: {  	_ =	shalt  }
0x5c: {  	_ =	shalt  }
0x5d: {  	_ =	shalt  }
0x5e: {  	_ =	shalt  }
0x5f: {  	_ =	shalt  }
0x60: {  	_ =	shalt  }
0x61: {  	_ =	shalt  }
0x62: {  	_ =	shalt  }
0x63: {  	_ =	shalt  }
0x64: {  	_ =	shalt  }
0x65: {  	_ =	shalt  }
0x66: {  	_ =	shalt  }
0x67: {  	_ =	shalt  }
0x68: {  	_ =	shalt  }
0x69: {  	_ =	shalt  }
0x6a: {  	_ =	shalt  }
0x6b: {  	_ =	shalt  }
0x6c: {  	_ =	shalt  }
0x6d: {  	_ =	shalt  }
0x6e: {  	_ =	shalt  }
0x6f: {  	_ =	shalt  }
0x70: {  	_ =	shalt  }
0x71: {  	_ =	shalt  }
0x72: {  	_ =	shalt  }
0x73: {  	_ =	shalt  }
0x74: {  	_ =	shalt  }
0x75: {  	_ =	shalt  }
0x76: {  	_ =	shalt  }
0x77: {  	_ =	shalt  }
0x78: {  	_ =	shalt  }
0x79: {  	_ =	shalt  }
0x7a: {  	_ =	shalt  }
0x7b: {  	_ =	shalt  }
0x7c: {  	_ =	shalt  }
0x7d: {  	_ =	shalt  }
0x7e: {  	_ =	shalt  }
0x7f: {  	_ =	shalt  }
0x80: {  	_ =	shalt  }
0x81: {  	_ =	shalt  }
0x82: {  	_ =	shalt  }
0x83: {  	_ =	shalt  }
0x84: {  	_ =	shalt  }
0x85: {  	_ =	shalt  }
0x86: {  	_ =	shalt  }
0x87: {  	_ =	shalt  }
.Lfunc_end0:
.L_simem_size_0:
called_computation_lowered:
.L_overlay_start_0:
0x88: {  	s2 =	sld [smem:$0x3FD9]  }
0x89: {  	s3 =	sld [smem:$0x3FFE];
	_ =	sdelay $0x1  }
0x8a: {  	s1 =	srdreg.scid  }
0x8b: {  	s0 =	sand.u32 $0x1, s1  }
0x8c: {  	s16 =	sshll.u32 s0, $0xA;
	s2 =	sadd.s32 s3, s2  }
0x8d: {  	s2 =	sadd.s32 s2, s16  }
0x8e: {  	[smem:$0x3FB6] =	sst s2  }
0x8f: {  	_ = 	snop  }
0x90: {  	(tm) =	ssettm $0x1  }
0x91: {  	s17 =	sld [smem:$0x3FFB];
	_ =	sdelay $0x3  }
0x92: {  	_ =	strace s17  }
0x93: {  	s2 =	sld [smem:$0x3FFC];
	_ =	sdelay $0x3  }
0x94: {  	_ =	strace s2  }
0x95: {  	s2 =	sld [smem:$0x3FFD];
	_ =	sdelay $0x3  }
0x96: {  	_ =	strace s2  }
0x97: {  	_ =	strace $0x8FFFFFFF  }
0x98: {  	s18 =	sld [smem:$0x3FDB];
	_ =	sdelay $0x1  }
0x99: {  	s19 =	simm.s32 $_scs_section_size  }
0x9a: {  	s4 =	simm.s32 $_size__tile_overlayer_lowered;
	s5 =	simm.s32 $_tile_overlayer_lowered  }
0x9b: {  	s22 =	simm.s32 $0x1BFF;
	s21 =	sshll.u32 s5, $0x1;
	s2 =	sadd.s32 s19, s18  }
0x9c: {  	s6 =	simm.s32 $0x0;
	s20 =	sshll.u32 s4, $0x1;
	s4 =	sadd.s32 s21, s2  }
0x9d: {  	[timem:s6], [sflag:s22] =	dma.local [hbm:s4], s20  }
0x9e: {  	_ =	swait.ge [sflag:s22], s20  }
0x9f: {  	s3 =	ssub.s32 $0x0, s20;
	[sflag:s22] =	ssyncset.done $0x0  }
0xa0: {  	[sflag:s22] =	ssyncadd.s32 s3;
	_ =	sdelay $0x1  }
0xa1: {  	s23 =	simm.s32 $0x1B8B  }
0xa2: {  	_ =	swait.ge [sflag:s23], $0x1  }
0xa3: {  	[sflag:s23] =	ssyncset.done $0x0  }
0xa4: {  	s25 =	simm.s32 $0x1B8E;
	s24 =	sld [smem:$0x3FFE];
	[sflag:s23] =	ssyncadd.s32 $0xFFFFFFFF  }
0xa5: {  	s26 =	simm.s32 $execute0_lowered;
	[smem:$0x3FD2] =	sst s25  }
0xa6: {  	s4 =	sshll.u32 s26, $0x1;
	_ =	strace $0x80000046;
	[dreg:$0x1] =	wrdreg $0xFFFFFFFF  }
0xa7: {  	s28 =	simm.s32 $_size_execute0_lowered;
	s2 =	sadd.s32 s2, s4;
	[dreg:$0x0] =	wrdreg $0x0  }
0xa8: {  	s4 =	sshll.u32 s28, $0x1;
	[dreg:$0x2] =	wrdreg s2  }
0xa9: {  	[dreg:$0x3] =	wrdreg s4  }
0xaa: {  	[dreg:$0x4] =	wrdreg $0xC0  }
0xab: {  	_ =	task [dreg:s6], $0x5FFFF  }
0xac: {  	[dreg:$0x1] =	wrdreg $0xFFFFFFFF  }
0xad: {  	[dreg:$0x0] =	wrdreg $0x60  }
0xae: {  	[dreg:$0x2] =	wrdreg s24  }
0xaf: {  	[dreg:$0x3] =	wrdreg $0xA8000  }
0xb0: {  	[dreg:$0x4] =	wrdreg $0x9  }
0xb1: {  	_ =	task.clear_ibuf [dreg:s6], $0x5FFFF;
	_ =	strace $0x90000046  }
0xb2: {  	s29 =	simm.s32 $0x9;
	_ =	strace $0x80000048  }
0xb3: {  	_ =	swait.ge [sflag:s29], $0x1  }
0xb4: {  	[sflag:s29] =	ssyncadd.s32 $0xFFFFFFFF  }
0xb5: {  	_ =	strace $0x90000048  }
0xb6: {  	_ =	sfence  }
0xb7: {  	s30 =	sld [smem:$0x0];
	_ =	sdelay $0x2  }
0xb8: {  	s31 =	sshll.u32 s1, $0xD;
	s1 =	sshrl.u32 s1, $0x2  }
0xb9: {  	s3 =	sand.u32 $0x4000, s31;
	s1 =	sadd.s32 s1, s30  }
0xba: {  	s0 =	sor.u32 s3, s0;
	s1 =	sshll.u32 s1, $0x11  }
0xbb: {  	s0 =	sor.u32 s1, s0  }
0xbc: {  	s0 =	sadd.s32 $0x8F2B, s0  }
0xbd: {  	[sflag:s0] =	ssyncadd.remote.s32 $0x1  }
0xbe: {  	_ =	sfence.sel $0xFFFF  }
0xbf: {  	[dreg:$0x0] =	wrdreg $0xFFFFFFFF;
	(pc) =	sbr.abs _section_cstart, $3  }
0xc0: {  	[dreg:$0x1] =	wrdreg $0xFFFFFFFF  }
0xc1: {  	_ =	task.clear_ibuf [dreg:s6], $0x2FFFF;
	_ =	strace $0x9FFFFFFF  }
0xc2: {  	(tm) =	ssettm $0x7FFFFFFF  }
0xc3: {  	_ =	shalt  }
tec
execute0_lowered:
.L_overlay_start_1:
0x0: {  	(tag) =	ssettag $0x1  }
0x1: {  	s0 =	srdreg.scid  }
0x2: {  	s1 =	rddreg [dreg:$0x0];
	s17 =	stileid.u32  }
0x3: {  	s2 =	rddreg [dreg:$0x1];
	s18 =	simm.s32 $0x1400;
	s4 =	smul.u32 $0x2780, s17  }
0x4: {  	s21 =	simm.s32 $0x80;
	s22 =	simm.s32 $0x2800;
	s7 =	smul.u32 $0x4F000, s17  }
0x5: {  	s23 =	simm.s32 $0x1;
	s29 =	simm.s32 $0x0;
	s14 =	smul.u32 $0x9C400, s17  }
0x6: {  	s0 =	sand.u32 $0x1, s0;
	s16 =	sadd.s32 $0x3D800, s1;
	s15 =	smul.u32 $0x13880, s17  }
0x7: {  	s11 =	sadd.s32 $0x2AE800, s1;
	s31 =	sshll.u32 s17, $0x6;
	s13 =	smul.u32 $0x9C4000, s0  }
0x8: {  	s3 =	sshll.u32 s0, $0x4;
	s25 =	ssub.s32 $0x2, s0;
	s0 =	smul.u32 $0x138800, s0  }
0x9: {  	s19 =	sor.u32 $0x1C03, s31;
	s5 =	sor.u32 s17, s3;
	s3 =	simm.s32 $0x0  }
0xa: {  	s8 =	sadd.s32 s4, s1;
	s9 =	sshrl.u32 s25, $0x1;
	s26 =	sshrl.u32 s7, $0x2  }
0xb: {  	s17 =	simm.s32 $0x3;
	s6 =	smul.u32 $0x1400, s5;
	[smem:$0x7FF] =	sst s3  }
0xc: {  	s10 =	smul.u32 $0x9C400, s5;
	s12 =	ssub.s32 s25, s9;
	s20 =	sadd.s32 s26, s2  }
0xd: {  	s8 =	sadd.s32 $0x16000, s8;
	s30 =	sadd.s32 s14, s13;
	s0 =	sadd.s32 s15, s0  }
0xe: {  	s25 =	simm.s32 $0x2;
	_ =	strace $0x80000047;
	s12 =	smax.u32 s12, $0x1  }
0xf: {  	s13 =	sshrl.u32 s30, $0x3;
	s14 =	sadd.s32 $0x800, s0;
	s20 =	sshrl.u32 s20, $0x3  }
0x10: {  	s24 =	sshrl.u32 s6, $0x3;
	s28 =	sshrl.u32 s10, $0x3;
	s15 =	sadd.s32 s13, s16  }
0x11: {  	s6 =	sadd.s32 s24, s1;
	s7 =	sadd.s32 $0x13800, s28;
	s24 =	simm.s32 $0x6800  }
0x12: {  	s4 =	sadd.s32 $0xC000, s6;
	s5 =	sadd.s32 $0x11000, s6;
	s6 =	sadd.s32 $0x13000, s28  }
0x13: {  	s10 =	sadd.s32 s16, s7;
	s9 =	sadd.s32 s16, s6;
	s16 =	sadd.s32 s16, s14  }
.LBB2_1:
0x14: {  	[tilespmem:s3], [sflag:$0x3] =	stream.linear.gather [hbm4b:s4+s3], $0x1400, $0x38;
	[tilespmem:$0x1E400] =	vst v63  }
0x15: {  	_ =	swait.ge [sflag:s17], $0x1400  }
0x16: {  	[sflag:s17] =	ssyncset.done $0x0  }
0x17: {  	[sflag:s17] =	ssyncadd.s32 $0xFFFFEC00  }
0x18: {  	[tilespmem:s18], [sflag:$0x3] =	stream.linear.gather [hbm4b:s5+s3], $0x1400, $0x38;
	[tilespmem:$0x1E400] =	vst v63  }
0x19: {  	_ =	swait.ge [sflag:s17], $0x1400  }
0x1a: {  	[sflag:s17] =	ssyncset.done $0x0  }
0x1b: {  	[sflag:s17] =	ssyncadd.s32 $0xFFFFEC00  }
0x1c: {  	[spmem:s20], [sflag:s19] =	dma.local [hbm:s8], $0x2780  }
0x1d: {  	_ =	swait.ge [sflag:s17], $0x2780  }
0x1e: {  	[sflag:s17] =	ssyncset.done $0x0  }
0x1f: {  	[sflag:s17] =	ssyncadd.s32 $0xFFFFD880  }
0x20: {  	[bflag:$0x0] =	sbarrier.arrive $0xFFFF  }
0x21: {  	[tilespmem:s22], [sflag:$0x1] =	stream.indirect.gather [spmem:s2], $0x80, s3, s21, $0xb8;
	[tilespmem:$0x1E400] =	vst v63  }
0x22: {  	_ =	swait.ge [sflag:s23], $0x4000  }
0x23: {  	[sflag:s23] =	ssyncset.done $0x0  }
0x24: {  	s0 =	simm.s32 $0x80;
	[sflag:s23] =	ssyncadd.s32 $0xFFFFC000  }
0x25: {  	[tilespmem:s24], [sflag:$0x2] =	stream.indirect.gather [spmem:s2], $0x80, s0, s21, $0xb8;
	[tilespmem:$0x1E400] =	vst v63  }
0x26: {  	s28 =	sadd.s32 $0x0, s15  }
0x27: {  	[hbm4b:s28+s3] =	stream.linear.scatter [tilespmem:s22], [sflag:$0x3], $0x4000, $0x38;
	[tilespmem:$0x1E400] =	vst v63  }
0x28: {  	_ =	swait.ge [sflag:s17], $0x4000  }
0x29: {  	[sflag:s17] =	ssyncset.done $0x0  }
0x2a: {  	[sflag:s17] =	ssyncadd.s32 $0xFFFFC000  }
0x2b: {  	_ =	swait.ge [sflag:s25], $0x4000  }
0x2c: {  	[sflag:s25] =	ssyncset.done $0x0  }
0x2d: {  	s30 =	simm.s32 $0x100;
	[sflag:s25] =	ssyncadd.s32 $0xFFFFC000  }
0x2e: {  	[tilespmem:s22], [sflag:$0x1] =	stream.indirect.gather [spmem:s2], $0x80, s30, s21, $0xb8;
	[tilespmem:$0x1E400] =	vst v63  }
0x2f: {  	s31 =	sadd.s32 $0x0, s16  }
0x30: {  	[hbm4b:s31+s3] =	stream.linear.scatter [tilespmem:s24], [sflag:$0x3], $0x4000, $0x38;
	[tilespmem:$0x1E400] =	vst v63  }
0x31: {  	_ =	swait.ge [sflag:s17], $0x4000  }
0x32: {  	s1 =	simm.s32 $0x1000;
	[sflag:s17] =	ssyncset.done $0x0  }
.LBB2_2:
0x33: {  	p0 =	sne.s32 s1, $0x12000;
	[sflag:s17] =	ssyncadd.s32 $0xFFFFC000;
	s30 =	sadd.s32 $0x100, s30  }
0x34: {  	s0 =	smov.u32 s1;
	s1 =	sadd.s32 $0x1000, s1  }
0x35: {  	_ =	swait.ge [sflag:s23], $0x4000  }
0x36: {  	[sflag:s23] =	ssyncset.done $0x0  }
0x37: {  	s31 =	sadd.s32 $0xFFFFFF80, s30;
	[sflag:s23] =	ssyncadd.s32 $0xFFFFC000  }
0x38: {  	[tilespmem:s24], [sflag:$0x2] =	stream.indirect.gather [spmem:s2], $0x80, s31, s21, $0xb8;
	[tilespmem:$0x1E400] =	vst v63  }
0x39: {  	s31 =	sadd.s32 s0, s15  }
0x3a: {  	[hbm4b:s31+s3] =	stream.linear.scatter [tilespmem:s22], [sflag:$0x3], $0x4000, $0x38;
	[tilespmem:$0x1E400] =	vst v63  }
0x3b: {  	_ =	swait.ge [sflag:s17], $0x4000  }
0x3c: {  	[sflag:s17] =	ssyncset.done $0x0  }
0x3d: {  	[sflag:s17] =	ssyncadd.s32 $0xFFFFC000  }
0x3e: {  	_ =	swait.ge [sflag:s25], $0x4000  }
0x3f: {  	[sflag:s25] =	ssyncset.done $0x0  }
0x40: {  	[sflag:s25] =	ssyncadd.s32 $0xFFFFC000  }
0x41: {  	[tilespmem:s22], [sflag:$0x1] =	stream.indirect.gather [spmem:s2], $0x80, s30, s21, $0xb8;
	[tilespmem:$0x1E400] =	vst v63  }
.Ltmp0:
0x42: {  	_ = 	snop;
	(pc) =	sbr.rel @p0 .LBB2_2-.Ltmp0, $4  }
0x43: {  	s0 =	sadd.s32 s0, s16  }
0x44: {  	[hbm4b:s0+s3] =	stream.linear.scatter [tilespmem:s24], [sflag:$0x3], $0x4000, $0x38;
	[tilespmem:$0x1E400] =	vst v63  }
0x45: {  	_ =	swait.ge [sflag:s17], $0x4000  }
0x46: {  	[sflag:s17] =	ssyncset.done $0x0  }
0x47: {  	[sflag:s17] =	ssyncadd.s32 $0xFFFFC000  }
0x48: {  	_ =	swait.ge [sflag:s23], $0x4000  }
0x49: {  	[sflag:s23] =	ssyncset.done $0x0  }
0x4a: {  	s0 =	simm.s32 $0x0;
	[sflag:s23] =	ssyncadd.s32 $0xFFFFC000  }
0x4b: {  	[hbm4b:s9+s0] =	stream.linear.scatter [tilespmem:s22], [sflag:$0x3], $0x4000, $0x38;
	[tilespmem:$0x1E400] =	vst v63  }
0x4c: {  	_ =	swait.ge [sflag:s17], $0x4000  }
0x4d: {  	[sflag:s17] =	ssyncset.done $0x0  }
0x4e: {  	s1 =	simm.s32 $0x1380;
	[sflag:s17] =	ssyncadd.s32 $0xFFFFC000  }
0x4f: {  	[tilespmem:s24], [sflag:$0x3] =	stream.indirect.gather [spmem:s2], $0x80, s1, s21, $0xb8;
	[tilespmem:$0x1E400] =	vst v63  }
0x50: {  	_ =	swait.ge [sflag:s17], $0x4000  }
0x51: {  	[sflag:s17] =	ssyncset.done $0x0  }
0x52: {  	[sflag:s17] =	ssyncadd.s32 $0xFFFFC000  }
0x53: {  	[hbm4b:s10+s0] =	stream.linear.scatter [tilespmem:s24], [sflag:$0x3], $0x400, $0x38;
	[tilespmem:$0x1E400] =	vst v63  }
0x54: {  	_ =	swait.ge [sflag:s17], $0x400  }
0x55: {  	[sflag:s17] =	ssyncset.done $0x0  }
0x56: {  	[sflag:s17] =	ssyncadd.s32 $0xFFFFFC00  }
0x57: {  	[tilespmem:s22], [sflag:$0x1] =	stream.indirect.gather [spmem:s2], $0x80, s18, s21, $0xb8;
	[tilespmem:$0x1E400] =	vst v63  }
0x58: {  	_ =	swait.ge [sflag:s23], $0x4000  }
0x59: {  	[sflag:s23] =	ssyncset.done $0x0  }
0x5a: {  	s30 =	sadd.s32 s11, s13;
	s1 =	simm.s32 $0x1480;
	[sflag:s23] =	ssyncadd.s32 $0xFFFFC000  }
0x5b: {  	[tilespmem:s24], [sflag:$0x2] =	stream.indirect.gather [spmem:s2], $0x80, s1, s21, $0xb8;
	[tilespmem:$0x1E400] =	vst v63  }
0x5c: {  	s26 =	sadd.s32 $0x0, s30  }
0x5d: {  	[hbm4b:s26+s3] =	stream.linear.scatter [tilespmem:s22], [sflag:$0x3], $0x4000, $0x38;
	[tilespmem:$0x1E400] =	vst v63  }
0x5e: {  	_ =	swait.ge [sflag:s17], $0x4000  }
0x5f: {  	[sflag:s17] =	ssyncset.done $0x0  }
0x60: {  	[sflag:s17] =	ssyncadd.s32 $0xFFFFC000  }
0x61: {  	_ =	swait.ge [sflag:s25], $0x4000  }
0x62: {  	[sflag:s25] =	ssyncset.done $0x0  }
0x63: {  	s31 =	simm.s32 $0x1500;
	s1 =	sadd.s32 s11, s14;
	[sflag:s25] =	ssyncadd.s32 $0xFFFFC000  }
0x64: {  	[tilespmem:s22], [sflag:$0x1] =	stream.indirect.gather [spmem:s2], $0x80, s31, s21, $0xb8;
	[tilespmem:$0x1E400] =	vst v63  }
0x65: {  	s28 =	sadd.s32 $0x0, s1  }
0x66: {  	[hbm4b:s28+s3] =	stream.linear.scatter [tilespmem:s24], [sflag:$0x3], $0x4000, $0x38;
	[tilespmem:$0x1E400] =	vst v63  }
0x67: {  	_ =	swait.ge [sflag:s17], $0x4000  }
0x68: {  	s0 =	simm.s32 $0x1000;
	[sflag:s17] =	ssyncset.done $0x0  }
.LBB2_4:
0x69: {  	p0 =	sne.s32 s0, $0x12000;
	[sflag:s17] =	ssyncadd.s32 $0xFFFFC000;
	s31 =	sadd.s32 $0x100, s31  }
0x6a: {  	s26 =	smov.u32 s0;
	s0 =	sadd.s32 $0x1000, s0  }
0x6b: {  	_ =	swait.ge [sflag:s23], $0x4000  }
0x6c: {  	[sflag:s23] =	ssyncset.done $0x0  }
0x6d: {  	s28 =	sadd.s32 $0xFFFFFF80, s31;
	[sflag:s23] =	ssyncadd.s32 $0xFFFFC000  }
0x6e: {  	[tilespmem:s24], [sflag:$0x2] =	stream.indirect.gather [spmem:s2], $0x80, s28, s21, $0xb8;
	[tilespmem:$0x1E400] =	vst v63  }
0x6f: {  	s28 =	sadd.s32 s26, s30  }
0x70: {  	[hbm4b:s28+s3] =	stream.linear.scatter [tilespmem:s22], [sflag:$0x3], $0x4000, $0x38;
	[tilespmem:$0x1E400] =	vst v63  }
0x71: {  	_ =	swait.ge [sflag:s17], $0x4000  }
0x72: {  	[sflag:s17] =	ssyncset.done $0x0  }
0x73: {  	[sflag:s17] =	ssyncadd.s32 $0xFFFFC000  }
0x74: {  	_ =	swait.ge [sflag:s25], $0x4000  }
0x75: {  	[sflag:s25] =	ssyncset.done $0x0  }
0x76: {  	[sflag:s25] =	ssyncadd.s32 $0xFFFFC000  }
0x77: {  	[tilespmem:s22], [sflag:$0x1] =	stream.indirect.gather [spmem:s2], $0x80, s31, s21, $0xb8;
	[tilespmem:$0x1E400] =	vst v63  }
.Ltmp1:
0x78: {  	_ = 	snop;
	(pc) =	sbr.rel @p0 .LBB2_4-.Ltmp1, $4  }
0x79: {  	s26 =	sadd.s32 s26, s1  }
0x7a: {  	[hbm4b:s26+s3] =	stream.linear.scatter [tilespmem:s24], [sflag:$0x3], $0x4000, $0x38;
	[tilespmem:$0x1E400] =	vst v63  }
0x7b: {  	_ =	swait.ge [sflag:s17], $0x4000  }
0x7c: {  	[sflag:s17] =	ssyncset.done $0x0  }
0x7d: {  	[sflag:s17] =	ssyncadd.s32 $0xFFFFC000  }
0x7e: {  	_ =	swait.ge [sflag:s23], $0x4000  }
0x7f: {  	[sflag:s23] =	ssyncset.done $0x0  }
0x80: {  	s0 =	sadd.s32 s6, s11;
	[sflag:s23] =	ssyncadd.s32 $0xFFFFC000  }
0x81: {  	[hbm4b:s0+s3] =	stream.linear.scatter [tilespmem:s22], [sflag:$0x3], $0x4000, $0x38;
	[tilespmem:$0x1E400] =	vst v63  }
0x82: {  	_ =	swait.ge [sflag:s17], $0x4000  }
0x83: {  	[sflag:s17] =	ssyncset.done $0x0  }
0x84: {  	s30 =	simm.s32 $0x2780;
	[sflag:s17] =	ssyncadd.s32 $0xFFFFC000  }
0x85: {  	[tilespmem:s24], [sflag:$0x3] =	stream.indirect.gather [spmem:s2], $0x80, s30, s21, $0xb8;
	[tilespmem:$0x1E400] =	vst v63  }
0x86: {  	s29 =	sadd.s32 $0x1, s29;
	_ =	swait.ge [sflag:s17], $0x4000  }
0x87: {  	p0 =	sne.s32 s29, s12;
	[sflag:s17] =	ssyncset.done $0x0  }
.Ltmp2:
0x88: {  	s31 =	sadd.s32 s7, s11;
	[sflag:s17] =	ssyncadd.s32 $0xFFFFC000;
	(pc) =	sbr.rel @p0 .LBB2_1-.Ltmp2, $4  }
0x89: {  	[hbm4b:s31+s3] =	stream.linear.scatter [tilespmem:s24], [sflag:$0x3], $0x400, $0x38;
	[tilespmem:$0x1E400] =	vst v63  }
0x8a: {  	_ =	swait.ge [sflag:s17], $0x400  }
0x8b: {  	[sflag:s17] =	ssyncset.done $0x0  }
0x8c: {  	[sflag:s17] =	ssyncadd.s32 $0xFFFFFC00  }
0x8d: {  	_ =	sfence.sel $0x180000  }
0x8e: {  	[bflag:$0x0] =	sbarrier.arrive $0xFFFF  }
0x8f: {  	_ =	strace $0x90000047  }
0x90: {  	s0 =	stileid.u32;
	[bflag:$0x2] =	sbarrier.arrive $0xFFFF  }
0x91: {  	p0 =	sne.s32 s0, $0x0;
	s0 =	rddreg [dreg:$0x2]  }
0x92: {  	s0 =	sadd.s32 @!p0 $0x100000, s0  }
0x93: {  	[sflag:s0] =	ssyncadd.tile.s32 @!p0 $0x1;
	_ =	shalt  }
.Lfunc_end2:
_tile_overlayer_lowered:
.L_overlay_start_2:
0x94: {  	(tag) =	ssettag $0x2  }
0x95: {  	s0 =	rddreg [dreg:$0x0];
	s2 =	stileid.u32  }
0x96: {  	s1 =	rddreg [dreg:$0x1];
	p0 =	sne.s32 s2, $0x0  }
0x97: {  	s3 =	rddreg [dreg:$0x2];
	[bflag:$0x3] =	sbarrier.arrive $0xFFFF;
	s2 =	simm.s32 @!p0 $0x1C03  }
0x98: {  	[timem:s3], [sflag:s2] =	dma.local @!p0 [hbm:s0], s1  }
0x99: {  	s0 =	simm.s32 @!p0 $0x3  }
0x9a: {  	_ =	swait.ge @!p0 [sflag:s0], s1  }
0x9b: {  	s1 =	ssub.s32 @!p0 $0x0, s1;
	[sflag:s0] =	ssyncset.done @!p0 $0x0  }
0x9c: {  	[sflag:s0] =	ssyncadd.s32 @!p0 s1  }
0x9d: {  	[bflag:$0x3] =	sbarrier.arrive $0xFFFF  }
0x9e: {  	_ =	shalt  }

// kernel: kernel.14.cloned.1.call-start
scs
__scs_entry_jumppad:
0x0: {  	(pc) =	sbr.rel $0x88, $3  }
0x1: {  	(tag) =	ssettag $0x0;
	lr =	simm.s32 $0x1  }
0x2: {  	[smem:$0x3F8F] =	sst lr;
	_ =	strace $0xD0000000  }
0x3: {  	_ = 	snop  }
0x4: {  	_ = 	snop  }
0x5: {  	_ = 	snop  }
0x6: {  	_ = 	snop  }
0x7: {  	_ = 	snop  }
__scs_overlays_trampoline_lowered:
0x8: {  	[smem:$0x3F9E] =	sst s0  }
0x9: {  	[smem:$0x3F9F] =	sst s1  }
0xa: {  	[smem:$0x3FA0] =	sst s2  }
0xb: {  	[smem:$0x3FA1] =	sst s3  }
0xc: {  	[smem:$0x3FA2] =	sst s4  }
0xd: {  	[smem:$0x3FA3] =	sst s5  }
0xe: {  	[smem:$0x3FA4] =	sst s6  }
0xf: {  	[smem:$0x3FA5] =	sst s7  }
0x10: {  	[smem:$0x3FA6] =	sst s8  }
0x11: {  	[smem:$0x3FA7] =	sst s9;
	s0 =	simm.s32 @!p0 $0x0  }
0x12: {  	s1 =	sld [smem:$0x3F8D];
	s0 =	simm.s32 @p0 $0x1  }
0x13: {  	[smem:$0x3FA8] =	sst s0;
	s0 =	simm.s32 @!p1 $0x0  }
0x14: {  	s2 =	sld [smem:$0x3F8C];
	s0 =	simm.s32 @p1 $0x1  }
0x15: {  	[smem:$0x3FA9] =	sst s0;
	s0 =	simm.s32 @!p2 $0x0  }
0x16: {  	s3 =	sld [smem:$0x3FDB];
	s0 =	simm.s32 @p2 $0x1  }
0x17: {  	s4 =	simm.s32 $0x1BF5;
	[smem:$0x3FAB] =	sst s0  }
0x18: {  	s0 =	sld [smem:$0x3F8E];
	_ =	swait.ge [sflag:s4], $0x0  }
0x19: {  	s7 =	sld [smem:$0x3F8F]  }
0x1a: {  	s8 =	sadd.s32 $0xFFFFE003, lr  }
0x1b: {  	s9 =	sadd.s32 $0xFFFFFEF7, lr;
	s5 =	simm.s32 $0xFFFFFFFF;
	p2 =	slt.u32 s8, $0xFFFFF086  }
0x1c: {  	p1 =	slt.u32 s9, $0xF7A;
	s5 =	simm.s32 @!p2 $0x0  }
0x1d: {  	s5 =	simm.s32 @p1 $0x1;
	p0 =	seq.s32 s7, s2  }
0x1e: {  	s7 =	smul.u32 @!p0 $0xF7A, s2;
	p2 =	seq.s32 @!p0 s5, $0x0  }
0x1f: {  	s9 =	smul.u32 $0xF7A, s1;
	s8 =	simm.s32 @!p0 $0x1BF5;
	p2 =	por !p2, p0  }
0x20: {  	[sflag:s8] =	ssyncset.s32 @!p0 $0xFFFFF086;
	s6 =	sadd.s32 @!p0 s3, s7;
	s7 =	simm.s32 @!p0 $0x108  }
0x21: {  	s3 =	sadd.s32 s3, s9;
	s6 =	sadd.s32 @!p0 $0x88, s6;
	s7 =	simm.s32 @p2 $0x1082  }
0x22: {  	[simem:s7], [sflag:s8] =	dma.local @!p0 [hbm:s6], $0xF7A  }
0x23: {  	s9 =	sor.u32 $0xD0000000, s2;
	s6 =	simm.s32 $0x108;
	_ =	swait.ge @!p0 [sflag:s8], $0x0  }
0x24: {  	s3 =	sadd.s32 $0x88, s3;
	s6 =	simm.s32 @!p1 $0x1082;
	[sflag:s4] =	ssyncset.s32 $0xFFFFF086  }
0x25: {  	[simem:s6], [sflag:s4] =	dma.local [hbm:s3], $0xF7A  }
0x26: {  	[smem:$0x3F8F] =	sst s1;
	(tag) =	ssettag s2;
	_ =	strace s9  }
0x27: {  	s1 =	sld [smem:$0x3F9F]  }
0x28: {  	s2 =	sld [smem:$0x3FA0]  }
0x29: {  	s4 =	sld [smem:$0x3FA2]  }
0x2a: {  	p0 =	seq.s32 s5, $0x0;
	s5 =	sld [smem:$0x3FA3]  }
0x2b: {  	s6 =	sld [smem:$0x3FA4]  }
0x2c: {  	s7 =	sld [smem:$0x3FA5]  }
0x2d: {  	s3 =	simm.s32 $0x108;
	s8 =	sld [smem:$0x3FA6]  }
0x2e: {  	s3 =	simm.s32 @!p0 $0x1082;
	s9 =	sld [smem:$0x3FA7]  }
0x2f: {  	lr =	sadd.s32 s0, s3;
	s0 =	sld [smem:$0x3F9E]  }
0x30: {  	s3 =	sld [smem:$0x3FA1]  }
0x31: {  	[smem:$0x3FAA] =	sst s10  }
0x32: {  	s10 =	sld [smem:$0x3FA8];
	_ =	sdelay $0x3  }
0x33: {  	p0 =	seq.s32 s10, $0x1;
	s10 =	sld [smem:$0x3FAA];
	_ =	sdelay $0x3  }
0x34: {  	[smem:$0x3FAA] =	sst s10  }
0x35: {  	s10 =	sld [smem:$0x3FA9];
	_ =	sdelay $0x3  }
0x36: {  	p1 =	seq.s32 s10, $0x1;
	s10 =	sld [smem:$0x3FAA];
	_ =	sdelay $0x3  }
0x37: {  	[smem:$0x3FAA] =	sst s10  }
0x38: {  	s10 =	sld [smem:$0x3FAB]  }
0x39: {  	_ = 	snop;
	(pc) =	sbr.ind lr, $3  }
0x3a: {  	_ = 	snop  }
0x3b: {  	_ = 	snop  }
0x3c: {  	p2 =	seq.s32 s10, $0x1;
	s10 =	sld [smem:$0x3FAA]  }
0x3d: {  	_ =	shalt  }
0x3e: {  	_ =	shalt  }
0x3f: {  	_ =	shalt  }
0x40: {  	_ =	shalt  }
0x41: {  	_ =	shalt  }
0x42: {  	_ =	shalt  }
0x43: {  	_ =	shalt  }
0x44: {  	_ =	shalt  }
0x45: {  	_ =	shalt  }
0x46: {  	_ =	shalt  }
0x47: {  	_ =	shalt  }
0x48: {  	_ =	shalt  }
0x49: {  	_ =	shalt  }
0x4a: {  	_ =	shalt  }
0x4b: {  	_ =	shalt  }
0x4c: {  	_ =	shalt  }
0x4d: {  	_ =	shalt  }
0x4e: {  	_ =	shalt  }
0x4f: {  	_ =	shalt  }
0x50: {  	_ =	shalt  }
0x51: {  	_ =	shalt  }
0x52: {  	_ =	shalt  }
0x53: {  	_ =	shalt  }
0x54: {  	_ =	shalt  }
0x55: {  	_ =	shalt  }
0x56: {  	_ =	shalt  }
0x57: {  	_ =	shalt  }
0x58: {  	_ =	shalt  }
0x59: {  	_ =	shalt  }
0x5a: {  	_ =	shalt  }
0x5b: {  	_ =	shalt  }
0x5c: {  	_ =	shalt  }
0x5d: {  	_ =	shalt  }
0x5e: {  	_ =	shalt  }
0x5f: {  	_ =	shalt  }
0x60: {  	_ =	shalt  }
0x61: {  	_ =	shalt  }
0x62: {  	_ =	shalt  }
0x63: {  	_ =	shalt  }
0x64: {  	_ =	shalt  }
0x65: {  	_ =	shalt  }
0x66: {  	_ =	shalt  }
0x67: {  	_ =	shalt  }
0x68: {  	_ =	shalt  }
0x69: {  	_ =	shalt  }
0x6a: {  	_ =	shalt  }
0x6b: {  	_ =	shalt  }
0x6c: {  	_ =	shalt  }
0x6d: {  	_ =	shalt  }
0x6e: {  	_ =	shalt  }
0x6f: {  	_ =	shalt  }
0x70: {  	_ =	shalt  }
0x71: {  	_ =	shalt  }
0x72: {  	_ =	shalt  }
0x73: {  	_ =	shalt  }
0x74: {  	_ =	shalt  }
0x75: {  	_ =	shalt  }
0x76: {  	_ =	shalt  }
0x77: {  	_ =	shalt  }
0x78: {  	_ =	shalt  }
0x79: {  	_ =	shalt  }
0x7a: {  	_ =	shalt  }
0x7b: {  	_ =	shalt  }
0x7c: {  	_ =	shalt  }
0x7d: {  	_ =	shalt  }
0x7e: {  	_ =	shalt  }
0x7f: {  	_ =	shalt  }
0x80: {  	_ =	shalt  }
0x81: {  	_ =	shalt  }
0x82: {  	_ =	shalt  }
0x83: {  	_ =	shalt  }
0x84: {  	_ =	shalt  }
0x85: {  	_ =	shalt  }
0x86: {  	_ =	shalt  }
0x87: {  	_ =	shalt  }
.Lfunc_end0:
.L_simem_size_0:
called_computation.1_lowered:
.L_overlay_start_0:
0x88: {  	s2 =	sld [smem:$0x3FD9]  }
0x89: {  	s3 =	sld [smem:$0x3FFE];
	_ =	sdelay $0x1  }
0x8a: {  	s1 =	srdreg.scid  }
0x8b: {  	s0 =	sand.u32 $0x1, s1  }
0x8c: {  	s16 =	sshll.u32 s0, $0xA;
	s2 =	sadd.s32 s3, s2  }
0x8d: {  	s2 =	sadd.s32 s2, s16  }
0x8e: {  	[smem:$0x3FB6] =	sst s2  }
0x8f: {  	_ = 	snop  }
0x90: {  	(tm) =	ssettm $0x1  }
0x91: {  	s17 =	sld [smem:$0x3FFB];
	_ =	sdelay $0x3  }
0x92: {  	_ =	strace s17  }
0x93: {  	s2 =	sld [smem:$0x3FFC];
	_ =	sdelay $0x3  }
0x94: {  	_ =	strace s2  }
0x95: {  	s2 =	sld [smem:$0x3FFD];
	_ =	sdelay $0x3  }
0x96: {  	_ =	strace s2  }
0x97: {  	_ =	strace $0x8FFFFFFF  }
0x98: {  	s18 =	sld [smem:$0x3FDB];
	_ =	sdelay $0x1  }
0x99: {  	s19 =	simm.s32 $_scs_section_size  }
0x9a: {  	s4 =	simm.s32 $_size__tile_overlayer_lowered;
	s5 =	simm.s32 $_tile_overlayer_lowered  }
0x9b: {  	s22 =	simm.s32 $0x1BFF;
	s21 =	sshll.u32 s5, $0x1;
	s2 =	sadd.s32 s19, s18  }
0x9c: {  	s6 =	simm.s32 $0x0;
	s20 =	sshll.u32 s4, $0x1;
	s4 =	sadd.s32 s21, s2  }
0x9d: {  	[timem:s6], [sflag:s22] =	dma.local [hbm:s4], s20  }
0x9e: {  	_ =	swait.ge [sflag:s22], s20  }
0x9f: {  	s3 =	ssub.s32 $0x0, s20;
	[sflag:s22] =	ssyncset.done $0x0  }
0xa0: {  	[sflag:s22] =	ssyncadd.s32 s3;
	_ =	sdelay $0x1  }
0xa1: {  	s23 =	simm.s32 $0x1B8B  }
0xa2: {  	_ =	swait.ge [sflag:s23], $0x1  }
0xa3: {  	[sflag:s23] =	ssyncset.done $0x0  }
0xa4: {  	s25 =	simm.s32 $0x1B8E;
	s24 =	sld [smem:$0x3FFE];
	[sflag:s23] =	ssyncadd.s32 $0xFFFFFFFF  }
0xa5: {  	s26 =	simm.s32 $execute0_lowered;
	[smem:$0x3FD2] =	sst s25  }
0xa6: {  	s4 =	sshll.u32 s26, $0x1;
	_ =	strace $0x80000049;
	[dreg:$0x1] =	wrdreg $0xFFFFFFFF  }
0xa7: {  	s28 =	simm.s32 $_size_execute0_lowered;
	s2 =	sadd.s32 s2, s4;
	[dreg:$0x0] =	wrdreg $0x0  }
0xa8: {  	s4 =	sshll.u32 s28, $0x1;
	[dreg:$0x2] =	wrdreg s2  }
0xa9: {  	[dreg:$0x3] =	wrdreg s4  }
0xaa: {  	[dreg:$0x4] =	wrdreg $0xC0  }
0xab: {  	_ =	task [dreg:s6], $0x5FFFF  }
0xac: {  	[dreg:$0x1] =	wrdreg $0xFFFFFFFF  }
0xad: {  	[dreg:$0x0] =	wrdreg $0x60  }
0xae: {  	[dreg:$0x2] =	wrdreg s24  }
0xaf: {  	[dreg:$0x3] =	wrdreg $0x94000  }
0xb0: {  	[dreg:$0x4] =	wrdreg $0x9  }
0xb1: {  	_ =	task.clear_ibuf [dreg:s6], $0x5FFFF;
	_ =	strace $0x90000049  }
0xb2: {  	s29 =	simm.s32 $0x9;
	_ =	strace $0x8000004B  }
0xb3: {  	_ =	swait.ge [sflag:s29], $0x1  }
0xb4: {  	[sflag:s29] =	ssyncadd.s32 $0xFFFFFFFF  }
0xb5: {  	_ =	strace $0x9000004B  }
0xb6: {  	_ =	sfence  }
0xb7: {  	s30 =	sld [smem:$0x0];
	_ =	sdelay $0x2  }
0xb8: {  	s31 =	sshll.u32 s1, $0xD;
	s1 =	sshrl.u32 s1, $0x2  }
0xb9: {  	s3 =	sand.u32 $0x4000, s31;
	s1 =	sadd.s32 s1, s30  }
0xba: {  	s0 =	sor.u32 s3, s0;
	s1 =	sshll.u32 s1, $0x11  }
0xbb: {  	s0 =	sor.u32 s1, s0  }
0xbc: {  	s0 =	sadd.s32 $0x8F2B, s0  }
0xbd: {  	[sflag:s0] =	ssyncadd.remote.s32 $0x1  }
0xbe: {  	_ =	sfence.sel $0xFFFF  }
0xbf: {  	[dreg:$0x0] =	wrdreg $0xFFFFFFFF;
	(pc) =	sbr.abs _section_cstart, $3  }
0xc0: {  	[dreg:$0x1] =	wrdreg $0xFFFFFFFF  }
0xc1: {  	_ =	task.clear_ibuf [dreg:s6], $0x2FFFF;
	_ =	strace $0x9FFFFFFF  }
0xc2: {  	(tm) =	ssettm $0x7FFFFFFF  }
0xc3: {  	_ =	shalt  }
tec
execute0_lowered:
.L_overlay_start_1:
0x0: {  	(tag) =	ssettag $0x1  }
0x1: {  	s0 =	srdreg.scid;
	s4 =	rddreg [dreg:$0x0]  }
0x2: {  	s2 =	rddreg [dreg:$0x1];
	s1 =	stileid.u32  }
0x3: {  	s3 =	simm.s32 $0x0;
	s15 =	simm.s32 $0x5400;
	s16 =	simm.s32 $0x80  }
0x4: {  	s17 =	simm.s32 $0x2;
	s18 =	simm.s32 $0x1300;
	s19 =	simm.s32 $0x1380  }
0x5: {  	s5 =	sand.u32 $0x1, s0;
	s0 =	rddreg [dreg:$0x2];
	s20 =	smul.u32 $0x2780, s1  }
0x6: {  	[smem:$0x7FF] =	sst s3;
	s8 =	sadd.s32 $0x793C00, s4;
	s12 =	smul.u32 $0x4F000, s1  }
0x7: {  	s14 =	smul.u32 $0x13880, s1;
	s31 =	sshll.u32 s1, $0x6;
	s6 =	sshll.u32 s5, $0x4  }
0x8: {  	_ =	strace $0x8000004A;
	s9 =	smul.u32 $0x27800, s5;
	s11 =	ssub.s32 $0x2, s5  }
0x9: {  	s28 =	smul.u32 $0x138800, s5;
	s6 =	sor.u32 s1, s6;
	s10 =	sadd.s32 s20, s4  }
0xa: {  	s26 =	sshrl.u32 s11, $0x1;
	s12 =	sshrl.u32 s12, $0x2;
	s7 =	smul.u32 $0x280, s6  }
0xb: {  	s9 =	sadd.s32 s9, s4;
	s13 =	smul.u32 $0x13880, s6;
	s11 =	ssub.s32 s11, s26  }
0xc: {  	s6 =	smul.u32 $0x9C400, s6;
	s12 =	sadd.s32 s12, s2;
	s5 =	sadd.s32 $0x3D800, s10  }
0xd: {  	s21 =	sadd.s32 $0x65000, s9;
	s12 =	sshrl.u32 s12, $0x3;
	s7 =	sadd.s32 s7, s4  }
0xe: {  	s29 =	sshrl.u32 s6, $0x3;
	s6 =	sadd.s32 s8, s13;
	s13 =	simm.s32 $0x1400  }
0xf: {  	s20 =	sadd.s32 s20, s21;
	s21 =	simm.s32 $0x0;
	s10 =	sadd.s32 s8, s29  }
0x10: {  	s4 =	sadd.s32 $0x7000, s7;
	s8 =	sadd.s32 s28, s8;
	s7 =	sadd.s32 $0x13800, s10  }
0x11: {  	s30 =	sadd.s32 s14, s8;
	s8 =	smax.u32 s11, $0x1;
	s10 =	simm.s32 $0x3  }
0x12: {  	s11 =	sor.u32 $0x1C03, s31;
	s14 =	simm.s32 $0x1;
	s9 =	sadd.s32 $0x1000, s30  }
.LBB2_1:
0x13: {  	[tilespmem:s3], [sflag:$0x3] =	stream.linear.gather [hbm4b:s4+s3], $0x1400, $0x38;
	[tilespmem:$0x1D000] =	vst v63  }
0x14: {  	_ =	swait.ge [sflag:s10], $0x1400  }
0x15: {  	[sflag:s10] =	ssyncset.done $0x0  }
0x16: {  	[sflag:s10] =	ssyncadd.s32 $0xFFFFEC00  }
0x17: {  	[spmem:s12], [sflag:s11] =	dma.local [hbm:s5], $0x2780  }
0x18: {  	_ =	swait.ge [sflag:s10], $0x2780  }
0x19: {  	[sflag:s10] =	ssyncset.done $0x0  }
0x1a: {  	[sflag:s10] =	ssyncadd.s32 $0xFFFFD880  }
0x1b: {  	[bflag:$0x0] =	sbarrier.arrive $0xFFFF  }
0x1c: {  	[tilespmem:s13], [sflag:$0x1] =	stream.linear.gather [hbm4b:s6+s3], $0x4000, $0x38;
	[tilespmem:$0x1D000] =	vst v63  }
0x1d: {  	_ =	swait.ge [sflag:s14], $0x4000  }
0x1e: {  	[sflag:s14] =	ssyncset.done $0x0  }
0x1f: {  	s22 =	sadd.s32 $0xFFFFF800, s9;
	[sflag:s14] =	ssyncadd.s32 $0xFFFFC000  }
0x20: {  	[tilespmem:s15], [sflag:$0x2] =	stream.linear.gather [hbm4b:s22+s3], $0x4000, $0x38;
	[tilespmem:$0x1D000] =	vst v63  }
0x21: {  	s30 =	simm.s32 $0x0  }
0x22: {  	[spmem:s2] =	stream.indirect.scatter.add.f32 [tilespmem:s13], [sflag:$0x3], $0x80, s30, s16, $0xb8;
	[tilespmem:$0x1D000] =	vst v63  }
0x23: {  	_ =	swait.ge [sflag:s10], $0x4000  }
0x24: {  	[sflag:s10] =	ssyncset.done $0x0  }
0x25: {  	[sflag:s10] =	ssyncadd.s32 $0xFFFFC000  }
0x26: {  	_ =	swait.ge [sflag:s17], $0x4000  }
0x27: {  	[sflag:s17] =	ssyncset.done $0x0  }
0x28: {  	[sflag:s17] =	ssyncadd.s32 $0xFFFFC000  }
0x29: {  	[tilespmem:s13], [sflag:$0x1] =	stream.linear.gather [hbm4b:s9+s3], $0x4000, $0x38;
	[tilespmem:$0x1D000] =	vst v63  }
0x2a: {  	s31 =	simm.s32 $0x80  }
0x2b: {  	[spmem:s2] =	stream.indirect.scatter.add.f32 [tilespmem:s15], [sflag:$0x3], $0x80, s31, s16, $0xb8;
	[tilespmem:$0x1D000] =	vst v63  }
0x2c: {  	_ =	swait.ge [sflag:s10], $0x4000  }
0x2d: {  	s23 =	smov.u32 s9;
	s22 =	simm.s32 $0x400;
	[sflag:s10] =	ssyncset.done $0x0  }
.LBB2_2:
0x2e: {  	p0 =	sne.s32 s22, $0x4800;
	[sflag:s10] =	ssyncadd.s32 $0xFFFFC000;
	s23 =	sadd.s32 $0x1000, s23  }
0x2f: {  	s24 =	smov.u32 s22;
	s22 =	sadd.s32 $0x400, s22  }
0x30: {  	_ =	swait.ge [sflag:s14], $0x4000  }
0x31: {  	[sflag:s14] =	ssyncset.done $0x0  }
0x32: {  	s25 =	sadd.s32 $0xFFFFF800, s23;
	[sflag:s14] =	ssyncadd.s32 $0xFFFFC000  }
0x33: {  	[tilespmem:s15], [sflag:$0x2] =	stream.linear.gather [hbm4b:s25+s3], $0x4000, $0x38;
	[tilespmem:$0x1D000] =	vst v63  }
0x34: {  	s24 =	sshra.s32 s24, $0x2  }
0x35: {  	[spmem:s2] =	stream.indirect.scatter.add.f32 [tilespmem:s13], [sflag:$0x3], $0x80, s24, s16, $0xb8;
	[tilespmem:$0x1D000] =	vst v63  }
0x36: {  	_ =	swait.ge [sflag:s10], $0x4000  }
0x37: {  	[sflag:s10] =	ssyncset.done $0x0  }
0x38: {  	[sflag:s10] =	ssyncadd.s32 $0xFFFFC000  }
0x39: {  	_ =	swait.ge [sflag:s17], $0x4000  }
0x3a: {  	[sflag:s17] =	ssyncset.done $0x0  }
0x3b: {  	[sflag:s17] =	ssyncadd.s32 $0xFFFFC000  }
0x3c: {  	[tilespmem:s13], [sflag:$0x1] =	stream.linear.gather [hbm4b:s23+s3], $0x4000, $0x38;
	[tilespmem:$0x1D000] =	vst v63  }
.Ltmp0:
0x3d: {  	_ = 	snop;
	(pc) =	sbr.rel @p0 .LBB2_2-.Ltmp0, $4  }
0x3e: {  	s24 =	sadd.s32 $0x80, s24  }
0x3f: {  	[spmem:s2] =	stream.indirect.scatter.add.f32 [tilespmem:s15], [sflag:$0x3], $0x80, s24, s16, $0xb8;
	[tilespmem:$0x1D000] =	vst v63  }
0x40: {  	_ =	swait.ge [sflag:s10], $0x4000  }
0x41: {  	[sflag:s10] =	ssyncset.done $0x0  }
0x42: {  	[sflag:s10] =	ssyncadd.s32 $0xFFFFC000  }
0x43: {  	_ =	swait.ge [sflag:s14], $0x4000  }
0x44: {  	[sflag:s14] =	ssyncset.done $0x0  }
0x45: {  	[sflag:s14] =	ssyncadd.s32 $0xFFFFC000  }
0x46: {  	[spmem:s2] =	stream.indirect.scatter.add.f32 [tilespmem:s13], [sflag:$0x3], $0x80, s18, s16, $0xb8;
	[tilespmem:$0x1D000] =	vst v63  }
0x47: {  	_ =	swait.ge [sflag:s10], $0x4000  }
0x48: {  	[sflag:s10] =	ssyncset.done $0x0  }
0x49: {  	[sflag:s10] =	ssyncadd.s32 $0xFFFFC000  }
0x4a: {  	[tilespmem:s15], [sflag:$0x3] =	stream.linear.gather [hbm4b:s7+s3], $0x400, $0x38;
	[tilespmem:$0x1D000] =	vst v63  }
0x4b: {  	_ =	swait.ge [sflag:s10], $0x400  }
0x4c: {  	[sflag:s10] =	ssyncset.done $0x0  }
0x4d: {  	[sflag:s10] =	ssyncadd.s32 $0xFFFFFC00  }
0x4e: {  	[spmem:s2] =	stream.indirect.scatter.add.f32 [tilespmem:s15], [sflag:$0x3], $0x80, s19, s16, $0xb8;
	[tilespmem:$0x1D000] =	vst v63  }
0x4f: {  	_ =	swait.ge [sflag:s10], $0x4000  }
0x50: {  	s21 =	sadd.s32 $0x1, s21;
	[sflag:s10] =	ssyncset.done $0x0  }
0x51: {  	p0 =	sne.s32 s21, s8;
	[sflag:s10] =	ssyncadd.s32 $0xFFFFC000  }
.Ltmp1:
0x52: {  	[bflag:$0x0] =	sbarrier.arrive $0xFFFF;
	(pc) =	sbr.rel @p0 .LBB2_1-.Ltmp1, $4  }
0x53: {  	[hbm:s20], [sflag:s11] =	dma.local [spmem:s12], $0x2780  }
0x54: {  	_ =	swait.ge [sflag:s10], $0x2780  }
0x55: {  	[sflag:s10] =	ssyncset.done $0x0  }
0x56: {  	[sflag:s10] =	ssyncadd.s32 $0xFFFFD880  }
0x57: {  	_ =	sfence.sel $0x180000  }
0x58: {  	[bflag:$0x0] =	sbarrier.arrive $0xFFFF  }
0x59: {  	p0 =	sne.s32 s1, $0x0;
	_ =	strace $0x9000004A  }
0x5a: {  	s0 =	sadd.s32 @!p0 $0x100000, s0;
	[bflag:$0x2] =	sbarrier.arrive $0xFFFF  }
0x5b: {  	[sflag:s0] =	ssyncadd.tile.s32 @!p0 $0x1;
	_ =	shalt  }
.Lfunc_end2:
_tile_overlayer_lowered:
.L_overlay_start_2:
0x5c: {  	(tag) =	ssettag $0x2  }
0x5d: {  	s0 =	rddreg [dreg:$0x0];
	s2 =	stileid.u32  }
0x5e: {  	s1 =	rddreg [dreg:$0x1];
	p0 =	sne.s32 s2, $0x0  }
0x5f: {  	s3 =	rddreg [dreg:$0x2];
	[bflag:$0x3] =	sbarrier.arrive $0xFFFF;
	s2 =	simm.s32 @!p0 $0x1C03  }
0x60: {  	[timem:s3], [sflag:s2] =	dma.local @!p0 [hbm:s0], s1  }
0x61: {  	s0 =	simm.s32 @!p0 $0x3  }
0x62: {  	_ =	swait.ge @!p0 [sflag:s0], s1  }
0x63: {  	s1 =	ssub.s32 @!p0 $0x0, s1;
	[sflag:s0] =	ssyncset.done @!p0 $0x0  }
0x64: {  	[sflag:s0] =	ssyncadd.s32 @!p0 s1  }
0x65: {  	[bflag:$0x3] =	sbarrier.arrive $0xFFFF  }
0x66: {  	_ =	shalt  }

// kernel: kernel.17.cloned.1.call-start
scs
__scs_entry_jumppad:
0x0: {  	(pc) =	sbr.rel $0x88, $3  }
0x1: {  	(tag) =	ssettag $0x0;
	lr =	simm.s32 $0x1  }
0x2: {  	[smem:$0x3F8F] =	sst lr;
	_ =	strace $0xD0000000  }
0x3: {  	_ = 	snop  }
0x4: {  	_ = 	snop  }
0x5: {  	_ = 	snop  }
0x6: {  	_ = 	snop  }
0x7: {  	_ = 	snop  }
__scs_overlays_trampoline_lowered:
0x8: {  	[smem:$0x3F9E] =	sst s0  }
0x9: {  	[smem:$0x3F9F] =	sst s1  }
0xa: {  	[smem:$0x3FA0] =	sst s2  }
0xb: {  	[smem:$0x3FA1] =	sst s3  }
0xc: {  	[smem:$0x3FA2] =	sst s4  }
0xd: {  	[smem:$0x3FA3] =	sst s5  }
0xe: {  	[smem:$0x3FA4] =	sst s6  }
0xf: {  	[smem:$0x3FA5] =	sst s7  }
0x10: {  	[smem:$0x3FA6] =	sst s8  }
0x11: {  	[smem:$0x3FA7] =	sst s9;
	s0 =	simm.s32 @!p0 $0x0  }
0x12: {  	s1 =	sld [smem:$0x3F8D];
	s0 =	simm.s32 @p0 $0x1  }
0x13: {  	[smem:$0x3FA8] =	sst s0;
	s0 =	simm.s32 @!p1 $0x0  }
0x14: {  	s2 =	sld [smem:$0x3F8C];
	s0 =	simm.s32 @p1 $0x1  }
0x15: {  	[smem:$0x3FA9] =	sst s0;
	s0 =	simm.s32 @!p2 $0x0  }
0x16: {  	s3 =	sld [smem:$0x3FDB];
	s0 =	simm.s32 @p2 $0x1  }
0x17: {  	s4 =	simm.s32 $0x1BF5;
	[smem:$0x3FAB] =	sst s0  }
0x18: {  	s0 =	sld [smem:$0x3F8E];
	_ =	swait.ge [sflag:s4], $0x0  }
0x19: {  	s7 =	sld [smem:$0x3F8F]  }
0x1a: {  	s8 =	sadd.s32 $0xFFFFE003, lr  }
0x1b: {  	s9 =	sadd.s32 $0xFFFFFEF7, lr;
	s5 =	simm.s32 $0xFFFFFFFF;
	p2 =	slt.u32 s8, $0xFFFFF086  }
0x1c: {  	p1 =	slt.u32 s9, $0xF7A;
	s5 =	simm.s32 @!p2 $0x0  }
0x1d: {  	s5 =	simm.s32 @p1 $0x1;
	p0 =	seq.s32 s7, s2  }
0x1e: {  	s7 =	smul.u32 @!p0 $0xF7A, s2;
	p2 =	seq.s32 @!p0 s5, $0x0  }
0x1f: {  	s9 =	smul.u32 $0xF7A, s1;
	s8 =	simm.s32 @!p0 $0x1BF5;
	p2 =	por !p2, p0  }
0x20: {  	[sflag:s8] =	ssyncset.s32 @!p0 $0xFFFFF086;
	s6 =	sadd.s32 @!p0 s3, s7;
	s7 =	simm.s32 @!p0 $0x108  }
0x21: {  	s3 =	sadd.s32 s3, s9;
	s6 =	sadd.s32 @!p0 $0x88, s6;
	s7 =	simm.s32 @p2 $0x1082  }
0x22: {  	[simem:s7], [sflag:s8] =	dma.local @!p0 [hbm:s6], $0xF7A  }
0x23: {  	s9 =	sor.u32 $0xD0000000, s2;
	s6 =	simm.s32 $0x108;
	_ =	swait.ge @!p0 [sflag:s8], $0x0  }
0x24: {  	s3 =	sadd.s32 $0x88, s3;
	s6 =	simm.s32 @!p1 $0x1082;
	[sflag:s4] =	ssyncset.s32 $0xFFFFF086  }
0x25: {  	[simem:s6], [sflag:s4] =	dma.local [hbm:s3], $0xF7A  }
0x26: {  	[smem:$0x3F8F] =	sst s1;
	(tag) =	ssettag s2;
	_ =	strace s9  }
0x27: {  	s1 =	sld [smem:$0x3F9F]  }
0x28: {  	s2 =	sld [smem:$0x3FA0]  }
0x29: {  	s4 =	sld [smem:$0x3FA2]  }
0x2a: {  	p0 =	seq.s32 s5, $0x0;
	s5 =	sld [smem:$0x3FA3]  }
0x2b: {  	s6 =	sld [smem:$0x3FA4]  }
0x2c: {  	s7 =	sld [smem:$0x3FA5]  }
0x2d: {  	s3 =	simm.s32 $0x108;
	s8 =	sld [smem:$0x3FA6]  }
0x2e: {  	s3 =	simm.s32 @!p0 $0x1082;
	s9 =	sld [smem:$0x3FA7]  }
0x2f: {  	lr =	sadd.s32 s0, s3;
	s0 =	sld [smem:$0x3F9E]  }
0x30: {  	s3 =	sld [smem:$0x3FA1]  }
0x31: {  	[smem:$0x3FAA] =	sst s10  }
0x32: {  	s10 =	sld [smem:$0x3FA8];
	_ =	sdelay $0x3  }
0x33: {  	p0 =	seq.s32 s10, $0x1;
	s10 =	sld [smem:$0x3FAA];
	_ =	sdelay $0x3  }
0x34: {  	[smem:$0x3FAA] =	sst s10  }
0x35: {  	s10 =	sld [smem:$0x3FA9];
	_ =	sdelay $0x3  }
0x36: {  	p1 =	seq.s32 s10, $0x1;
	s10 =	sld [smem:$0x3FAA];
	_ =	sdelay $0x3  }
0x37: {  	[smem:$0x3FAA] =	sst s10  }
0x38: {  	s10 =	sld [smem:$0x3FAB]  }
0x39: {  	_ = 	snop;
	(pc) =	sbr.ind lr, $3  }
0x3a: {  	_ = 	snop  }
0x3b: {  	_ = 	snop  }
0x3c: {  	p2 =	seq.s32 s10, $0x1;
	s10 =	sld [smem:$0x3FAA]  }
0x3d: {  	_ =	shalt  }
0x3e: {  	_ =	shalt  }
0x3f: {  	_ =	shalt  }
0x40: {  	_ =	shalt  }
0x41: {  	_ =	shalt  }
0x42: {  	_ =	shalt  }
0x43: {  	_ =	shalt  }
0x44: {  	_ =	shalt  }
0x45: {  	_ =	shalt  }
0x46: {  	_ =	shalt  }
0x47: {  	_ =	shalt  }
0x48: {  	_ =	shalt  }
0x49: {  	_ =	shalt  }
0x4a: {  	_ =	shalt  }
0x4b: {  	_ =	shalt  }
0x4c: {  	_ =	shalt  }
0x4d: {  	_ =	shalt  }
0x4e: {  	_ =	shalt  }
0x4f: {  	_ =	shalt  }
0x50: {  	_ =	shalt  }
0x51: {  	_ =	shalt  }
0x52: {  	_ =	shalt  }
0x53: {  	_ =	shalt  }
0x54: {  	_ =	shalt  }
0x55: {  	_ =	shalt  }
0x56: {  	_ =	shalt  }
0x57: {  	_ =	shalt  }
0x58: {  	_ =	shalt  }
0x59: {  	_ =	shalt  }
0x5a: {  	_ =	shalt  }
0x5b: {  	_ =	shalt  }
0x5c: {  	_ =	shalt  }
0x5d: {  	_ =	shalt  }
0x5e: {  	_ =	shalt  }
0x5f: {  	_ =	shalt  }
0x60: {  	_ =	shalt  }
0x61: {  	_ =	shalt  }
0x62: {  	_ =	shalt  }
0x63: {  	_ =	shalt  }
0x64: {  	_ =	shalt  }
0x65: {  	_ =	shalt  }
0x66: {  	_ =	shalt  }
0x67: {  	_ =	shalt  }
0x68: {  	_ =	shalt  }
0x69: {  	_ =	shalt  }
0x6a: {  	_ =	shalt  }
0x6b: {  	_ =	shalt  }
0x6c: {  	_ =	shalt  }
0x6d: {  	_ =	shalt  }
0x6e: {  	_ =	shalt  }
0x6f: {  	_ =	shalt  }
0x70: {  	_ =	shalt  }
0x71: {  	_ =	shalt  }
0x72: {  	_ =	shalt  }
0x73: {  	_ =	shalt  }
0x74: {  	_ =	shalt  }
0x75: {  	_ =	shalt  }
0x76: {  	_ =	shalt  }
0x77: {  	_ =	shalt  }
0x78: {  	_ =	shalt  }
0x79: {  	_ =	shalt  }
0x7a: {  	_ =	shalt  }
0x7b: {  	_ =	shalt  }
0x7c: {  	_ =	shalt  }
0x7d: {  	_ =	shalt  }
0x7e: {  	_ =	shalt  }
0x7f: {  	_ =	shalt  }
0x80: {  	_ =	shalt  }
0x81: {  	_ =	shalt  }
0x82: {  	_ =	shalt  }
0x83: {  	_ =	shalt  }
0x84: {  	_ =	shalt  }
0x85: {  	_ =	shalt  }
0x86: {  	_ =	shalt  }
0x87: {  	_ =	shalt  }
.Lfunc_end0:
.L_simem_size_0:
called_computation.2_lowered:
.L_overlay_start_0:
0x88: {  	s2 =	sld [smem:$0x3FD9]  }
0x89: {  	s3 =	sld [smem:$0x3FFE];
	_ =	sdelay $0x1  }
0x8a: {  	s1 =	srdreg.scid  }
0x8b: {  	s0 =	sand.u32 $0x1, s1  }
0x8c: {  	s16 =	sshll.u32 s0, $0xA;
	s2 =	sadd.s32 s3, s2  }
0x8d: {  	s2 =	sadd.s32 s2, s16  }
0x8e: {  	[smem:$0x3FB6] =	sst s2  }
0x8f: {  	_ = 	snop  }
0x90: {  	(tm) =	ssettm $0x1  }
0x91: {  	s17 =	sld [smem:$0x3FFB];
	_ =	sdelay $0x3  }
0x92: {  	_ =	strace s17  }
0x93: {  	s2 =	sld [smem:$0x3FFC];
	_ =	sdelay $0x3  }
0x94: {  	_ =	strace s2  }
0x95: {  	s2 =	sld [smem:$0x3FFD];
	_ =	sdelay $0x3  }
0x96: {  	_ =	strace s2  }
0x97: {  	_ =	strace $0x8FFFFFFF  }
0x98: {  	s18 =	sld [smem:$0x3FDB];
	_ =	sdelay $0x1  }
0x99: {  	s19 =	simm.s32 $_scs_section_size  }
0x9a: {  	s4 =	simm.s32 $_size__tile_overlayer_lowered;
	s5 =	simm.s32 $_tile_overlayer_lowered  }
0x9b: {  	s22 =	simm.s32 $0x1BFF;
	s21 =	sshll.u32 s5, $0x1;
	s2 =	sadd.s32 s19, s18  }
0x9c: {  	s6 =	simm.s32 $0x0;
	s20 =	sshll.u32 s4, $0x1;
	s4 =	sadd.s32 s21, s2  }
0x9d: {  	[timem:s6], [sflag:s22] =	dma.local [hbm:s4], s20  }
0x9e: {  	_ =	swait.ge [sflag:s22], s20  }
0x9f: {  	s3 =	ssub.s32 $0x0, s20;
	[sflag:s22] =	ssyncset.done $0x0  }
0xa0: {  	[sflag:s22] =	ssyncadd.s32 s3;
	_ =	sdelay $0x1  }
0xa1: {  	s23 =	simm.s32 $0x1B8B  }
0xa2: {  	_ =	swait.ge [sflag:s23], $0x1  }
0xa3: {  	[sflag:s23] =	ssyncset.done $0x0  }
0xa4: {  	s25 =	simm.s32 $0x1B8E;
	s24 =	sld [smem:$0x3FFE];
	[sflag:s23] =	ssyncadd.s32 $0xFFFFFFFF  }
0xa5: {  	s26 =	simm.s32 $execute0_lowered;
	[smem:$0x3FD2] =	sst s25  }
0xa6: {  	s4 =	sshll.u32 s26, $0x1;
	_ =	strace $0x8000004C;
	[dreg:$0x1] =	wrdreg $0xFFFFFFFF  }
0xa7: {  	s28 =	simm.s32 $_size_execute0_lowered;
	s2 =	sadd.s32 s2, s4;
	[dreg:$0x0] =	wrdreg $0x0  }
0xa8: {  	s4 =	sshll.u32 s28, $0x1;
	[dreg:$0x2] =	wrdreg s2  }
0xa9: {  	[dreg:$0x3] =	wrdreg s4  }
0xaa: {  	[dreg:$0x4] =	wrdreg $0xC0  }
0xab: {  	_ =	task [dreg:s6], $0x5FFFF  }
0xac: {  	[dreg:$0x1] =	wrdreg $0xFFFFFFFF  }
0xad: {  	[dreg:$0x0] =	wrdreg $0x60  }
0xae: {  	[dreg:$0x2] =	wrdreg s24  }
0xaf: {  	[dreg:$0x3] =	wrdreg $0xA8000  }
0xb0: {  	[dreg:$0x4] =	wrdreg $0x9  }
0xb1: {  	_ =	task.clear_ibuf [dreg:s6], $0x5FFFF;
	_ =	strace $0x9000004C  }
0xb2: {  	s29 =	simm.s32 $0x9;
	_ =	strace $0x8000004E  }
0xb3: {  	_ =	swait.ge [sflag:s29], $0x1  }
0xb4: {  	[sflag:s29] =	ssyncadd.s32 $0xFFFFFFFF  }
0xb5: {  	_ =	strace $0x9000004E  }
0xb6: {  	_ =	sfence  }
0xb7: {  	s30 =	sld [smem:$0x0];
	_ =	sdelay $0x2  }
0xb8: {  	s31 =	sshll.u32 s1, $0xD;
	s1 =	sshrl.u32 s1, $0x2  }
0xb9: {  	s3 =	sand.u32 $0x4000, s31;
	s1 =	sadd.s32 s1, s30  }
0xba: {  	s0 =	sor.u32 s3, s0;
	s1 =	sshll.u32 s1, $0x11  }
0xbb: {  	s0 =	sor.u32 s1, s0  }
0xbc: {  	s0 =	sadd.s32 $0x8F2B, s0  }
0xbd: {  	[sflag:s0] =	ssyncadd.remote.s32 $0x1  }
0xbe: {  	_ =	sfence.sel $0xFFFF  }
0xbf: {  	[dreg:$0x0] =	wrdreg $0xFFFFFFFF;
	(pc) =	sbr.abs _section_cstart, $3  }
0xc0: {  	[dreg:$0x1] =	wrdreg $0xFFFFFFFF  }
0xc1: {  	_ =	task.clear_ibuf [dreg:s6], $0x2FFFF;
	_ =	strace $0x9FFFFFFF  }
0xc2: {  	(tm) =	ssettm $0x7FFFFFFF  }
0xc3: {  	_ =	shalt  }
tec
execute0_lowered:
.L_overlay_start_1:
0x0: {  	(tag) =	ssettag $0x1  }
0x1: {  	s0 =	srdreg.scid  }
0x2: {  	s1 =	rddreg [dreg:$0x0];
	s17 =	stileid.u32  }
0x3: {  	s2 =	rddreg [dreg:$0x1];
	s18 =	simm.s32 $0x1400;
	s4 =	smul.u32 $0x2780, s17  }
0x4: {  	s21 =	simm.s32 $0x80;
	s22 =	simm.s32 $0x2800;
	s7 =	smul.u32 $0x4F000, s17  }
0x5: {  	s23 =	simm.s32 $0x1;
	s29 =	simm.s32 $0x0;
	s14 =	smul.u32 $0x9C400, s17  }
0x6: {  	s0 =	sand.u32 $0x1, s0;
	s16 =	sadd.s32 $0x793C00, s1;
	s15 =	smul.u32 $0x13880, s17  }
0x7: {  	s11 =	sadd.s32 $0xA04C00, s1;
	s31 =	sshll.u32 s17, $0x6;
	s13 =	smul.u32 $0x9C4000, s0  }
0x8: {  	s3 =	sshll.u32 s0, $0x4;
	s25 =	ssub.s32 $0x2, s0;
	s0 =	smul.u32 $0x138800, s0  }
0x9: {  	s19 =	sor.u32 $0x1C03, s31;
	s5 =	sor.u32 s17, s3;
	s3 =	simm.s32 $0x0  }
0xa: {  	s8 =	sadd.s32 s4, s1;
	s9 =	sshrl.u32 s25, $0x1;
	s26 =	sshrl.u32 s7, $0x2  }
0xb: {  	s17 =	simm.s32 $0x3;
	s6 =	smul.u32 $0x1400, s5;
	[smem:$0x7FF] =	sst s3  }
0xc: {  	s10 =	smul.u32 $0x9C400, s5;
	s12 =	ssub.s32 s25, s9;
	s20 =	sadd.s32 s26, s2  }
0xd: {  	s8 =	sadd.s32 $0x16000, s8;
	s30 =	sadd.s32 s14, s13;
	s0 =	sadd.s32 s15, s0  }
0xe: {  	s25 =	simm.s32 $0x2;
	_ =	strace $0x8000004D;
	s12 =	smax.u32 s12, $0x1  }
0xf: {  	s13 =	sshrl.u32 s30, $0x3;
	s14 =	sadd.s32 $0x800, s0;
	s20 =	sshrl.u32 s20, $0x3  }
0x10: {  	s24 =	sshrl.u32 s6, $0x3;
	s28 =	sshrl.u32 s10, $0x3;
	s15 =	sadd.s32 s13, s16  }
0x11: {  	s6 =	sadd.s32 s24, s1;
	s7 =	sadd.s32 $0x13800, s28;
	s24 =	simm.s32 $0x6800  }
0x12: {  	s4 =	sadd.s32 $0xC000, s6;
	s5 =	sadd.s32 $0x11000, s6;
	s6 =	sadd.s32 $0x13000, s28  }
0x13: {  	s10 =	sadd.s32 s16, s7;
	s9 =	sadd.s32 s16, s6;
	s16 =	sadd.s32 s16, s14  }
.LBB2_1:
0x14: {  	[tilespmem:s3], [sflag:$0x3] =	stream.linear.gather [hbm4b:s4+s3], $0x1400, $0x38;
	[tilespmem:$0x1E400] =	vst v63  }
0x15: {  	_ =	swait.ge [sflag:s17], $0x1400  }
0x16: {  	[sflag:s17] =	ssyncset.done $0x0  }
0x17: {  	[sflag:s17] =	ssyncadd.s32 $0xFFFFEC00  }
0x18: {  	[tilespmem:s18], [sflag:$0x3] =	stream.linear.gather [hbm4b:s5+s3], $0x1400, $0x38;
	[tilespmem:$0x1E400] =	vst v63  }
0x19: {  	_ =	swait.ge [sflag:s17], $0x1400  }
0x1a: {  	[sflag:s17] =	ssyncset.done $0x0  }
0x1b: {  	[sflag:s17] =	ssyncadd.s32 $0xFFFFEC00  }
0x1c: {  	[spmem:s20], [sflag:s19] =	dma.local [hbm:s8], $0x2780  }
0x1d: {  	_ =	swait.ge [sflag:s17], $0x2780  }
0x1e: {  	[sflag:s17] =	ssyncset.done $0x0  }
0x1f: {  	[sflag:s17] =	ssyncadd.s32 $0xFFFFD880  }
0x20: {  	[bflag:$0x0] =	sbarrier.arrive $0xFFFF  }
0x21: {  	[tilespmem:s22], [sflag:$0x1] =	stream.indirect.gather [spmem:s2], $0x80, s3, s21, $0xb8;
	[tilespmem:$0x1E400] =	vst v63  }
0x22: {  	_ =	swait.ge [sflag:s23], $0x4000  }
0x23: {  	[sflag:s23] =	ssyncset.done $0x0  }
0x24: {  	s0 =	simm.s32 $0x80;
	[sflag:s23] =	ssyncadd.s32 $0xFFFFC000  }
0x25: {  	[tilespmem:s24], [sflag:$0x2] =	stream.indirect.gather [spmem:s2], $0x80, s0, s21, $0xb8;
	[tilespmem:$0x1E400] =	vst v63  }
0x26: {  	s28 =	sadd.s32 $0x0, s15  }
0x27: {  	[hbm4b:s28+s3] =	stream.linear.scatter [tilespmem:s22], [sflag:$0x3], $0x4000, $0x38;
	[tilespmem:$0x1E400] =	vst v63  }
0x28: {  	_ =	swait.ge [sflag:s17], $0x4000  }
0x29: {  	[sflag:s17] =	ssyncset.done $0x0  }
0x2a: {  	[sflag:s17] =	ssyncadd.s32 $0xFFFFC000  }
0x2b: {  	_ =	swait.ge [sflag:s25], $0x4000  }
0x2c: {  	[sflag:s25] =	ssyncset.done $0x0  }
0x2d: {  	s30 =	simm.s32 $0x100;
	[sflag:s25] =	ssyncadd.s32 $0xFFFFC000  }
0x2e: {  	[tilespmem:s22], [sflag:$0x1] =	stream.indirect.gather [spmem:s2], $0x80, s30, s21, $0xb8;
	[tilespmem:$0x1E400] =	vst v63  }
0x2f: {  	s31 =	sadd.s32 $0x0, s16  }
0x30: {  	[hbm4b:s31+s3] =	stream.linear.scatter [tilespmem:s24], [sflag:$0x3], $0x4000, $0x38;
	[tilespmem:$0x1E400] =	vst v63  }
0x31: {  	_ =	swait.ge [sflag:s17], $0x4000  }
0x32: {  	s1 =	simm.s32 $0x1000;
	[sflag:s17] =	ssyncset.done $0x0  }
.LBB2_2:
0x33: {  	p0 =	sne.s32 s1, $0x12000;
	[sflag:s17] =	ssyncadd.s32 $0xFFFFC000;
	s30 =	sadd.s32 $0x100, s30  }
0x34: {  	s0 =	smov.u32 s1;
	s1 =	sadd.s32 $0x1000, s1  }
0x35: {  	_ =	swait.ge [sflag:s23], $0x4000  }
0x36: {  	[sflag:s23] =	ssyncset.done $0x0  }
0x37: {  	s31 =	sadd.s32 $0xFFFFFF80, s30;
	[sflag:s23] =	ssyncadd.s32 $0xFFFFC000  }
0x38: {  	[tilespmem:s24], [sflag:$0x2] =	stream.indirect.gather [spmem:s2], $0x80, s31, s21, $0xb8;
	[tilespmem:$0x1E400] =	vst v63  }
0x39: {  	s31 =	sadd.s32 s0, s15  }
0x3a: {  	[hbm4b:s31+s3] =	stream.linear.scatter [tilespmem:s22], [sflag:$0x3], $0x4000, $0x38;
	[tilespmem:$0x1E400] =	vst v63  }
0x3b: {  	_ =	swait.ge [sflag:s17], $0x4000  }
0x3c: {  	[sflag:s17] =	ssyncset.done $0x0  }
0x3d: {  	[sflag:s17] =	ssyncadd.s32 $0xFFFFC000  }
0x3e: {  	_ =	swait.ge [sflag:s25], $0x4000  }
0x3f: {  	[sflag:s25] =	ssyncset.done $0x0  }
0x40: {  	[sflag:s25] =	ssyncadd.s32 $0xFFFFC000  }
0x41: {  	[tilespmem:s22], [sflag:$0x1] =	stream.indirect.gather [spmem:s2], $0x80, s30, s21, $0xb8;
	[tilespmem:$0x1E400] =	vst v63  }
.Ltmp0:
0x42: {  	_ = 	snop;
	(pc) =	sbr.rel @p0 .LBB2_2-.Ltmp0, $4  }
0x43: {  	s0 =	sadd.s32 s0, s16  }
0x44: {  	[hbm4b:s0+s3] =	stream.linear.scatter [tilespmem:s24], [sflag:$0x3], $0x4000, $0x38;
	[tilespmem:$0x1E400] =	vst v63  }
0x45: {  	_ =	swait.ge [sflag:s17], $0x4000  }
0x46: {  	[sflag:s17] =	ssyncset.done $0x0  }
0x47: {  	[sflag:s17] =	ssyncadd.s32 $0xFFFFC000  }
0x48: {  	_ =	swait.ge [sflag:s23], $0x4000  }
0x49: {  	[sflag:s23] =	ssyncset.done $0x0  }
0x4a: {  	s0 =	simm.s32 $0x0;
	[sflag:s23] =	ssyncadd.s32 $0xFFFFC000  }
0x4b: {  	[hbm4b:s9+s0] =	stream.linear.scatter [tilespmem:s22], [sflag:$0x3], $0x4000, $0x38;
	[tilespmem:$0x1E400] =	vst v63  }
0x4c: {  	_ =	swait.ge [sflag:s17], $0x4000  }
0x4d: {  	[sflag:s17] =	ssyncset.done $0x0  }
0x4e: {  	s1 =	simm.s32 $0x1380;
	[sflag:s17] =	ssyncadd.s32 $0xFFFFC000  }
0x4f: {  	[tilespmem:s24], [sflag:$0x3] =	stream.indirect.gather [spmem:s2], $0x80, s1, s21, $0xb8;
	[tilespmem:$0x1E400] =	vst v63  }
0x50: {  	_ =	swait.ge [sflag:s17], $0x4000  }
0x51: {  	[sflag:s17] =	ssyncset.done $0x0  }
0x52: {  	[sflag:s17] =	ssyncadd.s32 $0xFFFFC000  }
0x53: {  	[hbm4b:s10+s0] =	stream.linear.scatter [tilespmem:s24], [sflag:$0x3], $0x400, $0x38;
	[tilespmem:$0x1E400] =	vst v63  }
0x54: {  	_ =	swait.ge [sflag:s17], $0x400  }
0x55: {  	[sflag:s17] =	ssyncset.done $0x0  }
0x56: {  	[sflag:s17] =	ssyncadd.s32 $0xFFFFFC00  }
0x57: {  	[tilespmem:s22], [sflag:$0x1] =	stream.indirect.gather [spmem:s2], $0x80, s18, s21, $0xb8;
	[tilespmem:$0x1E400] =	vst v63  }
0x58: {  	_ =	swait.ge [sflag:s23], $0x4000  }
0x59: {  	[sflag:s23] =	ssyncset.done $0x0  }
0x5a: {  	s30 =	sadd.s32 s11, s13;
	s1 =	simm.s32 $0x1480;
	[sflag:s23] =	ssyncadd.s32 $0xFFFFC000  }
0x5b: {  	[tilespmem:s24], [sflag:$0x2] =	stream.indirect.gather [spmem:s2], $0x80, s1, s21, $0xb8;
	[tilespmem:$0x1E400] =	vst v63  }
0x5c: {  	s26 =	sadd.s32 $0x0, s30  }
0x5d: {  	[hbm4b:s26+s3] =	stream.linear.scatter [tilespmem:s22], [sflag:$0x3], $0x4000, $0x38;
	[tilespmem:$0x1E400] =	vst v63  }
0x5e: {  	_ =	swait.ge [sflag:s17], $0x4000  }
0x5f: {  	[sflag:s17] =	ssyncset.done $0x0  }
0x60: {  	[sflag:s17] =	ssyncadd.s32 $0xFFFFC000  }
0x61: {  	_ =	swait.ge [sflag:s25], $0x4000  }
0x62: {  	[sflag:s25] =	ssyncset.done $0x0  }
0x63: {  	s31 =	simm.s32 $0x1500;
	s1 =	sadd.s32 s11, s14;
	[sflag:s25] =	ssyncadd.s32 $0xFFFFC000  }
0x64: {  	[tilespmem:s22], [sflag:$0x1] =	stream.indirect.gather [spmem:s2], $0x80, s31, s21, $0xb8;
	[tilespmem:$0x1E400] =	vst v63  }
0x65: {  	s28 =	sadd.s32 $0x0, s1  }
0x66: {  	[hbm4b:s28+s3] =	stream.linear.scatter [tilespmem:s24], [sflag:$0x3], $0x4000, $0x38;
	[tilespmem:$0x1E400] =	vst v63  }
0x67: {  	_ =	swait.ge [sflag:s17], $0x4000  }
0x68: {  	s0 =	simm.s32 $0x1000;
	[sflag:s17] =	ssyncset.done $0x0  }
.LBB2_4:
0x69: {  	p0 =	sne.s32 s0, $0x12000;
	[sflag:s17] =	ssyncadd.s32 $0xFFFFC000;
	s31 =	sadd.s32 $0x100, s31  }
0x6a: {  	s26 =	smov.u32 s0;
	s0 =	sadd.s32 $0x1000, s0  }
0x6b: {  	_ =	swait.ge [sflag:s23], $0x4000  }
0x6c: {  	[sflag:s23] =	ssyncset.done $0x0  }
0x6d: {  	s28 =	sadd.s32 $0xFFFFFF80, s31;
	[sflag:s23] =	ssyncadd.s32 $0xFFFFC000  }
0x6e: {  	[tilespmem:s24], [sflag:$0x2] =	stream.indirect.gather [spmem:s2], $0x80, s28, s21, $0xb8;
	[tilespmem:$0x1E400] =	vst v63  }
0x6f: {  	s28 =	sadd.s32 s26, s30  }
0x70: {  	[hbm4b:s28+s3] =	stream.linear.scatter [tilespmem:s22], [sflag:$0x3], $0x4000, $0x38;
	[tilespmem:$0x1E400] =	vst v63  }
0x71: {  	_ =	swait.ge [sflag:s17], $0x4000  }
0x72: {  	[sflag:s17] =	ssyncset.done $0x0  }
0x73: {  	[sflag:s17] =	ssyncadd.s32 $0xFFFFC000  }
0x74: {  	_ =	swait.ge [sflag:s25], $0x4000  }
0x75: {  	[sflag:s25] =	ssyncset.done $0x0  }
0x76: {  	[sflag:s25] =	ssyncadd.s32 $0xFFFFC000  }
0x77: {  	[tilespmem:s22], [sflag:$0x1] =	stream.indirect.gather [spmem:s2], $0x80, s31, s21, $0xb8;
	[tilespmem:$0x1E400] =	vst v63  }
.Ltmp1:
0x78: {  	_ = 	snop;
	(pc) =	sbr.rel @p0 .LBB2_4-.Ltmp1, $4  }
0x79: {  	s26 =	sadd.s32 s26, s1  }
0x7a: {  	[hbm4b:s26+s3] =	stream.linear.scatter [tilespmem:s24], [sflag:$0x3], $0x4000, $0x38;
	[tilespmem:$0x1E400] =	vst v63  }
0x7b: {  	_ =	swait.ge [sflag:s17], $0x4000  }
0x7c: {  	[sflag:s17] =	ssyncset.done $0x0  }
0x7d: {  	[sflag:s17] =	ssyncadd.s32 $0xFFFFC000  }
0x7e: {  	_ =	swait.ge [sflag:s23], $0x4000  }
0x7f: {  	[sflag:s23] =	ssyncset.done $0x0  }
0x80: {  	s0 =	sadd.s32 s6, s11;
	[sflag:s23] =	ssyncadd.s32 $0xFFFFC000  }
0x81: {  	[hbm4b:s0+s3] =	stream.linear.scatter [tilespmem:s22], [sflag:$0x3], $0x4000, $0x38;
	[tilespmem:$0x1E400] =	vst v63  }
0x82: {  	_ =	swait.ge [sflag:s17], $0x4000  }
0x83: {  	[sflag:s17] =	ssyncset.done $0x0  }
0x84: {  	s30 =	simm.s32 $0x2780;
	[sflag:s17] =	ssyncadd.s32 $0xFFFFC000  }
0x85: {  	[tilespmem:s24], [sflag:$0x3] =	stream.indirect.gather [spmem:s2], $0x80, s30, s21, $0xb8;
	[tilespmem:$0x1E400] =	vst v63  }
0x86: {  	s29 =	sadd.s32 $0x1, s29;
	_ =	swait.ge [sflag:s17], $0x4000  }
0x87: {  	p0 =	sne.s32 s29, s12;
	[sflag:s17] =	ssyncset.done $0x0  }
.Ltmp2:
0x88: {  	s31 =	sadd.s32 s7, s11;
	[sflag:s17] =	ssyncadd.s32 $0xFFFFC000;
	(pc) =	sbr.rel @p0 .LBB2_1-.Ltmp2, $4  }
0x89: {  	[hbm4b:s31+s3] =	stream.linear.scatter [tilespmem:s24], [sflag:$0x3], $0x400, $0x38;
	[tilespmem:$0x1E400] =	vst v63  }
0x8a: {  	_ =	swait.ge [sflag:s17], $0x400  }
0x8b: {  	[sflag:s17] =	ssyncset.done $0x0  }
0x8c: {  	[sflag:s17] =	ssyncadd.s32 $0xFFFFFC00  }
0x8d: {  	_ =	sfence.sel $0x180000  }
0x8e: {  	[bflag:$0x0] =	sbarrier.arrive $0xFFFF  }
0x8f: {  	_ =	strace $0x9000004D  }
0x90: {  	s0 =	stileid.u32;
	[bflag:$0x2] =	sbarrier.arrive $0xFFFF  }
0x91: {  	p0 =	sne.s32 s0, $0x0;
	s0 =	rddreg [dreg:$0x2]  }
0x92: {  	s0 =	sadd.s32 @!p0 $0x100000, s0  }
0x93: {  	[sflag:s0] =	ssyncadd.tile.s32 @!p0 $0x1;
	_ =	shalt  }
.Lfunc_end2:
_tile_overlayer_lowered:
.L_overlay_start_2:
0x94: {  	(tag) =	ssettag $0x2  }
0x95: {  	s0 =	rddreg [dreg:$0x0];
	s2 =	stileid.u32  }
0x96: {  	s1 =	rddreg [dreg:$0x1];
	p0 =	sne.s32 s2, $0x0  }
0x97: {  	s3 =	rddreg [dreg:$0x2];
	[bflag:$0x3] =	sbarrier.arrive $0xFFFF;
	s2 =	simm.s32 @!p0 $0x1C03  }
0x98: {  	[timem:s3], [sflag:s2] =	dma.local @!p0 [hbm:s0], s1  }
0x99: {  	s0 =	simm.s32 @!p0 $0x3  }
0x9a: {  	_ =	swait.ge @!p0 [sflag:s0], s1  }
0x9b: {  	s1 =	ssub.s32 @!p0 $0x0, s1;
	[sflag:s0] =	ssyncset.done @!p0 $0x0  }
0x9c: {  	[sflag:s0] =	ssyncadd.s32 @!p0 s1  }
0x9d: {  	[bflag:$0x3] =	sbarrier.arrive $0xFFFF  }
0x9e: {  	_ =	shalt  }

// kernel: kernel.20.cloned.1.call-start
scs
__scs_entry_jumppad:
0x0: {  	(pc) =	sbr.rel $0x88, $3  }
0x1: {  	(tag) =	ssettag $0x0;
	lr =	simm.s32 $0x1  }
0x2: {  	[smem:$0x3F8F] =	sst lr;
	_ =	strace $0xD0000000  }
0x3: {  	_ = 	snop  }
0x4: {  	_ = 	snop  }
0x5: {  	_ = 	snop  }
0x6: {  	_ = 	snop  }
0x7: {  	_ = 	snop  }
__scs_overlays_trampoline_lowered:
0x8: {  	[smem:$0x3F9E] =	sst s0  }
0x9: {  	[smem:$0x3F9F] =	sst s1  }
0xa: {  	[smem:$0x3FA0] =	sst s2  }
0xb: {  	[smem:$0x3FA1] =	sst s3  }
0xc: {  	[smem:$0x3FA2] =	sst s4  }
0xd: {  	[smem:$0x3FA3] =	sst s5  }
0xe: {  	[smem:$0x3FA4] =	sst s6  }
0xf: {  	[smem:$0x3FA5] =	sst s7  }
0x10: {  	[smem:$0x3FA6] =	sst s8  }
0x11: {  	[smem:$0x3FA7] =	sst s9;
	s0 =	simm.s32 @!p0 $0x0  }
0x12: {  	s1 =	sld [smem:$0x3F8D];
	s0 =	simm.s32 @p0 $0x1  }
0x13: {  	[smem:$0x3FA8] =	sst s0;
	s0 =	simm.s32 @!p1 $0x0  }
0x14: {  	s2 =	sld [smem:$0x3F8C];
	s0 =	simm.s32 @p1 $0x1  }
0x15: {  	[smem:$0x3FA9] =	sst s0;
	s0 =	simm.s32 @!p2 $0x0  }
0x16: {  	s3 =	sld [smem:$0x3FDB];
	s0 =	simm.s32 @p2 $0x1  }
0x17: {  	s4 =	simm.s32 $0x1BF5;
	[smem:$0x3FAB] =	sst s0  }
0x18: {  	s0 =	sld [smem:$0x3F8E];
	_ =	swait.ge [sflag:s4], $0x0  }
0x19: {  	s7 =	sld [smem:$0x3F8F]  }
0x1a: {  	s8 =	sadd.s32 $0xFFFFE003, lr  }
0x1b: {  	s9 =	sadd.s32 $0xFFFFFEF7, lr;
	s5 =	simm.s32 $0xFFFFFFFF;
	p2 =	slt.u32 s8, $0xFFFFF086  }
0x1c: {  	p1 =	slt.u32 s9, $0xF7A;
	s5 =	simm.s32 @!p2 $0x0  }
0x1d: {  	s5 =	simm.s32 @p1 $0x1;
	p0 =	seq.s32 s7, s2  }
0x1e: {  	s7 =	smul.u32 @!p0 $0xF7A, s2;
	p2 =	seq.s32 @!p0 s5, $0x0  }
0x1f: {  	s9 =	smul.u32 $0xF7A, s1;
	s8 =	simm.s32 @!p0 $0x1BF5;
	p2 =	por !p2, p0  }
0x20: {  	[sflag:s8] =	ssyncset.s32 @!p0 $0xFFFFF086;
	s6 =	sadd.s32 @!p0 s3, s7;
	s7 =	simm.s32 @!p0 $0x108  }
0x21: {  	s3 =	sadd.s32 s3, s9;
	s6 =	sadd.s32 @!p0 $0x88, s6;
	s7 =	simm.s32 @p2 $0x1082  }
0x22: {  	[simem:s7], [sflag:s8] =	dma.local @!p0 [hbm:s6], $0xF7A  }
0x23: {  	s9 =	sor.u32 $0xD0000000, s2;
	s6 =	simm.s32 $0x108;
	_ =	swait.ge @!p0 [sflag:s8], $0x0  }
0x24: {  	s3 =	sadd.s32 $0x88, s3;
	s6 =	simm.s32 @!p1 $0x1082;
	[sflag:s4] =	ssyncset.s32 $0xFFFFF086  }
0x25: {  	[simem:s6], [sflag:s4] =	dma.local [hbm:s3], $0xF7A  }
0x26: {  	[smem:$0x3F8F] =	sst s1;
	(tag) =	ssettag s2;
	_ =	strace s9  }
0x27: {  	s1 =	sld [smem:$0x3F9F]  }
0x28: {  	s2 =	sld [smem:$0x3FA0]  }
0x29: {  	s4 =	sld [smem:$0x3FA2]  }
0x2a: {  	p0 =	seq.s32 s5, $0x0;
	s5 =	sld [smem:$0x3FA3]  }
0x2b: {  	s6 =	sld [smem:$0x3FA4]  }
0x2c: {  	s7 =	sld [smem:$0x3FA5]  }
0x2d: {  	s3 =	simm.s32 $0x108;
	s8 =	sld [smem:$0x3FA6]  }
0x2e: {  	s3 =	simm.s32 @!p0 $0x1082;
	s9 =	sld [smem:$0x3FA7]  }
0x2f: {  	lr =	sadd.s32 s0, s3;
	s0 =	sld [smem:$0x3F9E]  }
0x30: {  	s3 =	sld [smem:$0x3FA1]  }
0x31: {  	[smem:$0x3FAA] =	sst s10  }
0x32: {  	s10 =	sld [smem:$0x3FA8];
	_ =	sdelay $0x3  }
0x33: {  	p0 =	seq.s32 s10, $0x1;
	s10 =	sld [smem:$0x3FAA];
	_ =	sdelay $0x3  }
0x34: {  	[smem:$0x3FAA] =	sst s10  }
0x35: {  	s10 =	sld [smem:$0x3FA9];
	_ =	sdelay $0x3  }
0x36: {  	p1 =	seq.s32 s10, $0x1;
	s10 =	sld [smem:$0x3FAA];
	_ =	sdelay $0x3  }
0x37: {  	[smem:$0x3FAA] =	sst s10  }
0x38: {  	s10 =	sld [smem:$0x3FAB]  }
0x39: {  	_ = 	snop;
	(pc) =	sbr.ind lr, $3  }
0x3a: {  	_ = 	snop  }
0x3b: {  	_ = 	snop  }
0x3c: {  	p2 =	seq.s32 s10, $0x1;
	s10 =	sld [smem:$0x3FAA]  }
0x3d: {  	_ =	shalt  }
0x3e: {  	_ =	shalt  }
0x3f: {  	_ =	shalt  }
0x40: {  	_ =	shalt  }
0x41: {  	_ =	shalt  }
0x42: {  	_ =	shalt  }
0x43: {  	_ =	shalt  }
0x44: {  	_ =	shalt  }
0x45: {  	_ =	shalt  }
0x46: {  	_ =	shalt  }
0x47: {  	_ =	shalt  }
0x48: {  	_ =	shalt  }
0x49: {  	_ =	shalt  }
0x4a: {  	_ =	shalt  }
0x4b: {  	_ =	shalt  }
0x4c: {  	_ =	shalt  }
0x4d: {  	_ =	shalt  }
0x4e: {  	_ =	shalt  }
0x4f: {  	_ =	shalt  }
0x50: {  	_ =	shalt  }
0x51: {  	_ =	shalt  }
0x52: {  	_ =	shalt  }
0x53: {  	_ =	shalt  }
0x54: {  	_ =	shalt  }
0x55: {  	_ =	shalt  }
0x56: {  	_ =	shalt  }
0x57: {  	_ =	shalt  }
0x58: {  	_ =	shalt  }
0x59: {  	_ =	shalt  }
0x5a: {  	_ =	shalt  }
0x5b: {  	_ =	shalt  }
0x5c: {  	_ =	shalt  }
0x5d: {  	_ =	shalt  }
0x5e: {  	_ =	shalt  }
0x5f: {  	_ =	shalt  }
0x60: {  	_ =	shalt  }
0x61: {  	_ =	shalt  }
0x62: {  	_ =	shalt  }
0x63: {  	_ =	shalt  }
0x64: {  	_ =	shalt  }
0x65: {  	_ =	shalt  }
0x66: {  	_ =	shalt  }
0x67: {  	_ =	shalt  }
0x68: {  	_ =	shalt  }
0x69: {  	_ =	shalt  }
0x6a: {  	_ =	shalt  }
0x6b: {  	_ =	shalt  }
0x6c: {  	_ =	shalt  }
0x6d: {  	_ =	shalt  }
0x6e: {  	_ =	shalt  }
0x6f: {  	_ =	shalt  }
0x70: {  	_ =	shalt  }
0x71: {  	_ =	shalt  }
0x72: {  	_ =	shalt  }
0x73: {  	_ =	shalt  }
0x74: {  	_ =	shalt  }
0x75: {  	_ =	shalt  }
0x76: {  	_ =	shalt  }
0x77: {  	_ =	shalt  }
0x78: {  	_ =	shalt  }
0x79: {  	_ =	shalt  }
0x7a: {  	_ =	shalt  }
0x7b: {  	_ =	shalt  }
0x7c: {  	_ =	shalt  }
0x7d: {  	_ =	shalt  }
0x7e: {  	_ =	shalt  }
0x7f: {  	_ =	shalt  }
0x80: {  	_ =	shalt  }
0x81: {  	_ =	shalt  }
0x82: {  	_ =	shalt  }
0x83: {  	_ =	shalt  }
0x84: {  	_ =	shalt  }
0x85: {  	_ =	shalt  }
0x86: {  	_ =	shalt  }
0x87: {  	_ =	shalt  }
.Lfunc_end0:
.L_simem_size_0:
called_computation.3_lowered:
.L_overlay_start_0:
0x88: {  	s2 =	sld [smem:$0x3FD9]  }
0x89: {  	s3 =	sld [smem:$0x3FFE];
	_ =	sdelay $0x1  }
0x8a: {  	s1 =	srdreg.scid  }
0x8b: {  	s0 =	sand.u32 $0x1, s1  }
0x8c: {  	s16 =	sshll.u32 s0, $0xA;
	s2 =	sadd.s32 s3, s2  }
0x8d: {  	s2 =	sadd.s32 s2, s16  }
0x8e: {  	[smem:$0x3FB6] =	sst s2  }
0x8f: {  	_ = 	snop  }
0x90: {  	(tm) =	ssettm $0x1  }
0x91: {  	s17 =	sld [smem:$0x3FFB];
	_ =	sdelay $0x3  }
0x92: {  	_ =	strace s17  }
0x93: {  	s2 =	sld [smem:$0x3FFC];
	_ =	sdelay $0x3  }
0x94: {  	_ =	strace s2  }
0x95: {  	s2 =	sld [smem:$0x3FFD];
	_ =	sdelay $0x3  }
0x96: {  	_ =	strace s2  }
0x97: {  	_ =	strace $0x8FFFFFFF  }
0x98: {  	s18 =	sld [smem:$0x3FDB];
	_ =	sdelay $0x1  }
0x99: {  	s19 =	simm.s32 $_scs_section_size  }
0x9a: {  	s4 =	simm.s32 $_size__tile_overlayer_lowered;
	s5 =	simm.s32 $_tile_overlayer_lowered  }
0x9b: {  	s22 =	simm.s32 $0x1BFF;
	s21 =	sshll.u32 s5, $0x1;
	s2 =	sadd.s32 s19, s18  }
0x9c: {  	s6 =	simm.s32 $0x0;
	s20 =	sshll.u32 s4, $0x1;
	s4 =	sadd.s32 s21, s2  }
0x9d: {  	[timem:s6], [sflag:s22] =	dma.local [hbm:s4], s20  }
0x9e: {  	_ =	swait.ge [sflag:s22], s20  }
0x9f: {  	s3 =	ssub.s32 $0x0, s20;
	[sflag:s22] =	ssyncset.done $0x0  }
0xa0: {  	[sflag:s22] =	ssyncadd.s32 s3;
	_ =	sdelay $0x1  }
0xa1: {  	s23 =	simm.s32 $0x1B8B  }
0xa2: {  	_ =	swait.ge [sflag:s23], $0x1  }
0xa3: {  	[sflag:s23] =	ssyncset.done $0x0  }
0xa4: {  	s25 =	simm.s32 $0x1B8E;
	s24 =	sld [smem:$0x3FFE];
	[sflag:s23] =	ssyncadd.s32 $0xFFFFFFFF  }
0xa5: {  	s26 =	simm.s32 $execute0_lowered;
	[smem:$0x3FD2] =	sst s25  }
0xa6: {  	s4 =	sshll.u32 s26, $0x1;
	_ =	strace $0x8000004F;
	[dreg:$0x1] =	wrdreg $0xFFFFFFFF  }
0xa7: {  	s28 =	simm.s32 $_size_execute0_lowered;
	s2 =	sadd.s32 s2, s4;
	[dreg:$0x0] =	wrdreg $0x0  }
0xa8: {  	s4 =	sshll.u32 s28, $0x1;
	[dreg:$0x2] =	wrdreg s2  }
0xa9: {  	[dreg:$0x3] =	wrdreg s4  }
0xaa: {  	[dreg:$0x4] =	wrdreg $0xC0  }
0xab: {  	_ =	task [dreg:s6], $0x5FFFF  }
0xac: {  	[dreg:$0x1] =	wrdreg $0xFFFFFFFF  }
0xad: {  	[dreg:$0x0] =	wrdreg $0x60  }
0xae: {  	[dreg:$0x2] =	wrdreg s24  }
0xaf: {  	[dreg:$0x3] =	wrdreg $0x94000  }
0xb0: {  	[dreg:$0x4] =	wrdreg $0x9  }
0xb1: {  	_ =	task.clear_ibuf [dreg:s6], $0x5FFFF;
	_ =	strace $0x9000004F  }
0xb2: {  	s29 =	simm.s32 $0x9;
	_ =	strace $0x80000051  }
0xb3: {  	_ =	swait.ge [sflag:s29], $0x1  }
0xb4: {  	[sflag:s29] =	ssyncadd.s32 $0xFFFFFFFF  }
0xb5: {  	_ =	strace $0x90000051  }
0xb6: {  	_ =	sfence  }
0xb7: {  	s30 =	sld [smem:$0x0];
	_ =	sdelay $0x2  }
0xb8: {  	s31 =	sshll.u32 s1, $0xD;
	s1 =	sshrl.u32 s1, $0x2  }
0xb9: {  	s3 =	sand.u32 $0x4000, s31;
	s1 =	sadd.s32 s1, s30  }
0xba: {  	s0 =	sor.u32 s3, s0;
	s1 =	sshll.u32 s1, $0x11  }
0xbb: {  	s0 =	sor.u32 s1, s0  }
0xbc: {  	s0 =	sadd.s32 $0x8F2B, s0  }
0xbd: {  	[sflag:s0] =	ssyncadd.remote.s32 $0x1  }
0xbe: {  	_ =	sfence.sel $0xFFFF  }
0xbf: {  	[dreg:$0x0] =	wrdreg $0xFFFFFFFF;
	(pc) =	sbr.abs _section_cstart, $3  }
0xc0: {  	[dreg:$0x1] =	wrdreg $0xFFFFFFFF  }
0xc1: {  	_ =	task.clear_ibuf [dreg:s6], $0x2FFFF;
	_ =	strace $0x9FFFFFFF  }
0xc2: {  	(tm) =	ssettm $0x7FFFFFFF  }
0xc3: {  	_ =	shalt  }
tec
execute0_lowered:
.L_overlay_start_1:
0x0: {  	(tag) =	ssettag $0x1  }
0x1: {  	s0 =	srdreg.scid;
	s4 =	rddreg [dreg:$0x0]  }
0x2: {  	s2 =	rddreg [dreg:$0x1];
	s1 =	stileid.u32  }
0x3: {  	s3 =	simm.s32 $0x0;
	s15 =	simm.s32 $0x5400;
	s16 =	simm.s32 $0x80  }
0x4: {  	s17 =	simm.s32 $0x2;
	s18 =	simm.s32 $0x1300;
	s19 =	simm.s32 $0x1380  }
0x5: {  	s5 =	sand.u32 $0x1, s0;
	s0 =	rddreg [dreg:$0x2];
	s20 =	smul.u32 $0x2780, s1  }
0x6: {  	[smem:$0x7FF] =	sst s3;
	s8 =	sadd.s32 $0xBA400, s4;
	s12 =	smul.u32 $0x4F000, s1  }
0x7: {  	s14 =	smul.u32 $0x13880, s1;
	s31 =	sshll.u32 s1, $0x6;
	s6 =	sshll.u32 s5, $0x4  }
0x8: {  	_ =	strace $0x80000050;
	s9 =	smul.u32 $0x27800, s5;
	s11 =	ssub.s32 $0x2, s5  }
0x9: {  	s28 =	smul.u32 $0x138800, s5;
	s6 =	sor.u32 s1, s6;
	s10 =	sadd.s32 s20, s4  }
0xa: {  	s26 =	sshrl.u32 s11, $0x1;
	s12 =	sshrl.u32 s12, $0x2;
	s7 =	smul.u32 $0x280, s6  }
0xb: {  	s9 =	sadd.s32 s9, s4;
	s13 =	smul.u32 $0x13880, s6;
	s11 =	ssub.s32 s11, s26  }
0xc: {  	s6 =	smul.u32 $0x9C400, s6;
	s12 =	sadd.s32 s12, s2;
	s5 =	sadd.s32 $0x3D800, s10  }
0xd: {  	s21 =	sadd.s32 $0x65000, s9;
	s12 =	sshrl.u32 s12, $0x3;
	s7 =	sadd.s32 s7, s4  }
0xe: {  	s29 =	sshrl.u32 s6, $0x3;
	s6 =	sadd.s32 s8, s13;
	s13 =	simm.s32 $0x1400  }
0xf: {  	s20 =	sadd.s32 s20, s21;
	s21 =	simm.s32 $0x0;
	s10 =	sadd.s32 s8, s29  }
0x10: {  	s4 =	sadd.s32 $0x7000, s7;
	s8 =	sadd.s32 s28, s8;
	s7 =	sadd.s32 $0x13800, s10  }
0x11: {  	s30 =	sadd.s32 s14, s8;
	s8 =	smax.u32 s11, $0x1;
	s10 =	simm.s32 $0x3  }
0x12: {  	s11 =	sor.u32 $0x1C03, s31;
	s14 =	simm.s32 $0x1;
	s9 =	sadd.s32 $0x1000, s30  }
.LBB2_1:
0x13: {  	[tilespmem:s3], [sflag:$0x3] =	stream.linear.gather [hbm4b:s4+s3], $0x1400, $0x38;
	[tilespmem:$0x1D000] =	vst v63  }
0x14: {  	_ =	swait.ge [sflag:s10], $0x1400  }
0x15: {  	[sflag:s10] =	ssyncset.done $0x0  }
0x16: {  	[sflag:s10] =	ssyncadd.s32 $0xFFFFEC00  }
0x17: {  	[spmem:s12], [sflag:s11] =	dma.local [hbm:s5], $0x2780  }
0x18: {  	_ =	swait.ge [sflag:s10], $0x2780  }
0x19: {  	[sflag:s10] =	ssyncset.done $0x0  }
0x1a: {  	[sflag:s10] =	ssyncadd.s32 $0xFFFFD880  }
0x1b: {  	[bflag:$0x0] =	sbarrier.arrive $0xFFFF  }
0x1c: {  	[tilespmem:s13], [sflag:$0x1] =	stream.linear.gather [hbm4b:s6+s3], $0x4000, $0x38;
	[tilespmem:$0x1D000] =	vst v63  }
0x1d: {  	_ =	swait.ge [sflag:s14], $0x4000  }
0x1e: {  	[sflag:s14] =	ssyncset.done $0x0  }
0x1f: {  	s22 =	sadd.s32 $0xFFFFF800, s9;
	[sflag:s14] =	ssyncadd.s32 $0xFFFFC000  }
0x20: {  	[tilespmem:s15], [sflag:$0x2] =	stream.linear.gather [hbm4b:s22+s3], $0x4000, $0x38;
	[tilespmem:$0x1D000] =	vst v63  }
0x21: {  	s30 =	simm.s32 $0x0  }
0x22: {  	[spmem:s2] =	stream.indirect.scatter.add.f32 [tilespmem:s13], [sflag:$0x3], $0x80, s30, s16, $0xb8;
	[tilespmem:$0x1D000] =	vst v63  }
0x23: {  	_ =	swait.ge [sflag:s10], $0x4000  }
0x24: {  	[sflag:s10] =	ssyncset.done $0x0  }
0x25: {  	[sflag:s10] =	ssyncadd.s32 $0xFFFFC000  }
0x26: {  	_ =	swait.ge [sflag:s17], $0x4000  }
0x27: {  	[sflag:s17] =	ssyncset.done $0x0  }
0x28: {  	[sflag:s17] =	ssyncadd.s32 $0xFFFFC000  }
0x29: {  	[tilespmem:s13], [sflag:$0x1] =	stream.linear.gather [hbm4b:s9+s3], $0x4000, $0x38;
	[tilespmem:$0x1D000] =	vst v63  }
0x2a: {  	s31 =	simm.s32 $0x80  }
0x2b: {  	[spmem:s2] =	stream.indirect.scatter.add.f32 [tilespmem:s15], [sflag:$0x3], $0x80, s31, s16, $0xb8;
	[tilespmem:$0x1D000] =	vst v63  }
0x2c: {  	_ =	swait.ge [sflag:s10], $0x4000  }
0x2d: {  	s23 =	smov.u32 s9;
	s22 =	simm.s32 $0x400;
	[sflag:s10] =	ssyncset.done $0x0  }
.LBB2_2:
0x2e: {  	p0 =	sne.s32 s22, $0x4800;
	[sflag:s10] =	ssyncadd.s32 $0xFFFFC000;
	s23 =	sadd.s32 $0x1000, s23  }
0x2f: {  	s24 =	smov.u32 s22;
	s22 =	sadd.s32 $0x400, s22  }
0x30: {  	_ =	swait.ge [sflag:s14], $0x4000  }
0x31: {  	[sflag:s14] =	ssyncset.done $0x0  }
0x32: {  	s25 =	sadd.s32 $0xFFFFF800, s23;
	[sflag:s14] =	ssyncadd.s32 $0xFFFFC000  }
0x33: {  	[tilespmem:s15], [sflag:$0x2] =	stream.linear.gather [hbm4b:s25+s3], $0x4000, $0x38;
	[tilespmem:$0x1D000] =	vst v63  }
0x34: {  	s24 =	sshra.s32 s24, $0x2  }
0x35: {  	[spmem:s2] =	stream.indirect.scatter.add.f32 [tilespmem:s13], [sflag:$0x3], $0x80, s24, s16, $0xb8;
	[tilespmem:$0x1D000] =	vst v63  }
0x36: {  	_ =	swait.ge [sflag:s10], $0x4000  }
0x37: {  	[sflag:s10] =	ssyncset.done $0x0  }
0x38: {  	[sflag:s10] =	ssyncadd.s32 $0xFFFFC000  }
0x39: {  	_ =	swait.ge [sflag:s17], $0x4000  }
0x3a: {  	[sflag:s17] =	ssyncset.done $0x0  }
0x3b: {  	[sflag:s17] =	ssyncadd.s32 $0xFFFFC000  }
0x3c: {  	[tilespmem:s13], [sflag:$0x1] =	stream.linear.gather [hbm4b:s23+s3], $0x4000, $0x38;
	[tilespmem:$0x1D000] =	vst v63  }
.Ltmp0:
0x3d: {  	_ = 	snop;
	(pc) =	sbr.rel @p0 .LBB2_2-.Ltmp0, $4  }
0x3e: {  	s24 =	sadd.s32 $0x80, s24  }
0x3f: {  	[spmem:s2] =	stream.indirect.scatter.add.f32 [tilespmem:s15], [sflag:$0x3], $0x80, s24, s16, $0xb8;
	[tilespmem:$0x1D000] =	vst v63  }
0x40: {  	_ =	swait.ge [sflag:s10], $0x4000  }
0x41: {  	[sflag:s10] =	ssyncset.done $0x0  }
0x42: {  	[sflag:s10] =	ssyncadd.s32 $0xFFFFC000  }
0x43: {  	_ =	swait.ge [sflag:s14], $0x4000  }
0x44: {  	[sflag:s14] =	ssyncset.done $0x0  }
0x45: {  	[sflag:s14] =	ssyncadd.s32 $0xFFFFC000  }
0x46: {  	[spmem:s2] =	stream.indirect.scatter.add.f32 [tilespmem:s13], [sflag:$0x3], $0x80, s18, s16, $0xb8;
	[tilespmem:$0x1D000] =	vst v63  }
0x47: {  	_ =	swait.ge [sflag:s10], $0x4000  }
0x48: {  	[sflag:s10] =	ssyncset.done $0x0  }
0x49: {  	[sflag:s10] =	ssyncadd.s32 $0xFFFFC000  }
0x4a: {  	[tilespmem:s15], [sflag:$0x3] =	stream.linear.gather [hbm4b:s7+s3], $0x400, $0x38;
	[tilespmem:$0x1D000] =	vst v63  }
0x4b: {  	_ =	swait.ge [sflag:s10], $0x400  }
0x4c: {  	[sflag:s10] =	ssyncset.done $0x0  }
0x4d: {  	[sflag:s10] =	ssyncadd.s32 $0xFFFFFC00  }
0x4e: {  	[spmem:s2] =	stream.indirect.scatter.add.f32 [tilespmem:s15], [sflag:$0x3], $0x80, s19, s16, $0xb8;
	[tilespmem:$0x1D000] =	vst v63  }
0x4f: {  	_ =	swait.ge [sflag:s10], $0x4000  }
0x50: {  	s21 =	sadd.s32 $0x1, s21;
	[sflag:s10] =	ssyncset.done $0x0  }
0x51: {  	p0 =	sne.s32 s21, s8;
	[sflag:s10] =	ssyncadd.s32 $0xFFFFC000  }
.Ltmp1:
0x52: {  	[bflag:$0x0] =	sbarrier.arrive $0xFFFF;
	(pc) =	sbr.rel @p0 .LBB2_1-.Ltmp1, $4  }
0x53: {  	[hbm:s20], [sflag:s11] =	dma.local [spmem:s12], $0x2780  }
0x54: {  	_ =	swait.ge [sflag:s10], $0x2780  }
0x55: {  	[sflag:s10] =	ssyncset.done $0x0  }
0x56: {  	[sflag:s10] =	ssyncadd.s32 $0xFFFFD880  }
0x57: {  	_ =	sfence.sel $0x180000  }
0x58: {  	[bflag:$0x0] =	sbarrier.arrive $0xFFFF  }
0x59: {  	p0 =	sne.s32 s1, $0x0;
	_ =	strace $0x90000050  }
0x5a: {  	s0 =	sadd.s32 @!p0 $0x100000, s0;
	[bflag:$0x2] =	sbarrier.arrive $0xFFFF  }
0x5b: {  	[sflag:s0] =	ssyncadd.tile.s32 @!p0 $0x1;
	_ =	shalt  }
.Lfunc_end2:
_tile_overlayer_lowered:
.L_overlay_start_2:
0x5c: {  	(tag) =	ssettag $0x2  }
0x5d: {  	s0 =	rddreg [dreg:$0x0];
	s2 =	stileid.u32  }
0x5e: {  	s1 =	rddreg [dreg:$0x1];
	p0 =	sne.s32 s2, $0x0  }
0x5f: {  	s3 =	rddreg [dreg:$0x2];
	[bflag:$0x3] =	sbarrier.arrive $0xFFFF;
	s2 =	simm.s32 @!p0 $0x1C03  }
0x60: {  	[timem:s3], [sflag:s2] =	dma.local @!p0 [hbm:s0], s1  }
0x61: {  	s0 =	simm.s32 @!p0 $0x3  }
0x62: {  	_ =	swait.ge @!p0 [sflag:s0], s1  }
0x63: {  	s1 =	ssub.s32 @!p0 $0x0, s1;
	[sflag:s0] =	ssyncset.done @!p0 $0x0  }
0x64: {  	[sflag:s0] =	ssyncadd.s32 @!p0 s1  }
0x65: {  	[bflag:$0x3] =	sbarrier.arrive $0xFFFF  }
0x66: {  	_ =	shalt  }

</sc_bundles>
